<compile_context>
chip_gen: v7x
topology: tpu7x:2x2x1
jax: 0.10.2.dev20260603
libtpu: 0.0.44.dev20260713+nightly
codegen_flags: <defaults>
</compile_context>

<pallas_src>
import functools

import jax
import jax.numpy as jnp
from jax import lax
from jax.experimental import pallas as pl
from jax.experimental.pallas import tpu as pltpu
from jax.experimental.pallas import tpu_sc as plsc

NC = 2
NS = 16
NW = NC * NS

D = 64
S_LOG = 50
S_PAD = 56
D_PAD = 128
NB = 2
NBUF = 8


@functools.partial(jax.jit, static_argnums=(2,))
def _gather(weight, idx, Bm):
    b_per_w = Bm // NW
    n_chunks = b_per_w // NB
    CI = NB * S_LOG
    mesh = plsc.VectorSubcoreMesh(
        core_axis_name="c", subcore_axis_name="s", num_cores=NC, num_subcores=NS
    )

    @functools.partial(
        pl.kernel,
        out_type=jax.ShapeDtypeStruct((Bm, S_PAD, D_PAD), jnp.float32),
        mesh=mesh,
        scratch_types=[
            pltpu.VMEM((n_chunks, CI), jnp.int32),
            pltpu.VMEM((NBUF, CI, D), jnp.float32),
            pltpu.SemaphoreType.DMA((NBUF,)),
            pltpu.SemaphoreType.DMA((NBUF,)),
        ],
        compiler_params=pltpu.CompilerParams(use_tc_tiling_on_sc=False),
    )
    def body(weight_hbm, idx_hbm, out_hbm, idx_v, bufs, gsem, wsem):
        wid = lax.axis_index("s") * NC + lax.axis_index("c")
        base = wid * b_per_w

        def gather_start(j, b):
            pltpu.async_copy(weight_hbm.at[idx_v.at[j]], bufs.at[b], gsem.at[b])

        def gather_wait(j, b):
            pltpu.make_async_copy(
                weight_hbm.at[idx_v.at[j]], bufs.at[b], gsem.at[b]
            ).wait()

        def wb_start(j, b):
            for k in range(NB):
                pltpu.async_copy(
                    bufs.at[b, pl.ds(k * S_LOG, S_LOG)],
                    out_hbm.at[base + j * NB + k, pl.ds(0, S_LOG), pl.ds(0, D)],
                    wsem.at[b],
                )

        def wb_wait(j, b):
            for k in range(NB):
                pltpu.make_async_copy(
                    bufs.at[b, pl.ds(k * S_LOG, S_LOG)],
                    out_hbm.at[base + j * NB + k, pl.ds(0, S_LOG), pl.ds(0, D)],
                    wsem.at[b],
                ).wait()

        pltpu.sync_copy(idx_hbm.at[wid], idx_v)
        for b in range(NBUF):
            gather_start(b, b)

        @pl.loop(0, n_chunks - NBUF, step=NBUF)
        def _(j0):
            for b in range(NBUF):
                j = j0 + b
                gather_wait(j, b)
                wb_start(j, b)
                wb_wait(j, b)
                gather_start(j + NBUF, b)

        for b in range(NBUF):
            jlast = n_chunks - NBUF + b
            gather_wait(jlast, b)
            wb_start(jlast, b)
        for b in range(NBUF):
            jlast = n_chunks - NBUF + b
            wb_wait(jlast, b)

    idx3 = idx.reshape(NW, n_chunks, CI)
    return body(weight, idx3)


def kernel(input_, weight):
    Bm, S = input_.shape
    idx = input_.reshape(Bm * S).astype(jnp.int32)
    out5 = _gather(weight, idx, Bm)
    return out5[:, :S_LOG, :D]

# --- scband reference (transcript-rebuilt; emitter-appended) ---
"""Pipeline reference for scband-embedding1-d-77618648973899 (READ-ONLY COPY).

The authoritative reference and input builder live on the scoring server;
editing this copy changes nothing except your own understanding.
"""

import jax, jax.numpy as jnp
import numpy as np

NUM_EMBEDDINGS = 1000000
EMBEDDING_DIM = 64
VOCAB_START = 0
VOCAB_END = NUM_EMBEDDINGS


def setup_inputs(seed: int = 0) -> dict:
    key = jax.random.key(seed)
    k_idx, k_w = jax.random.split(key)
    input_ = jax.random.randint(k_idx, (16384, 50), 0, NUM_EMBEDDINGS, dtype=jnp.int64 if jax.config.jax_enable_x64 else jnp.int32)
    weight = jax.random.normal(k_w, (NUM_EMBEDDINGS, EMBEDDING_DIM), dtype=jnp.float32) * 0.02
    return {"input_": input_, "weight": weight}


def reference(input_, weight):
    # Embedding1D.forward with a single tensor-parallel shard (all-reduce is identity).
    input_mask = (input_ < VOCAB_START) | (input_ >= VOCAB_END)
    masked_input = input_ - VOCAB_START
    masked_input = jnp.where(input_mask, 0, masked_input)
    output_parallel = jnp.take(weight, masked_input, axis=0)  # F.embedding
    output_parallel = jnp.where(input_mask[..., None], 0.0, output_parallel)
    return output_parallel

if __name__ == "__main__":
    import jax
    _d = setup_inputs()
    print(jax.jit(kernel)(*tuple(_d.values())))

</pallas_src>

<mosaic_0001>
#map = affine_map<(d0, d1) -> (0, 0)>
#map1 = affine_map<(d0, d1) -> (0, 0, 0)>
module attributes {stable_mosaic.version = 14 : i64} {
  func.func @body(%arg0: i32, %arg1: i32, %arg2: memref<1000000x64xf32, #tpu.memory_space<hbm>>, %arg3: memref<32x256x100xi32, #tpu.memory_space<hbm>>, %arg4: memref<16384x56x128xf32, #tpu.memory_space<hbm>>, %arg5: memref<256x100xi32, #tpu.memory_space<vmem>>, %arg6: memref<8x100x64xf32, #tpu.memory_space<vmem>>, %arg7: memref<8x!tpu.dma_semaphore, #tpu.memory_space<semaphore_mem>>, %arg8: memref<8x!tpu.dma_semaphore, #tpu.memory_space<semaphore_mem>>) attributes {dimension_semantics = [#tpu.dimension_semantics<core_parallel>, #tpu.dimension_semantics<subcore_parallel>], iteration_bounds = array<i64: 2, 16>, scalar_prefetch = 0 : i64, scratch_operands = 4 : i64, tpu.core_type = #tpu.core_type<sc_vector_subcore>, window_params = [{transform_indices = #map}, {transform_indices = #map1}, {transform_indices = #map1}]} {
    %mul3A = arith.constant 2 : i32
    %mul3A_0 = arith.muli %arg1, %mul3A : i32
    %add3A = arith.addi %mul3A_0, %arg0 : i32
    %mul3A_1 = arith.constant 512 : i32
    %mul3A_2 = arith.muli %add3A, %mul3A_1 : i32
    "tpu.region"() ({
      %run_scoped3A = tpu.sem_alloc : memref<!tpu.dma_semaphore, #tpu.memory_space<semaphore_mem>>
      %dma_start3A_1013 = arith.constant 0 : i32
      %dma_start3A_1014 = arith.constant 0 : i32
      %dma_start3A_1015 = tpu.memref_slice %arg3[%add3A, %dma_start3A_1013, %dma_start3A_1014] : memref<32x256x100xi32, #tpu.memory_space<hbm>> -> memref<1x256x100xi32, #tpu.memory_space<hbm>>
      %dma_start3A_1016 = tpu.memref_squeeze %dma_start3A_1015 : memref<1x256x100xi32, #tpu.memory_space<hbm>> -> memref<256x100xi32, #tpu.memory_space<hbm>>
      %dma_start3A_1017 = arith.constant 0 : i32
      %dma_start3A_1018 = arith.constant 0 : i32
      %dma_start3A_1019 = tpu.memref_slice %arg3[%add3A, %dma_start3A_1017, %dma_start3A_1018] : memref<32x256x100xi32, #tpu.memory_space<hbm>> -> memref<1x256x100xi32, #tpu.memory_space<hbm>>
      %dma_start3A_1020 = tpu.memref_squeeze %dma_start3A_1019 : memref<1x256x100xi32, #tpu.memory_space<hbm>> -> memref<256x100xi32, #tpu.memory_space<hbm>>
      tpu.enqueue_dma source(%dma_start3A_1020 : memref<256x100xi32, #tpu.memory_space<hbm>>) target(%arg5 : memref<256x100xi32, #tpu.memory_space<vmem>>) target_semaphore(%run_scoped3A : memref<!tpu.dma_semaphore, #tpu.memory_space<semaphore_mem>>)
      %dma_wait3A_1021 = arith.constant 0 : i32
      %dma_wait3A_1022 = arith.constant 0 : i32
      %dma_wait3A_1023 = tpu.memref_slice %arg3[%add3A, %dma_wait3A_1021, %dma_wait3A_1022] : memref<32x256x100xi32, #tpu.memory_space<hbm>> -> memref<1x256x100xi32, #tpu.memory_space<hbm>>
      %dma_wait3A_1024 = tpu.memref_squeeze %dma_wait3A_1023 : memref<1x256x100xi32, #tpu.memory_space<hbm>> -> memref<256x100xi32, #tpu.memory_space<hbm>>
      %dma_wait3A_1025 = arith.constant 0 : i32
      %dma_wait3A_1026 = arith.constant 0 : i32
      %dma_wait3A_1027 = tpu.memref_slice %arg3[%add3A, %dma_wait3A_1025, %dma_wait3A_1026] : memref<32x256x100xi32, #tpu.memory_space<hbm>> -> memref<1x256x100xi32, #tpu.memory_space<hbm>>
      %dma_wait3A_1028 = tpu.memref_squeeze %dma_wait3A_1027 : memref<1x256x100xi32, #tpu.memory_space<hbm>> -> memref<256x100xi32, #tpu.memory_space<hbm>>
      tpu.wait_dma2 semaphore(%run_scoped3A : memref<!tpu.dma_semaphore, #tpu.memory_space<semaphore_mem>>) src(%dma_wait3A_1028 : memref<256x100xi32, #tpu.memory_space<hbm>>) dst(%arg5 : memref<256x100xi32, #tpu.memory_space<vmem>>)
      tpu.yield
    }) : () -> ()
    %dma_start3A = arith.constant 0 : i32
    %dma_start3A_3 = arith.constant 0 : i32
    %dma_start3A_4 = arith.constant 0 : i32
    %dma_start3A_5 = arith.constant 0 : i32
    %dma_start3A_6 = arith.constant 0 : i32
    %dma_start3A_7 = tpu.memref_slice %arg6[%dma_start3A_3, %dma_start3A_5, %dma_start3A_6] : memref<8x100x64xf32, #tpu.memory_space<vmem>> -> memref<1x100x64xf32, #tpu.memory_space<vmem>>
    %dma_start3A_8 = tpu.memref_squeeze %dma_start3A_7 : memref<1x100x64xf32, #tpu.memory_space<vmem>> -> memref<100x64xf32, #tpu.memory_space<vmem>>
    %dma_start3A_9 = arith.constant 0 : i32
    %dma_start3A_10 = tpu.memref_slice %arg5[%dma_start3A, %dma_start3A_9] : memref<256x100xi32, #tpu.memory_space<vmem>> -> memref<1x100xi32, #tpu.memory_space<vmem>>
    %dma_start3A_11 = tpu.memref_squeeze %dma_start3A_10 : memref<1x100xi32, #tpu.memory_space<vmem>> -> memref<100xi32, #tpu.memory_space<vmem>>
    %dma_start3A_12 = arith.constant 0 : i32
    %dma_start3A_13 = arith.constant 0 : i32
    %dma_start3A_14 = tpu.memref_slice %arg2[%dma_start3A_12, %dma_start3A_13] : memref<1000000x64xf32, #tpu.memory_space<hbm>> -> memref<1000000x64xf32, #tpu.memory_space<hbm>>
    %dma_start3A_15 = tpu.memref_slice %arg7[%dma_start3A_4] : memref<8x!tpu.dma_semaphore, #tpu.memory_space<semaphore_mem>> -> memref<1x!tpu.dma_semaphore, #tpu.memory_space<semaphore_mem>>
    %dma_start3A_16 = tpu.memref_squeeze %dma_start3A_15 : memref<1x!tpu.dma_semaphore, #tpu.memory_space<semaphore_mem>> -> memref<!tpu.dma_semaphore, #tpu.memory_space<semaphore_mem>>
    tpu.enqueue_indirect_dma source(%dma_start3A_14 : memref<1000000x64xf32, #tpu.memory_space<hbm>>) target(%dma_start3A_8 : memref<100x64xf32, #tpu.memory_space<vmem>>) offsets(%dma_start3A_11 : memref<100xi32, #tpu.memory_space<vmem>>) semaphore(%dma_start3A_16 : memref<!tpu.dma_semaphore, #tpu.memory_space<semaphore_mem>>)
    %dma_start3A_17 = arith.constant 1 : i32
    %dma_start3A_18 = arith.constant 1 : i32
    %dma_start3A_19 = arith.constant 1 : i32
    %dma_start3A_20 = arith.constant 0 : i32
    %dma_start3A_21 = arith.constant 0 : i32
    %dma_start3A_22 = tpu.memref_slice %arg6[%dma_start3A_18, %dma_start3A_20, %dma_start3A_21] : memref<8x100x64xf32, #tpu.memory_space<vmem>> -> memref<1x100x64xf32, #tpu.memory_space<vmem>>
    %dma_start3A_23 = tpu.memref_squeeze %dma_start3A_22 : memref<1x100x64xf32, #tpu.memory_space<vmem>> -> memref<100x64xf32, #tpu.memory_space<vmem>>
    %dma_start3A_24 = arith.constant 0 : i32
    %dma_start3A_25 = tpu.memref_slice %arg5[%dma_start3A_17, %dma_start3A_24] : memref<256x100xi32, #tpu.memory_space<vmem>> -> memref<1x100xi32, #tpu.memory_space<vmem>>
    %dma_start3A_26 = tpu.memref_squeeze %dma_start3A_25 : memref<1x100xi32, #tpu.memory_space<vmem>> -> memref<100xi32, #tpu.memory_space<vmem>>
    %dma_start3A_27 = arith.constant 0 : i32
    %dma_start3A_28 = arith.constant 0 : i32
    %dma_start3A_29 = tpu.memref_slice %arg2[%dma_start3A_27, %dma_start3A_28] : memref<1000000x64xf32, #tpu.memory_space<hbm>> -> memref<1000000x64xf32, #tpu.memory_space<hbm>>
    %dma_start3A_30 = tpu.memref_slice %arg7[%dma_start3A_19] : memref<8x!tpu.dma_semaphore, #tpu.memory_space<semaphore_mem>> -> memref<1x!tpu.dma_semaphore, #tpu.memory_space<semaphore_mem>>
    %dma_start3A_31 = tpu.memref_squeeze %dma_start3A_30 : memref<1x!tpu.dma_semaphore, #tpu.memory_space<semaphore_mem>> -> memref<!tpu.dma_semaphore, #tpu.memory_space<semaphore_mem>>
    tpu.enqueue_indirect_dma source(%dma_start3A_29 : memref<1000000x64xf32, #tpu.memory_space<hbm>>) target(%dma_start3A_23 : memref<100x64xf32, #tpu.memory_space<vmem>>) offsets(%dma_start3A_26 : memref<100xi32, #tpu.memory_space<vmem>>) semaphore(%dma_start3A_31 : memref<!tpu.dma_semaphore, #tpu.memory_space<semaphore_mem>>)
    %dma_start3A_32 = arith.constant 2 : i32
    %dma_start3A_33 = arith.constant 2 : i32
    %dma_start3A_34 = arith.constant 2 : i32
    %dma_start3A_35 = arith.constant 0 : i32
    %dma_start3A_36 = arith.constant 0 : i32
    %dma_start3A_37 = tpu.memref_slice %arg6[%dma_start3A_33, %dma_start3A_35, %dma_start3A_36] : memref<8x100x64xf32, #tpu.memory_space<vmem>> -> memref<1x100x64xf32, #tpu.memory_space<vmem>>
    %dma_start3A_38 = tpu.memref_squeeze %dma_start3A_37 : memref<1x100x64xf32, #tpu.memory_space<vmem>> -> memref<100x64xf32, #tpu.memory_space<vmem>>
    %dma_start3A_39 = arith.constant 0 : i32
    %dma_start3A_40 = tpu.memref_slice %arg5[%dma_start3A_32, %dma_start3A_39] : memref<256x100xi32, #tpu.memory_space<vmem>> -> memref<1x100xi32, #tpu.memory_space<vmem>>
    %dma_start3A_41 = tpu.memref_squeeze %dma_start3A_40 : memref<1x100xi32, #tpu.memory_space<vmem>> -> memref<100xi32, #tpu.memory_space<vmem>>
    %dma_start3A_42 = arith.constant 0 : i32
    %dma_start3A_43 = arith.constant 0 : i32
    %dma_start3A_44 = tpu.memref_slice %arg2[%dma_start3A_42, %dma_start3A_43] : memref<1000000x64xf32, #tpu.memory_space<hbm>> -> memref<1000000x64xf32, #tpu.memory_space<hbm>>
    %dma_start3A_45 = tpu.memref_slice %arg7[%dma_start3A_34] : memref<8x!tpu.dma_semaphore, #tpu.memory_space<semaphore_mem>> -> memref<1x!tpu.dma_semaphore, #tpu.memory_space<semaphore_mem>>
    %dma_start3A_46 = tpu.memref_squeeze %dma_start3A_45 : memref<1x!tpu.dma_semaphore, #tpu.memory_space<semaphore_mem>> -> memref<!tpu.dma_semaphore, #tpu.memory_space<semaphore_mem>>
    tpu.enqueue_indirect_dma source(%dma_start3A_44 : memref<1000000x64xf32, #tpu.memory_space<hbm>>) target(%dma_start3A_38 : memref<100x64xf32, #tpu.memory_space<vmem>>) offsets(%dma_start3A_41 : memref<100xi32, #tpu.memory_space<vmem>>) semaphore(%dma_start3A_46 : memref<!tpu.dma_semaphore, #tpu.memory_space<semaphore_mem>>)
    %dma_start3A_47 = arith.constant 3 : i32
    %dma_start3A_48 = arith.constant 3 : i32
    %dma_start3A_49 = arith.constant 3 : i32
    %dma_start3A_50 = arith.constant 0 : i32
    %dma_start3A_51 = arith.constant 0 : i32
    %dma_start3A_52 = tpu.memref_slice %arg6[%dma_start3A_48, %dma_start3A_50, %dma_start3A_51] : memref<8x100x64xf32, #tpu.memory_space<vmem>> -> memref<1x100x64xf32, #tpu.memory_space<vmem>>
    %dma_start3A_53 = tpu.memref_squeeze %dma_start3A_52 : memref<1x100x64xf32, #tpu.memory_space<vmem>> -> memref<100x64xf32, #tpu.memory_space<vmem>>
    %dma_start3A_54 = arith.constant 0 : i32
    %dma_start3A_55 = tpu.memref_slice %arg5[%dma_start3A_47, %dma_start3A_54] : memref<256x100xi32, #tpu.memory_space<vmem>> -> memref<1x100xi32, #tpu.memory_space<vmem>>
    %dma_start3A_56 = tpu.memref_squeeze %dma_start3A_55 : memref<1x100xi32, #tpu.memory_space<vmem>> -> memref<100xi32, #tpu.memory_space<vmem>>
    %dma_start3A_57 = arith.constant 0 : i32
    %dma_start3A_58 = arith.constant 0 : i32
    %dma_start3A_59 = tpu.memref_slice %arg2[%dma_start3A_57, %dma_start3A_58] : memref<1000000x64xf32, #tpu.memory_space<hbm>> -> memref<1000000x64xf32, #tpu.memory_space<hbm>>
    %dma_start3A_60 = tpu.memref_slice %arg7[%dma_start3A_49] : memref<8x!tpu.dma_semaphore, #tpu.memory_space<semaphore_mem>> -> memref<1x!tpu.dma_semaphore, #tpu.memory_space<semaphore_mem>>
    %dma_start3A_61 = tpu.memref_squeeze %dma_start3A_60 : memref<1x!tpu.dma_semaphore, #tpu.memory_space<semaphore_mem>> -> memref<!tpu.dma_semaphore, #tpu.memory_space<semaphore_mem>>
    tpu.enqueue_indirect_dma source(%dma_start3A_59 : memref<1000000x64xf32, #tpu.memory_space<hbm>>) target(%dma_start3A_53 : memref<100x64xf32, #tpu.memory_space<vmem>>) offsets(%dma_start3A_56 : memref<100xi32, #tpu.memory_space<vmem>>) semaphore(%dma_start3A_61 : memref<!tpu.dma_semaphore, #tpu.memory_space<semaphore_mem>>)
    %dma_start3A_62 = arith.constant 4 : i32
    %dma_start3A_63 = arith.constant 4 : i32
    %dma_start3A_64 = arith.constant 4 : i32
    %dma_start3A_65 = arith.constant 0 : i32
    %dma_start3A_66 = arith.constant 0 : i32
    %dma_start3A_67 = tpu.memref_slice %arg6[%dma_start3A_63, %dma_start3A_65, %dma_start3A_66] : memref<8x100x64xf32, #tpu.memory_space<vmem>> -> memref<1x100x64xf32, #tpu.memory_space<vmem>>
    %dma_start3A_68 = tpu.memref_squeeze %dma_start3A_67 : memref<1x100x64xf32, #tpu.memory_space<vmem>> -> memref<100x64xf32, #tpu.memory_space<vmem>>
    %dma_start3A_69 = arith.constant 0 : i32
    %dma_start3A_70 = tpu.memref_slice %arg5[%dma_start3A_62, %dma_start3A_69] : memref<256x100xi32, #tpu.memory_space<vmem>> -> memref<1x100xi32, #tpu.memory_space<vmem>>
    %dma_start3A_71 = tpu.memref_squeeze %dma_start3A_70 : memref<1x100xi32, #tpu.memory_space<vmem>> -> memref<100xi32, #tpu.memory_space<vmem>>
    %dma_start3A_72 = arith.constant 0 : i32
    %dma_start3A_73 = arith.constant 0 : i32
    %dma_start3A_74 = tpu.memref_slice %arg2[%dma_start3A_72, %dma_start3A_73] : memref<1000000x64xf32, #tpu.memory_space<hbm>> -> memref<1000000x64xf32, #tpu.memory_space<hbm>>
    %dma_start3A_75 = tpu.memref_slice %arg7[%dma_start3A_64] : memref<8x!tpu.dma_semaphore, #tpu.memory_space<semaphore_mem>> -> memref<1x!tpu.dma_semaphore, #tpu.memory_space<semaphore_mem>>
    %dma_start3A_76 = tpu.memref_squeeze %dma_start3A_75 : memref<1x!tpu.dma_semaphore, #tpu.memory_space<semaphore_mem>> -> memref<!tpu.dma_semaphore, #tpu.memory_space<semaphore_mem>>
    tpu.enqueue_indirect_dma source(%dma_start3A_74 : memref<1000000x64xf32, #tpu.memory_space<hbm>>) target(%dma_start3A_68 : memref<100x64xf32, #tpu.memory_space<vmem>>) offsets(%dma_start3A_71 : memref<100xi32, #tpu.memory_space<vmem>>) semaphore(%dma_start3A_76 : memref<!tpu.dma_semaphore, #tpu.memory_space<semaphore_mem>>)
    %dma_start3A_77 = arith.constant 5 : i32
    %dma_start3A_78 = arith.constant 5 : i32
    %dma_start3A_79 = arith.constant 5 : i32
    %dma_start3A_80 = arith.constant 0 : i32
    %dma_start3A_81 = arith.constant 0 : i32
    %dma_start3A_82 = tpu.memref_slice %arg6[%dma_start3A_78, %dma_start3A_80, %dma_start3A_81] : memref<8x100x64xf32, #tpu.memory_space<vmem>> -> memref<1x100x64xf32, #tpu.memory_space<vmem>>
    %dma_start3A_83 = tpu.memref_squeeze %dma_start3A_82 : memref<1x100x64xf32, #tpu.memory_space<vmem>> -> memref<100x64xf32, #tpu.memory_space<vmem>>
    %dma_start3A_84 = arith.constant 0 : i32
    %dma_start3A_85 = tpu.memref_slice %arg5[%dma_start3A_77, %dma_start3A_84] : memref<256x100xi32, #tpu.memory_space<vmem>> -> memref<1x100xi32, #tpu.memory_space<vmem>>
    %dma_start3A_86 = tpu.memref_squeeze %dma_start3A_85 : memref<1x100xi32, #tpu.memory_space<vmem>> -> memref<100xi32, #tpu.memory_space<vmem>>
    %dma_start3A_87 = arith.constant 0 : i32
    %dma_start3A_88 = arith.constant 0 : i32
    %dma_start3A_89 = tpu.memref_slice %arg2[%dma_start3A_87, %dma_start3A_88] : memref<1000000x64xf32, #tpu.memory_space<hbm>> -> memref<1000000x64xf32, #tpu.memory_space<hbm>>
    %dma_start3A_90 = tpu.memref_slice %arg7[%dma_start3A_79] : memref<8x!tpu.dma_semaphore, #tpu.memory_space<semaphore_mem>> -> memref<1x!tpu.dma_semaphore, #tpu.memory_space<semaphore_mem>>
    %dma_start3A_91 = tpu.memref_squeeze %dma_start3A_90 : memref<1x!tpu.dma_semaphore, #tpu.memory_space<semaphore_mem>> -> memref<!tpu.dma_semaphore, #tpu.memory_space<semaphore_mem>>
    tpu.enqueue_indirect_dma source(%dma_start3A_89 : memref<1000000x64xf32, #tpu.memory_space<hbm>>) target(%dma_start3A_83 : memref<100x64xf32, #tpu.memory_space<vmem>>) offsets(%dma_start3A_86 : memref<100xi32, #tpu.memory_space<vmem>>) semaphore(%dma_start3A_91 : memref<!tpu.dma_semaphore, #tpu.memory_space<semaphore_mem>>)
    %dma_start3A_92 = arith.constant 6 : i32
    %dma_start3A_93 = arith.constant 6 : i32
    %dma_start3A_94 = arith.constant 6 : i32
    %dma_start3A_95 = arith.constant 0 : i32
    %dma_start3A_96 = arith.constant 0 : i32
    %dma_start3A_97 = tpu.memref_slice %arg6[%dma_start3A_93, %dma_start3A_95, %dma_start3A_96] : memref<8x100x64xf32, #tpu.memory_space<vmem>> -> memref<1x100x64xf32, #tpu.memory_space<vmem>>
    %dma_start3A_98 = tpu.memref_squeeze %dma_start3A_97 : memref<1x100x64xf32, #tpu.memory_space<vmem>> -> memref<100x64xf32, #tpu.memory_space<vmem>>
    %dma_start3A_99 = arith.constant 0 : i32
    %dma_start3A_100 = tpu.memref_slice %arg5[%dma_start3A_92, %dma_start3A_99] : memref<256x100xi32, #tpu.memory_space<vmem>> -> memref<1x100xi32, #tpu.memory_space<vmem>>
    %dma_start3A_101 = tpu.memref_squeeze %dma_start3A_100 : memref<1x100xi32, #tpu.memory_space<vmem>> -> memref<100xi32, #tpu.memory_space<vmem>>
    %dma_start3A_102 = arith.constant 0 : i32
    %dma_start3A_103 = arith.constant 0 : i32
    %dma_start3A_104 = tpu.memref_slice %arg2[%dma_start3A_102, %dma_start3A_103] : memref<1000000x64xf32, #tpu.memory_space<hbm>> -> memref<1000000x64xf32, #tpu.memory_space<hbm>>
    %dma_start3A_105 = tpu.memref_slice %arg7[%dma_start3A_94] : memref<8x!tpu.dma_semaphore, #tpu.memory_space<semaphore_mem>> -> memref<1x!tpu.dma_semaphore, #tpu.memory_space<semaphore_mem>>
    %dma_start3A_106 = tpu.memref_squeeze %dma_start3A_105 : memref<1x!tpu.dma_semaphore, #tpu.memory_space<semaphore_mem>> -> memref<!tpu.dma_semaphore, #tpu.memory_space<semaphore_mem>>
    tpu.enqueue_indirect_dma source(%dma_start3A_104 : memref<1000000x64xf32, #tpu.memory_space<hbm>>) target(%dma_start3A_98 : memref<100x64xf32, #tpu.memory_space<vmem>>) offsets(%dma_start3A_101 : memref<100xi32, #tpu.memory_space<vmem>>) semaphore(%dma_start3A_106 : memref<!tpu.dma_semaphore, #tpu.memory_space<semaphore_mem>>)
    %dma_start3A_107 = arith.constant 7 : i32
    %dma_start3A_108 = arith.constant 7 : i32
    %dma_start3A_109 = arith.constant 7 : i32
    %dma_start3A_110 = arith.constant 0 : i32
    %dma_start3A_111 = arith.constant 0 : i32
    %dma_start3A_112 = tpu.memref_slice %arg6[%dma_start3A_108, %dma_start3A_110, %dma_start3A_111] : memref<8x100x64xf32, #tpu.memory_space<vmem>> -> memref<1x100x64xf32, #tpu.memory_space<vmem>>
    %dma_start3A_113 = tpu.memref_squeeze %dma_start3A_112 : memref<1x100x64xf32, #tpu.memory_space<vmem>> -> memref<100x64xf32, #tpu.memory_space<vmem>>
    %dma_start3A_114 = arith.constant 0 : i32
    %dma_start3A_115 = tpu.memref_slice %arg5[%dma_start3A_107, %dma_start3A_114] : memref<256x100xi32, #tpu.memory_space<vmem>> -> memref<1x100xi32, #tpu.memory_space<vmem>>
    %dma_start3A_116 = tpu.memref_squeeze %dma_start3A_115 : memref<1x100xi32, #tpu.memory_space<vmem>> -> memref<100xi32, #tpu.memory_space<vmem>>
    %dma_start3A_117 = arith.constant 0 : i32
    %dma_start3A_118 = arith.constant 0 : i32
    %dma_start3A_119 = tpu.memref_slice %arg2[%dma_start3A_117, %dma_start3A_118] : memref<1000000x64xf32, #tpu.memory_space<hbm>> -> memref<1000000x64xf32, #tpu.memory_space<hbm>>
    %dma_start3A_120 = tpu.memref_slice %arg7[%dma_start3A_109] : memref<8x!tpu.dma_semaphore, #tpu.memory_space<semaphore_mem>> -> memref<1x!tpu.dma_semaphore, #tpu.memory_space<semaphore_mem>>
    %dma_start3A_121 = tpu.memref_squeeze %dma_start3A_120 : memref<1x!tpu.dma_semaphore, #tpu.memory_space<semaphore_mem>> -> memref<!tpu.dma_semaphore, #tpu.memory_space<semaphore_mem>>
    tpu.enqueue_indirect_dma source(%dma_start3A_119 : memref<1000000x64xf32, #tpu.memory_space<hbm>>) target(%dma_start3A_113 : memref<100x64xf32, #tpu.memory_space<vmem>>) offsets(%dma_start3A_116 : memref<100xi32, #tpu.memory_space<vmem>>) semaphore(%dma_start3A_121 : memref<!tpu.dma_semaphore, #tpu.memory_space<semaphore_mem>>)
    %scan3A = arith.constant 0 : i32
    %scan3A_122 = arith.constant 31 : i32
    %scan3A_123 = arith.addi %scan3A, %scan3A_122 : i32
    %scan3A_124 = arith.constant 1 : i32
    scf.for %scan3A_1013 = %scan3A to %scan3A_123 step %scan3A_124  : i32 {
      %mul3A_1014 = arith.constant 8 : i32
      %mul3A_1015 = arith.muli %scan3A_1013, %mul3A_1014 : i32
      %add3A_1016 = arith.constant 0 : i32
      %add3A_1017 = arith.addi %add3A_1016, %mul3A_1015 : i32
      %add3A_1018 = arith.constant 0 : i32
      %add3A_1019 = arith.addi %add3A_1017, %add3A_1018 : i32
      %dma_wait3A_1020 = arith.constant 0 : i32
      %dma_wait3A_1021 = arith.constant 0 : i32
      %dma_wait3A_1022 = arith.constant 0 : i32
      %dma_wait3A_1023 = arith.constant 0 : i32
      %dma_wait3A_1024 = tpu.memref_slice %arg6[%dma_wait3A_1020, %dma_wait3A_1022, %dma_wait3A_1023] : memref<8x100x64xf32, #tpu.memory_space<vmem>> -> memref<1x100x64xf32, #tpu.memory_space<vmem>>
      %dma_wait3A_1025 = tpu.memref_squeeze %dma_wait3A_1024 : memref<1x100x64xf32, #tpu.memory_space<vmem>> -> memref<100x64xf32, #tpu.memory_space<vmem>>
      %dma_wait3A_1026 = arith.constant 0 : i32
      %dma_wait3A_1027 = tpu.memref_slice %arg5[%add3A_1019, %dma_wait3A_1026] : memref<256x100xi32, #tpu.memory_space<vmem>> -> memref<1x100xi32, #tpu.memory_space<vmem>>
      %dma_wait3A_1028 = tpu.memref_squeeze %dma_wait3A_1027 : memref<1x100xi32, #tpu.memory_space<vmem>> -> memref<100xi32, #tpu.memory_space<vmem>>
      %dma_wait3A_1029 = arith.constant 0 : i32
      %dma_wait3A_1030 = arith.constant 0 : i32
      %dma_wait3A_1031 = tpu.memref_slice %arg2[%dma_wait3A_1029, %dma_wait3A_1030] : memref<1000000x64xf32, #tpu.memory_space<hbm>> -> memref<1000000x64xf32, #tpu.memory_space<hbm>>
      %dma_wait3A_1032 = tpu.memref_slice %arg7[%dma_wait3A_1021] : memref<8x!tpu.dma_semaphore, #tpu.memory_space<semaphore_mem>> -> memref<1x!tpu.dma_semaphore, #tpu.memory_space<semaphore_mem>>
      %dma_wait3A_1033 = tpu.memref_squeeze %dma_wait3A_1032 : memref<1x!tpu.dma_semaphore, #tpu.memory_space<semaphore_mem>> -> memref<!tpu.dma_semaphore, #tpu.memory_space<semaphore_mem>>
      tpu.wait_indirect_dma semaphore(%dma_wait3A_1033 : memref<!tpu.dma_semaphore, #tpu.memory_space<semaphore_mem>>) src(%dma_wait3A_1031 : memref<1000000x64xf32, #tpu.memory_space<hbm>>) dst(%dma_wait3A_1025 : memref<100x64xf32, #tpu.memory_space<vmem>>)
      %mul3A_1034 = arith.constant 2 : i32
      %mul3A_1035 = arith.muli %add3A_1019, %mul3A_1034 : i32
      %add3A_1036 = arith.addi %mul3A_2, %mul3A_1035 : i32
      %add3A_1037 = arith.constant 0 : i32
      %add3A_1038 = arith.addi %add3A_1036, %add3A_1037 : i32
      %dma_start3A_1039 = arith.constant 0 : i32
      %dma_start3A_1040 = arith.constant 0 : i32
      %dma_start3A_1041 = arith.constant 0 : i32
      %dma_start3A_1042 = arith.constant 0 : i32
      %dma_start3A_1043 = tpu.memref_slice %arg6[%dma_start3A_1039, %dma_start3A_1041, %dma_start3A_1042] : memref<8x100x64xf32, #tpu.memory_space<vmem>> -> memref<1x50x64xf32, #tpu.memory_space<vmem>>
      %dma_start3A_1044 = tpu.memref_squeeze %dma_start3A_1043 : memref<1x50x64xf32, #tpu.memory_space<vmem>> -> memref<50x64xf32, #tpu.memory_space<vmem>>
      %dma_start3A_1045 = arith.constant 0 : i32
      %dma_start3A_1046 = arith.constant 0 : i32
      %dma_start3A_1047 = tpu.memref_slice %arg4[%add3A_1038, %dma_start3A_1045, %dma_start3A_1046] : memref<16384x56x128xf32, #tpu.memory_space<hbm>> -> memref<1x50x64xf32, #tpu.memory_space<hbm>>
      %dma_start3A_1048 = tpu.memref_squeeze %dma_start3A_1047 : memref<1x50x64xf32, #tpu.memory_space<hbm>> -> memref<50x64xf32, #tpu.memory_space<hbm>>
      %dma_start3A_1049 = tpu.memref_slice %arg8[%dma_start3A_1040] : memref<8x!tpu.dma_semaphore, #tpu.memory_space<semaphore_mem>> -> memref<1x!tpu.dma_semaphore, #tpu.memory_space<semaphore_mem>>
      %dma_start3A_1050 = tpu.memref_squeeze %dma_start3A_1049 : memref<1x!tpu.dma_semaphore, #tpu.memory_space<semaphore_mem>> -> memref<!tpu.dma_semaphore, #tpu.memory_space<semaphore_mem>>
      %dma_start3A_1051 = arith.constant 0 : i32
      %dma_start3A_1052 = arith.constant 0 : i32
      %dma_start3A_1053 = tpu.memref_slice %arg4[%add3A_1038, %dma_start3A_1051, %dma_start3A_1052] : memref<16384x56x128xf32, #tpu.memory_space<hbm>> -> memref<1x50x64xf32, #tpu.memory_space<hbm>>
      %dma_start3A_1054 = tpu.memref_squeeze %dma_start3A_1053 : memref<1x50x64xf32, #tpu.memory_space<hbm>> -> memref<50x64xf32, #tpu.memory_space<hbm>>
      %dma_start3A_1055 = arith.constant 0 : i32
      %dma_start3A_1056 = arith.constant 0 : i32
      %dma_start3A_1057 = tpu.memref_slice %arg6[%dma_start3A_1039, %dma_start3A_1055, %dma_start3A_1056] : memref<8x100x64xf32, #tpu.memory_space<vmem>> -> memref<1x50x64xf32, #tpu.memory_space<vmem>>
      %dma_start3A_1058 = tpu.memref_squeeze %dma_start3A_1057 : memref<1x50x64xf32, #tpu.memory_space<vmem>> -> memref<50x64xf32, #tpu.memory_space<vmem>>
      tpu.enqueue_dma source(%dma_start3A_1058 : memref<50x64xf32, #tpu.memory_space<vmem>>) target(%dma_start3A_1054 : memref<50x64xf32, #tpu.memory_space<hbm>>) target_semaphore(%dma_start3A_1050 : memref<!tpu.dma_semaphore, #tpu.memory_space<semaphore_mem>>)
      %mul3A_1059 = arith.constant 2 : i32
      %mul3A_1060 = arith.muli %add3A_1019, %mul3A_1059 : i32
      %add3A_1061 = arith.addi %mul3A_2, %mul3A_1060 : i32
      %add3A_1062 = arith.constant 1 : i32
      %add3A_1063 = arith.addi %add3A_1061, %add3A_1062 : i32
      %dma_start3A_1064 = arith.constant 0 : i32
      %dma_start3A_1065 = arith.constant 0 : i32
      %dma_start3A_1066 = arith.constant 50 : i32
      %dma_start3A_1067 = arith.constant 0 : i32
      %dma_start3A_1068 = tpu.memref_slice %arg6[%dma_start3A_1064, %dma_start3A_1066, %dma_start3A_1067] : memref<8x100x64xf32, #tpu.memory_space<vmem>> -> memref<1x50x64xf32, #tpu.memory_space<vmem>>
      %dma_start3A_1069 = tpu.memref_squeeze %dma_start3A_1068 : memref<1x50x64xf32, #tpu.memory_space<vmem>> -> memref<50x64xf32, #tpu.memory_space<vmem>>
      %dma_start3A_1070 = arith.constant 0 : i32
      %dma_start3A_1071 = arith.constant 0 : i32
      %dma_start3A_1072 = tpu.memref_slice %arg4[%add3A_1063, %dma_start3A_1070, %dma_start3A_1071] : memref<16384x56x128xf32, #tpu.memory_space<hbm>> -> memref<1x50x64xf32, #tpu.memory_space<hbm>>
      %dma_start3A_1073 = tpu.memref_squeeze %dma_start3A_1072 : memref<1x50x64xf32, #tpu.memory_space<hbm>> -> memref<50x64xf32, #tpu.memory_space<hbm>>
      %dma_start3A_1074 = tpu.memref_slice %arg8[%dma_start3A_1065] : memref<8x!tpu.dma_semaphore, #tpu.memory_space<semaphore_mem>> -> memref<1x!tpu.dma_semaphore, #tpu.memory_space<semaphore_mem>>
      %dma_start3A_1075 = tpu.memref_squeeze %dma_start3A_1074 : memref<1x!tpu.dma_semaphore, #tpu.memory_space<semaphore_mem>> -> memref<!tpu.dma_semaphore, #tpu.memory_space<semaphore_mem>>
      %dma_start3A_1076 = arith.constant 0 : i32
      %dma_start3A_1077 = arith.constant 0 : i32
      %dma_start3A_1078 = tpu.memref_slice %arg4[%add3A_1063, %dma_start3A_1076, %dma_start3A_1077] : memref<16384x56x128xf32, #tpu.memory_space<hbm>> -> memref<1x50x64xf32, #tpu.memory_space<hbm>>
      %dma_start3A_1079 = tpu.memref_squeeze %dma_start3A_1078 : memref<1x50x64xf32, #tpu.memory_space<hbm>> -> memref<50x64xf32, #tpu.memory_space<hbm>>
      %dma_start3A_1080 = arith.constant 50 : i32
      %dma_start3A_1081 = arith.constant 0 : i32
      %dma_start3A_1082 = tpu.memref_slice %arg6[%dma_start3A_1064, %dma_start3A_1080, %dma_start3A_1081] : memref<8x100x64xf32, #tpu.memory_space<vmem>> -> memref<1x50x64xf32, #tpu.memory_space<vmem>>
      %dma_start3A_1083 = tpu.memref_squeeze %dma_start3A_1082 : memref<1x50x64xf32, #tpu.memory_space<vmem>> -> memref<50x64xf32, #tpu.memory_space<vmem>>
      tpu.enqueue_dma source(%dma_start3A_1083 : memref<50x64xf32, #tpu.memory_space<vmem>>) target(%dma_start3A_1079 : memref<50x64xf32, #tpu.memory_space<hbm>>) target_semaphore(%dma_start3A_1075 : memref<!tpu.dma_semaphore, #tpu.memory_space<semaphore_mem>>)
      %mul3A_1084 = arith.constant 2 : i32
      %mul3A_1085 = arith.muli %add3A_1019, %mul3A_1084 : i32
      %add3A_1086 = arith.addi %mul3A_2, %mul3A_1085 : i32
      %add3A_1087 = arith.constant 0 : i32
      %add3A_1088 = arith.addi %add3A_1086, %add3A_1087 : i32
      %dma_wait3A_1089 = arith.constant 0 : i32
      %dma_wait3A_1090 = arith.constant 0 : i32
      %dma_wait3A_1091 = arith.constant 0 : i32
      %dma_wait3A_1092 = arith.constant 0 : i32
      %dma_wait3A_1093 = tpu.memref_slice %arg6[%dma_wait3A_1089, %dma_wait3A_1091, %dma_wait3A_1092] : memref<8x100x64xf32, #tpu.memory_space<vmem>> -> memref<1x50x64xf32, #tpu.memory_space<vmem>>
      %dma_wait3A_1094 = tpu.memref_squeeze %dma_wait3A_1093 : memref<1x50x64xf32, #tpu.memory_space<vmem>> -> memref<50x64xf32, #tpu.memory_space<vmem>>
      %dma_wait3A_1095 = arith.constant 0 : i32
      %dma_wait3A_1096 = arith.constant 0 : i32
      %dma_wait3A_1097 = tpu.memref_slice %arg4[%add3A_1088, %dma_wait3A_1095, %dma_wait3A_1096] : memref<16384x56x128xf32, #tpu.memory_space<hbm>> -> memref<1x50x64xf32, #tpu.memory_space<hbm>>
      %dma_wait3A_1098 = tpu.memref_squeeze %dma_wait3A_1097 : memref<1x50x64xf32, #tpu.memory_space<hbm>> -> memref<50x64xf32, #tpu.memory_space<hbm>>
      %dma_wait3A_1099 = tpu.memref_slice %arg8[%dma_wait3A_1090] : memref<8x!tpu.dma_semaphore, #tpu.memory_space<semaphore_mem>> -> memref<1x!tpu.dma_semaphore, #tpu.memory_space<semaphore_mem>>
      %dma_wait3A_1100 = tpu.memref_squeeze %dma_wait3A_1099 : memref<1x!tpu.dma_semaphore, #tpu.memory_space<semaphore_mem>> -> memref<!tpu.dma_semaphore, #tpu.memory_space<semaphore_mem>>
      %dma_wait3A_1101 = arith.constant 0 : i32
      %dma_wait3A_1102 = arith.constant 0 : i32
      %dma_wait3A_1103 = tpu.memref_slice %arg4[%add3A_1088, %dma_wait3A_1101, %dma_wait3A_1102] : memref<16384x56x128xf32, #tpu.memory_space<hbm>> -> memref<1x50x64xf32, #tpu.memory_space<hbm>>
      %dma_wait3A_1104 = tpu.memref_squeeze %dma_wait3A_1103 : memref<1x50x64xf32, #tpu.memory_space<hbm>> -> memref<50x64xf32, #tpu.memory_space<hbm>>
      %dma_wait3A_1105 = arith.constant 0 : i32
      %dma_wait3A_1106 = arith.constant 0 : i32
      %dma_wait3A_1107 = tpu.memref_slice %arg6[%dma_wait3A_1089, %dma_wait3A_1105, %dma_wait3A_1106] : memref<8x100x64xf32, #tpu.memory_space<vmem>> -> memref<1x50x64xf32, #tpu.memory_space<vmem>>
      %dma_wait3A_1108 = tpu.memref_squeeze %dma_wait3A_1107 : memref<1x50x64xf32, #tpu.memory_space<vmem>> -> memref<50x64xf32, #tpu.memory_space<vmem>>
      tpu.wait_dma2 semaphore(%dma_wait3A_1100 : memref<!tpu.dma_semaphore, #tpu.memory_space<semaphore_mem>>) src(%dma_wait3A_1108 : memref<50x64xf32, #tpu.memory_space<vmem>>) dst(%dma_wait3A_1104 : memref<50x64xf32, #tpu.memory_space<hbm>>)
      %mul3A_1109 = arith.constant 2 : i32
      %mul3A_1110 = arith.muli %add3A_1019, %mul3A_1109 : i32
      %add3A_1111 = arith.addi %mul3A_2, %mul3A_1110 : i32
      %add3A_1112 = arith.constant 1 : i32
      %add3A_1113 = arith.addi %add3A_1111, %add3A_1112 : i32
      %dma_wait3A_1114 = arith.constant 0 : i32
      %dma_wait3A_1115 = arith.constant 0 : i32
      %dma_wait3A_1116 = arith.constant 50 : i32
      %dma_wait3A_1117 = arith.constant 0 : i32
      %dma_wait3A_1118 = tpu.memref_slice %arg6[%dma_wait3A_1114, %dma_wait3A_1116, %dma_wait3A_1117] : memref<8x100x64xf32, #tpu.memory_space<vmem>> -> memref<1x50x64xf32, #tpu.memory_space<vmem>>
      %dma_wait3A_1119 = tpu.memref_squeeze %dma_wait3A_1118 : memref<1x50x64xf32, #tpu.memory_space<vmem>> -> memref<50x64xf32, #tpu.memory_space<vmem>>
      %dma_wait3A_1120 = arith.constant 0 : i32
      %dma_wait3A_1121 = arith.constant 0 : i32
      %dma_wait3A_1122 = tpu.memref_slice %arg4[%add3A_1113, %dma_wait3A_1120, %dma_wait3A_1121] : memref<16384x56x128xf32, #tpu.memory_space<hbm>> -> memref<1x50x64xf32, #tpu.memory_space<hbm>>
      %dma_wait3A_1123 = tpu.memref_squeeze %dma_wait3A_1122 : memref<1x50x64xf32, #tpu.memory_space<hbm>> -> memref<50x64xf32, #tpu.memory_space<hbm>>
      %dma_wait3A_1124 = tpu.memref_slice %arg8[%dma_wait3A_1115] : memref<8x!tpu.dma_semaphore, #tpu.memory_space<semaphore_mem>> -> memref<1x!tpu.dma_semaphore, #tpu.memory_space<semaphore_mem>>
      %dma_wait3A_1125 = tpu.memref_squeeze %dma_wait3A_1124 : memref<1x!tpu.dma_semaphore, #tpu.memory_space<semaphore_mem>> -> memref<!tpu.dma_semaphore, #tpu.memory_space<semaphore_mem>>
      %dma_wait3A_1126 = arith.constant 0 : i32
      %dma_wait3A_1127 = arith.constant 0 : i32
      %dma_wait3A_1128 = tpu.memref_slice %arg4[%add3A_1113, %dma_wait3A_1126, %dma_wait3A_1127] : memref<16384x56x128xf32, #tpu.memory_space<hbm>> -> memref<1x50x64xf32, #tpu.memory_space<hbm>>
      %dma_wait3A_1129 = tpu.memref_squeeze %dma_wait3A_1128 : memref<1x50x64xf32, #tpu.memory_space<hbm>> -> memref<50x64xf32, #tpu.memory_space<hbm>>
      %dma_wait3A_1130 = arith.constant 50 : i32
      %dma_wait3A_1131 = arith.constant 0 : i32
      %dma_wait3A_1132 = tpu.memref_slice %arg6[%dma_wait3A_1114, %dma_wait3A_1130, %dma_wait3A_1131] : memref<8x100x64xf32, #tpu.memory_space<vmem>> -> memref<1x50x64xf32, #tpu.memory_space<vmem>>
      %dma_wait3A_1133 = tpu.memref_squeeze %dma_wait3A_1132 : memref<1x50x64xf32, #tpu.memory_space<vmem>> -> memref<50x64xf32, #tpu.memory_space<vmem>>
      tpu.wait_dma2 semaphore(%dma_wait3A_1125 : memref<!tpu.dma_semaphore, #tpu.memory_space<semaphore_mem>>) src(%dma_wait3A_1133 : memref<50x64xf32, #tpu.memory_space<vmem>>) dst(%dma_wait3A_1129 : memref<50x64xf32, #tpu.memory_space<hbm>>)
      %add3A_1134 = arith.constant 8 : i32
      %add3A_1135 = arith.addi %add3A_1019, %add3A_1134 : i32
      %dma_start3A_1136 = arith.constant 0 : i32
      %dma_start3A_1137 = arith.constant 0 : i32
      %dma_start3A_1138 = arith.constant 0 : i32
      %dma_start3A_1139 = arith.constant 0 : i32
      %dma_start3A_1140 = tpu.memref_slice %arg6[%dma_start3A_1136, %dma_start3A_1138, %dma_start3A_1139] : memref<8x100x64xf32, #tpu.memory_space<vmem>> -> memref<1x100x64xf32, #tpu.memory_space<vmem>>
      %dma_start3A_1141 = tpu.memref_squeeze %dma_start3A_1140 : memref<1x100x64xf32, #tpu.memory_space<vmem>> -> memref<100x64xf32, #tpu.memory_space<vmem>>
      %dma_start3A_1142 = arith.constant 0 : i32
      %dma_start3A_1143 = tpu.memref_slice %arg5[%add3A_1135, %dma_start3A_1142] : memref<256x100xi32, #tpu.memory_space<vmem>> -> memref<1x100xi32, #tpu.memory_space<vmem>>
      %dma_start3A_1144 = tpu.memref_squeeze %dma_start3A_1143 : memref<1x100xi32, #tpu.memory_space<vmem>> -> memref<100xi32, #tpu.memory_space<vmem>>
      %dma_start3A_1145 = arith.constant 0 : i32
      %dma_start3A_1146 = arith.constant 0 : i32
      %dma_start3A_1147 = tpu.memref_slice %arg2[%dma_start3A_1145, %dma_start3A_1146] : memref<1000000x64xf32, #tpu.memory_space<hbm>> -> memref<1000000x64xf32, #tpu.memory_space<hbm>>
      %dma_start3A_1148 = tpu.memref_slice %arg7[%dma_start3A_1137] : memref<8x!tpu.dma_semaphore, #tpu.memory_space<semaphore_mem>> -> memref<1x!tpu.dma_semaphore, #tpu.memory_space<semaphore_mem>>
      %dma_start3A_1149 = tpu.memref_squeeze %dma_start3A_1148 : memref<1x!tpu.dma_semaphore, #tpu.memory_space<semaphore_mem>> -> memref<!tpu.dma_semaphore, #tpu.memory_space<semaphore_mem>>
      tpu.enqueue_indirect_dma source(%dma_start3A_1147 : memref<1000000x64xf32, #tpu.memory_space<hbm>>) target(%dma_start3A_1141 : memref<100x64xf32, #tpu.memory_space<vmem>>) offsets(%dma_start3A_1144 : memref<100xi32, #tpu.memory_space<vmem>>) semaphore(%dma_start3A_1149 : memref<!tpu.dma_semaphore, #tpu.memory_space<semaphore_mem>>)
      %add3A_1150 = arith.constant 1 : i32
      %add3A_1151 = arith.addi %add3A_1017, %add3A_1150 : i32
      %dma_wait3A_1152 = arith.constant 1 : i32
      %dma_wait3A_1153 = arith.constant 1 : i32
      %dma_wait3A_1154 = arith.constant 0 : i32
      %dma_wait3A_1155 = arith.constant 0 : i32
      %dma_wait3A_1156 = tpu.memref_slice %arg6[%dma_wait3A_1152, %dma_wait3A_1154, %dma_wait3A_1155] : memref<8x100x64xf32, #tpu.memory_space<vmem>> -> memref<1x100x64xf32, #tpu.memory_space<vmem>>
      %dma_wait3A_1157 = tpu.memref_squeeze %dma_wait3A_1156 : memref<1x100x64xf32, #tpu.memory_space<vmem>> -> memref<100x64xf32, #tpu.memory_space<vmem>>
      %dma_wait3A_1158 = arith.constant 0 : i32
      %dma_wait3A_1159 = tpu.memref_slice %arg5[%add3A_1151, %dma_wait3A_1158] : memref<256x100xi32, #tpu.memory_space<vmem>> -> memref<1x100xi32, #tpu.memory_space<vmem>>
      %dma_wait3A_1160 = tpu.memref_squeeze %dma_wait3A_1159 : memref<1x100xi32, #tpu.memory_space<vmem>> -> memref<100xi32, #tpu.memory_space<vmem>>
      %dma_wait3A_1161 = arith.constant 0 : i32
      %dma_wait3A_1162 = arith.constant 0 : i32
      %dma_wait3A_1163 = tpu.memref_slice %arg2[%dma_wait3A_1161, %dma_wait3A_1162] : memref<1000000x64xf32, #tpu.memory_space<hbm>> -> memref<1000000x64xf32, #tpu.memory_space<hbm>>
      %dma_wait3A_1164 = tpu.memref_slice %arg7[%dma_wait3A_1153] : memref<8x!tpu.dma_semaphore, #tpu.memory_space<semaphore_mem>> -> memref<1x!tpu.dma_semaphore, #tpu.memory_space<semaphore_mem>>
      %dma_wait3A_1165 = tpu.memref_squeeze %dma_wait3A_1164 : memref<1x!tpu.dma_semaphore, #tpu.memory_space<semaphore_mem>> -> memref<!tpu.dma_semaphore, #tpu.memory_space<semaphore_mem>>
      tpu.wait_indirect_dma semaphore(%dma_wait3A_1165 : memref<!tpu.dma_semaphore, #tpu.memory_space<semaphore_mem>>) src(%dma_wait3A_1163 : memref<1000000x64xf32, #tpu.memory_space<hbm>>) dst(%dma_wait3A_1157 : memref<100x64xf32, #tpu.memory_space<vmem>>)
      %mul3A_1166 = arith.constant 2 : i32
      %mul3A_1167 = arith.muli %add3A_1151, %mul3A_1166 : i32
      %add3A_1168 = arith.addi %mul3A_2, %mul3A_1167 : i32
      %add3A_1169 = arith.constant 0 : i32
      %add3A_1170 = arith.addi %add3A_1168, %add3A_1169 : i32
      %dma_start3A_1171 = arith.constant 1 : i32
      %dma_start3A_1172 = arith.constant 1 : i32
      %dma_start3A_1173 = arith.constant 0 : i32
      %dma_start3A_1174 = arith.constant 0 : i32
      %dma_start3A_1175 = tpu.memref_slice %arg6[%dma_start3A_1171, %dma_start3A_1173, %dma_start3A_1174] : memref<8x100x64xf32, #tpu.memory_space<vmem>> -> memref<1x50x64xf32, #tpu.memory_space<vmem>>
      %dma_start3A_1176 = tpu.memref_squeeze %dma_start3A_1175 : memref<1x50x64xf32, #tpu.memory_space<vmem>> -> memref<50x64xf32, #tpu.memory_space<vmem>>
      %dma_start3A_1177 = arith.constant 0 : i32
      %dma_start3A_1178 = arith.constant 0 : i32
      %dma_start3A_1179 = tpu.memref_slice %arg4[%add3A_1170, %dma_start3A_1177, %dma_start3A_1178] : memref<16384x56x128xf32, #tpu.memory_space<hbm>> -> memref<1x50x64xf32, #tpu.memory_space<hbm>>
      %dma_start3A_1180 = tpu.memref_squeeze %dma_start3A_1179 : memref<1x50x64xf32, #tpu.memory_space<hbm>> -> memref<50x64xf32, #tpu.memory_space<hbm>>
      %dma_start3A_1181 = tpu.memref_slice %arg8[%dma_start3A_1172] : memref<8x!tpu.dma_semaphore, #tpu.memory_space<semaphore_mem>> -> memref<1x!tpu.dma_semaphore, #tpu.memory_space<semaphore_mem>>
      %dma_start3A_1182 = tpu.memref_squeeze %dma_start3A_1181 : memref<1x!tpu.dma_semaphore, #tpu.memory_space<semaphore_mem>> -> memref<!tpu.dma_semaphore, #tpu.memory_space<semaphore_mem>>
      %dma_start3A_1183 = arith.constant 0 : i32
      %dma_start3A_1184 = arith.constant 0 : i32
      %dma_start3A_1185 = tpu.memref_slice %arg4[%add3A_1170, %dma_start3A_1183, %dma_start3A_1184] : memref<16384x56x128xf32, #tpu.memory_space<hbm>> -> memref<1x50x64xf32, #tpu.memory_space<hbm>>
      %dma_start3A_1186 = tpu.memref_squeeze %dma_start3A_1185 : memref<1x50x64xf32, #tpu.memory_space<hbm>> -> memref<50x64xf32, #tpu.memory_space<hbm>>
      %dma_start3A_1187 = arith.constant 0 : i32
      %dma_start3A_1188 = arith.constant 0 : i32
      %dma_start3A_1189 = tpu.memref_slice %arg6[%dma_start3A_1171, %dma_start3A_1187, %dma_start3A_1188] : memref<8x100x64xf32, #tpu.memory_space<vmem>> -> memref<1x50x64xf32, #tpu.memory_space<vmem>>
      %dma_start3A_1190 = tpu.memref_squeeze %dma_start3A_1189 : memref<1x50x64xf32, #tpu.memory_space<vmem>> -> memref<50x64xf32, #tpu.memory_space<vmem>>
      tpu.enqueue_dma source(%dma_start3A_1190 : memref<50x64xf32, #tpu.memory_space<vmem>>) target(%dma_start3A_1186 : memref<50x64xf32, #tpu.memory_space<hbm>>) target_semaphore(%dma_start3A_1182 : memref<!tpu.dma_semaphore, #tpu.memory_space<semaphore_mem>>)
      %mul3A_1191 = arith.constant 2 : i32
      %mul3A_1192 = arith.muli %add3A_1151, %mul3A_1191 : i32
      %add3A_1193 = arith.addi %mul3A_2, %mul3A_1192 : i32
      %add3A_1194 = arith.constant 1 : i32
      %add3A_1195 = arith.addi %add3A_1193, %add3A_1194 : i32
      %dma_start3A_1196 = arith.constant 1 : i32
      %dma_start3A_1197 = arith.constant 1 : i32
      %dma_start3A_1198 = arith.constant 50 : i32
      %dma_start3A_1199 = arith.constant 0 : i32
      %dma_start3A_1200 = tpu.memref_slice %arg6[%dma_start3A_1196, %dma_start3A_1198, %dma_start3A_1199] : memref<8x100x64xf32, #tpu.memory_space<vmem>> -> memref<1x50x64xf32, #tpu.memory_space<vmem>>
      %dma_start3A_1201 = tpu.memref_squeeze %dma_start3A_1200 : memref<1x50x64xf32, #tpu.memory_space<vmem>> -> memref<50x64xf32, #tpu.memory_space<vmem>>
      %dma_start3A_1202 = arith.constant 0 : i32
      %dma_start3A_1203 = arith.constant 0 : i32
      %dma_start3A_1204 = tpu.memref_slice %arg4[%add3A_1195, %dma_start3A_1202, %dma_start3A_1203] : memref<16384x56x128xf32, #tpu.memory_space<hbm>> -> memref<1x50x64xf32, #tpu.memory_space<hbm>>
      %dma_start3A_1205 = tpu.memref_squeeze %dma_start3A_1204 : memref<1x50x64xf32, #tpu.memory_space<hbm>> -> memref<50x64xf32, #tpu.memory_space<hbm>>
      %dma_start3A_1206 = tpu.memref_slice %arg8[%dma_start3A_1197] : memref<8x!tpu.dma_semaphore, #tpu.memory_space<semaphore_mem>> -> memref<1x!tpu.dma_semaphore, #tpu.memory_space<semaphore_mem>>
      %dma_start3A_1207 = tpu.memref_squeeze %dma_start3A_1206 : memref<1x!tpu.dma_semaphore, #tpu.memory_space<semaphore_mem>> -> memref<!tpu.dma_semaphore, #tpu.memory_space<semaphore_mem>>
      %dma_start3A_1208 = arith.constant 0 : i32
      %dma_start3A_1209 = arith.constant 0 : i32
      %dma_start3A_1210 = tpu.memref_slice %arg4[%add3A_1195, %dma_start3A_1208, %dma_start3A_1209] : memref<16384x56x128xf32, #tpu.memory_space<hbm>> -> memref<1x50x64xf32, #tpu.memory_space<hbm>>
      %dma_start3A_1211 = tpu.memref_squeeze %dma_start3A_1210 : memref<1x50x64xf32, #tpu.memory_space<hbm>> -> memref<50x64xf32, #tpu.memory_space<hbm>>
      %dma_start3A_1212 = arith.constant 50 : i32
      %dma_start3A_1213 = arith.constant 0 : i32
      %dma_start3A_1214 = tpu.memref_slice %arg6[%dma_start3A_1196, %dma_start3A_1212, %dma_start3A_1213] : memref<8x100x64xf32, #tpu.memory_space<vmem>> -> memref<1x50x64xf32, #tpu.memory_space<vmem>>
      %dma_start3A_1215 = tpu.memref_squeeze %dma_start3A_1214 : memref<1x50x64xf32, #tpu.memory_space<vmem>> -> memref<50x64xf32, #tpu.memory_space<vmem>>
      tpu.enqueue_dma source(%dma_start3A_1215 : memref<50x64xf32, #tpu.memory_space<vmem>>) target(%dma_start3A_1211 : memref<50x64xf32, #tpu.memory_space<hbm>>) target_semaphore(%dma_start3A_1207 : memref<!tpu.dma_semaphore, #tpu.memory_space<semaphore_mem>>)
      %mul3A_1216 = arith.constant 2 : i32
      %mul3A_1217 = arith.muli %add3A_1151, %mul3A_1216 : i32
      %add3A_1218 = arith.addi %mul3A_2, %mul3A_1217 : i32
      %add3A_1219 = arith.constant 0 : i32
      %add3A_1220 = arith.addi %add3A_1218, %add3A_1219 : i32
      %dma_wait3A_1221 = arith.constant 1 : i32
      %dma_wait3A_1222 = arith.constant 1 : i32
      %dma_wait3A_1223 = arith.constant 0 : i32
      %dma_wait3A_1224 = arith.constant 0 : i32
      %dma_wait3A_1225 = tpu.memref_slice %arg6[%dma_wait3A_1221, %dma_wait3A_1223, %dma_wait3A_1224] : memref<8x100x64xf32, #tpu.memory_space<vmem>> -> memref<1x50x64xf32, #tpu.memory_space<vmem>>
      %dma_wait3A_1226 = tpu.memref_squeeze %dma_wait3A_1225 : memref<1x50x64xf32, #tpu.memory_space<vmem>> -> memref<50x64xf32, #tpu.memory_space<vmem>>
      %dma_wait3A_1227 = arith.constant 0 : i32
      %dma_wait3A_1228 = arith.constant 0 : i32
      %dma_wait3A_1229 = tpu.memref_slice %arg4[%add3A_1220, %dma_wait3A_1227, %dma_wait3A_1228] : memref<16384x56x128xf32, #tpu.memory_space<hbm>> -> memref<1x50x64xf32, #tpu.memory_space<hbm>>
      %dma_wait3A_1230 = tpu.memref_squeeze %dma_wait3A_1229 : memref<1x50x64xf32, #tpu.memory_space<hbm>> -> memref<50x64xf32, #tpu.memory_space<hbm>>
      %dma_wait3A_1231 = tpu.memref_slice %arg8[%dma_wait3A_1222] : memref<8x!tpu.dma_semaphore, #tpu.memory_space<semaphore_mem>> -> memref<1x!tpu.dma_semaphore, #tpu.memory_space<semaphore_mem>>
      %dma_wait3A_1232 = tpu.memref_squeeze %dma_wait3A_1231 : memref<1x!tpu.dma_semaphore, #tpu.memory_space<semaphore_mem>> -> memref<!tpu.dma_semaphore, #tpu.memory_space<semaphore_mem>>
      %dma_wait3A_1233 = arith.constant 0 : i32
      %dma_wait3A_1234 = arith.constant 0 : i32
      %dma_wait3A_1235 = tpu.memref_slice %arg4[%add3A_1220, %dma_wait3A_1233, %dma_wait3A_1234] : memref<16384x56x128xf32, #tpu.memory_space<hbm>> -> memref<1x50x64xf32, #tpu.memory_space<hbm>>
      %dma_wait3A_1236 = tpu.memref_squeeze %dma_wait3A_1235 : memref<1x50x64xf32, #tpu.memory_space<hbm>> -> memref<50x64xf32, #tpu.memory_space<hbm>>
      %dma_wait3A_1237 = arith.constant 0 : i32
      %dma_wait3A_1238 = arith.constant 0 : i32
      %dma_wait3A_1239 = tpu.memref_slice %arg6[%dma_wait3A_1221, %dma_wait3A_1237, %dma_wait3A_1238] : memref<8x100x64xf32, #tpu.memory_space<vmem>> -> memref<1x50x64xf32, #tpu.memory_space<vmem>>
      %dma_wait3A_1240 = tpu.memref_squeeze %dma_wait3A_1239 : memref<1x50x64xf32, #tpu.memory_space<vmem>> -> memref<50x64xf32, #tpu.memory_space<vmem>>
      tpu.wait_dma2 semaphore(%dma_wait3A_1232 : memref<!tpu.dma_semaphore, #tpu.memory_space<semaphore_mem>>) src(%dma_wait3A_1240 : memref<50x64xf32, #tpu.memory_space<vmem>>) dst(%dma_wait3A_1236 : memref<50x64xf32, #tpu.memory_space<hbm>>)
      %mul3A_1241 = arith.constant 2 : i32
      %mul3A_1242 = arith.muli %add3A_1151, %mul3A_1241 : i32
      %add3A_1243 = arith.addi %mul3A_2, %mul3A_1242 : i32
      %add3A_1244 = arith.constant 1 : i32
      %add3A_1245 = arith.addi %add3A_1243, %add3A_1244 : i32
      %dma_wait3A_1246 = arith.constant 1 : i32
      %dma_wait3A_1247 = arith.constant 1 : i32
      %dma_wait3A_1248 = arith.constant 50 : i32
      %dma_wait3A_1249 = arith.constant 0 : i32
      %dma_wait3A_1250 = tpu.memref_slice %arg6[%dma_wait3A_1246, %dma_wait3A_1248, %dma_wait3A_1249] : memref<8x100x64xf32, #tpu.memory_space<vmem>> -> memref<1x50x64xf32, #tpu.memory_space<vmem>>
      %dma_wait3A_1251 = tpu.memref_squeeze %dma_wait3A_1250 : memref<1x50x64xf32, #tpu.memory_space<vmem>> -> memref<50x64xf32, #tpu.memory_space<vmem>>
      %dma_wait3A_1252 = arith.constant 0 : i32
      %dma_wait3A_1253 = arith.constant 0 : i32
      %dma_wait3A_1254 = tpu.memref_slice %arg4[%add3A_1245, %dma_wait3A_1252, %dma_wait3A_1253] : memref<16384x56x128xf32, #tpu.memory_space<hbm>> -> memref<1x50x64xf32, #tpu.memory_space<hbm>>
      %dma_wait3A_1255 = tpu.memref_squeeze %dma_wait3A_1254 : memref<1x50x64xf32, #tpu.memory_space<hbm>> -> memref<50x64xf32, #tpu.memory_space<hbm>>
      %dma_wait3A_1256 = tpu.memref_slice %arg8[%dma_wait3A_1247] : memref<8x!tpu.dma_semaphore, #tpu.memory_space<semaphore_mem>> -> memref<1x!tpu.dma_semaphore, #tpu.memory_space<semaphore_mem>>
      %dma_wait3A_1257 = tpu.memref_squeeze %dma_wait3A_1256 : memref<1x!tpu.dma_semaphore, #tpu.memory_space<semaphore_mem>> -> memref<!tpu.dma_semaphore, #tpu.memory_space<semaphore_mem>>
      %dma_wait3A_1258 = arith.constant 0 : i32
      %dma_wait3A_1259 = arith.constant 0 : i32
      %dma_wait3A_1260 = tpu.memref_slice %arg4[%add3A_1245, %dma_wait3A_1258, %dma_wait3A_1259] : memref<16384x56x128xf32, #tpu.memory_space<hbm>> -> memref<1x50x64xf32, #tpu.memory_space<hbm>>
      %dma_wait3A_1261 = tpu.memref_squeeze %dma_wait3A_1260 : memref<1x50x64xf32, #tpu.memory_space<hbm>> -> memref<50x64xf32, #tpu.memory_space<hbm>>
      %dma_wait3A_1262 = arith.constant 50 : i32
      %dma_wait3A_1263 = arith.constant 0 : i32
      %dma_wait3A_1264 = tpu.memref_slice %arg6[%dma_wait3A_1246, %dma_wait3A_1262, %dma_wait3A_1263] : memref<8x100x64xf32, #tpu.memory_space<vmem>> -> memref<1x50x64xf32, #tpu.memory_space<vmem>>
      %dma_wait3A_1265 = tpu.memref_squeeze %dma_wait3A_1264 : memref<1x50x64xf32, #tpu.memory_space<vmem>> -> memref<50x64xf32, #tpu.memory_space<vmem>>
      tpu.wait_dma2 semaphore(%dma_wait3A_1257 : memref<!tpu.dma_semaphore, #tpu.memory_space<semaphore_mem>>) src(%dma_wait3A_1265 : memref<50x64xf32, #tpu.memory_space<vmem>>) dst(%dma_wait3A_1261 : memref<50x64xf32, #tpu.memory_space<hbm>>)
      %add3A_1266 = arith.constant 8 : i32
      %add3A_1267 = arith.addi %add3A_1151, %add3A_1266 : i32
      %dma_start3A_1268 = arith.constant 1 : i32
      %dma_start3A_1269 = arith.constant 1 : i32
      %dma_start3A_1270 = arith.constant 0 : i32
      %dma_start3A_1271 = arith.constant 0 : i32
      %dma_start3A_1272 = tpu.memref_slice %arg6[%dma_start3A_1268, %dma_start3A_1270, %dma_start3A_1271] : memref<8x100x64xf32, #tpu.memory_space<vmem>> -> memref<1x100x64xf32, #tpu.memory_space<vmem>>
      %dma_start3A_1273 = tpu.memref_squeeze %dma_start3A_1272 : memref<1x100x64xf32, #tpu.memory_space<vmem>> -> memref<100x64xf32, #tpu.memory_space<vmem>>
      %dma_start3A_1274 = arith.constant 0 : i32
      %dma_start3A_1275 = tpu.memref_slice %arg5[%add3A_1267, %dma_start3A_1274] : memref<256x100xi32, #tpu.memory_space<vmem>> -> memref<1x100xi32, #tpu.memory_space<vmem>>
      %dma_start3A_1276 = tpu.memref_squeeze %dma_start3A_1275 : memref<1x100xi32, #tpu.memory_space<vmem>> -> memref<100xi32, #tpu.memory_space<vmem>>
      %dma_start3A_1277 = arith.constant 0 : i32
      %dma_start3A_1278 = arith.constant 0 : i32
      %dma_start3A_1279 = tpu.memref_slice %arg2[%dma_start3A_1277, %dma_start3A_1278] : memref<1000000x64xf32, #tpu.memory_space<hbm>> -> memref<1000000x64xf32, #tpu.memory_space<hbm>>
      %dma_start3A_1280 = tpu.memref_slice %arg7[%dma_start3A_1269] : memref<8x!tpu.dma_semaphore, #tpu.memory_space<semaphore_mem>> -> memref<1x!tpu.dma_semaphore, #tpu.memory_space<semaphore_mem>>
      %dma_start3A_1281 = tpu.memref_squeeze %dma_start3A_1280 : memref<1x!tpu.dma_semaphore, #tpu.memory_space<semaphore_mem>> -> memref<!tpu.dma_semaphore, #tpu.memory_space<semaphore_mem>>
      tpu.enqueue_indirect_dma source(%dma_start3A_1279 : memref<1000000x64xf32, #tpu.memory_space<hbm>>) target(%dma_start3A_1273 : memref<100x64xf32, #tpu.memory_space<vmem>>) offsets(%dma_start3A_1276 : memref<100xi32, #tpu.memory_space<vmem>>) semaphore(%dma_start3A_1281 : memref<!tpu.dma_semaphore, #tpu.memory_space<semaphore_mem>>)
      %add3A_1282 = arith.constant 2 : i32
      %add3A_1283 = arith.addi %add3A_1017, %add3A_1282 : i32
      %dma_wait3A_1284 = arith.constant 2 : i32
      %dma_wait3A_1285 = arith.constant 2 : i32
      %dma_wait3A_1286 = arith.constant 0 : i32
      %dma_wait3A_1287 = arith.constant 0 : i32
      %dma_wait3A_1288 = tpu.memref_slice %arg6[%dma_wait3A_1284, %dma_wait3A_1286, %dma_wait3A_1287] : memref<8x100x64xf32, #tpu.memory_space<vmem>> -> memref<1x100x64xf32, #tpu.memory_space<vmem>>
      %dma_wait3A_1289 = tpu.memref_squeeze %dma_wait3A_1288 : memref<1x100x64xf32, #tpu.memory_space<vmem>> -> memref<100x64xf32, #tpu.memory_space<vmem>>
      %dma_wait3A_1290 = arith.constant 0 : i32
      %dma_wait3A_1291 = tpu.memref_slice %arg5[%add3A_1283, %dma_wait3A_1290] : memref<256x100xi32, #tpu.memory_space<vmem>> -> memref<1x100xi32, #tpu.memory_space<vmem>>
      %dma_wait3A_1292 = tpu.memref_squeeze %dma_wait3A_1291 : memref<1x100xi32, #tpu.memory_space<vmem>> -> memref<100xi32, #tpu.memory_space<vmem>>
      %dma_wait3A_1293 = arith.constant 0 : i32
      %dma_wait3A_1294 = arith.constant 0 : i32
      %dma_wait3A_1295 = tpu.memref_slice %arg2[%dma_wait3A_1293, %dma_wait3A_1294] : memref<1000000x64xf32, #tpu.memory_space<hbm>> -> memref<1000000x64xf32, #tpu.memory_space<hbm>>
      %dma_wait3A_1296 = tpu.memref_slice %arg7[%dma_wait3A_1285] : memref<8x!tpu.dma_semaphore, #tpu.memory_space<semaphore_mem>> -> memref<1x!tpu.dma_semaphore, #tpu.memory_space<semaphore_mem>>
      %dma_wait3A_1297 = tpu.memref_squeeze %dma_wait3A_1296 : memref<1x!tpu.dma_semaphore, #tpu.memory_space<semaphore_mem>> -> memref<!tpu.dma_semaphore, #tpu.memory_space<semaphore_mem>>
      tpu.wait_indirect_dma semaphore(%dma_wait3A_1297 : memref<!tpu.dma_semaphore, #tpu.memory_space<semaphore_mem>>) src(%dma_wait3A_1295 : memref<1000000x64xf32, #tpu.memory_space<hbm>>) dst(%dma_wait3A_1289 : memref<100x64xf32, #tpu.memory_space<vmem>>)
      %mul3A_1298 = arith.constant 2 : i32
      %mul3A_1299 = arith.muli %add3A_1283, %mul3A_1298 : i32
      %add3A_1300 = arith.addi %mul3A_2, %mul3A_1299 : i32
      %add3A_1301 = arith.constant 0 : i32
      %add3A_1302 = arith.addi %add3A_1300, %add3A_1301 : i32
      %dma_start3A_1303 = arith.constant 2 : i32
      %dma_start3A_1304 = arith.constant 2 : i32
      %dma_start3A_1305 = arith.constant 0 : i32
      %dma_start3A_1306 = arith.constant 0 : i32
      %dma_start3A_1307 = tpu.memref_slice %arg6[%dma_start3A_1303, %dma_start3A_1305, %dma_start3A_1306] : memref<8x100x64xf32, #tpu.memory_space<vmem>> -> memref<1x50x64xf32, #tpu.memory_space<vmem>>
      %dma_start3A_1308 = tpu.memref_squeeze %dma_start3A_1307 : memref<1x50x64xf32, #tpu.memory_space<vmem>> -> memref<50x64xf32, #tpu.memory_space<vmem>>
      %dma_start3A_1309 = arith.constant 0 : i32
      %dma_start3A_1310 = arith.constant 0 : i32
      %dma_start3A_1311 = tpu.memref_slice %arg4[%add3A_1302, %dma_start3A_1309, %dma_start3A_1310] : memref<16384x56x128xf32, #tpu.memory_space<hbm>> -> memref<1x50x64xf32, #tpu.memory_space<hbm>>
      %dma_start3A_1312 = tpu.memref_squeeze %dma_start3A_1311 : memref<1x50x64xf32, #tpu.memory_space<hbm>> -> memref<50x64xf32, #tpu.memory_space<hbm>>
      %dma_start3A_1313 = tpu.memref_slice %arg8[%dma_start3A_1304] : memref<8x!tpu.dma_semaphore, #tpu.memory_space<semaphore_mem>> -> memref<1x!tpu.dma_semaphore, #tpu.memory_space<semaphore_mem>>
      %dma_start3A_1314 = tpu.memref_squeeze %dma_start3A_1313 : memref<1x!tpu.dma_semaphore, #tpu.memory_space<semaphore_mem>> -> memref<!tpu.dma_semaphore, #tpu.memory_space<semaphore_mem>>
      %dma_start3A_1315 = arith.constant 0 : i32
      %dma_start3A_1316 = arith.constant 0 : i32
      %dma_start3A_1317 = tpu.memref_slice %arg4[%add3A_1302, %dma_start3A_1315, %dma_start3A_1316] : memref<16384x56x128xf32, #tpu.memory_space<hbm>> -> memref<1x50x64xf32, #tpu.memory_space<hbm>>
      %dma_start3A_1318 = tpu.memref_squeeze %dma_start3A_1317 : memref<1x50x64xf32, #tpu.memory_space<hbm>> -> memref<50x64xf32, #tpu.memory_space<hbm>>
      %dma_start3A_1319 = arith.constant 0 : i32
      %dma_start3A_1320 = arith.constant 0 : i32
      %dma_start3A_1321 = tpu.memref_slice %arg6[%dma_start3A_1303, %dma_start3A_1319, %dma_start3A_1320] : memref<8x100x64xf32, #tpu.memory_space<vmem>> -> memref<1x50x64xf32, #tpu.memory_space<vmem>>
      %dma_start3A_1322 = tpu.memref_squeeze %dma_start3A_1321 : memref<1x50x64xf32, #tpu.memory_space<vmem>> -> memref<50x64xf32, #tpu.memory_space<vmem>>
      tpu.enqueue_dma source(%dma_start3A_1322 : memref<50x64xf32, #tpu.memory_space<vmem>>) target(%dma_start3A_1318 : memref<50x64xf32, #tpu.memory_space<hbm>>) target_semaphore(%dma_start3A_1314 : memref<!tpu.dma_semaphore, #tpu.memory_space<semaphore_mem>>)
      %mul3A_1323 = arith.constant 2 : i32
      %mul3A_1324 = arith.muli %add3A_1283, %mul3A_1323 : i32
      %add3A_1325 = arith.addi %mul3A_2, %mul3A_1324 : i32
      %add3A_1326 = arith.constant 1 : i32
      %add3A_1327 = arith.addi %add3A_1325, %add3A_1326 : i32
      %dma_start3A_1328 = arith.constant 2 : i32
      %dma_start3A_1329 = arith.constant 2 : i32
      %dma_start3A_1330 = arith.constant 50 : i32
      %dma_start3A_1331 = arith.constant 0 : i32
      %dma_start3A_1332 = tpu.memref_slice %arg6[%dma_start3A_1328, %dma_start3A_1330, %dma_start3A_1331] : memref<8x100x64xf32, #tpu.memory_space<vmem>> -> memref<1x50x64xf32, #tpu.memory_space<vmem>>
      %dma_start3A_1333 = tpu.memref_squeeze %dma_start3A_1332 : memref<1x50x64xf32, #tpu.memory_space<vmem>> -> memref<50x64xf32, #tpu.memory_space<vmem>>
      %dma_start3A_1334 = arith.constant 0 : i32
      %dma_start3A_1335 = arith.constant 0 : i32
      %dma_start3A_1336 = tpu.memref_slice %arg4[%add3A_1327, %dma_start3A_1334, %dma_start3A_1335] : memref<16384x56x128xf32, #tpu.memory_space<hbm>> -> memref<1x50x64xf32, #tpu.memory_space<hbm>>
      %dma_start3A_1337 = tpu.memref_squeeze %dma_start3A_1336 : memref<1x50x64xf32, #tpu.memory_space<hbm>> -> memref<50x64xf32, #tpu.memory_space<hbm>>
      %dma_start3A_1338 = tpu.memref_slice %arg8[%dma_start3A_1329] : memref<8x!tpu.dma_semaphore, #tpu.memory_space<semaphore_mem>> -> memref<1x!tpu.dma_semaphore, #tpu.memory_space<semaphore_mem>>
      %dma_start3A_1339 = tpu.memref_squeeze %dma_start3A_1338 : memref<1x!tpu.dma_semaphore, #tpu.memory_space<semaphore_mem>> -> memref<!tpu.dma_semaphore, #tpu.memory_space<semaphore_mem>>
      %dma_start3A_1340 = arith.constant 0 : i32
      %dma_start3A_1341 = arith.constant 0 : i32
      %dma_start3A_1342 = tpu.memref_slice %arg4[%add3A_1327, %dma_start3A_1340, %dma_start3A_1341] : memref<16384x56x128xf32, #tpu.memory_space<hbm>> -> memref<1x50x64xf32, #tpu.memory_space<hbm>>
      %dma_start3A_1343 = tpu.memref_squeeze %dma_start3A_1342 : memref<1x50x64xf32, #tpu.memory_space<hbm>> -> memref<50x64xf32, #tpu.memory_space<hbm>>
      %dma_start3A_1344 = arith.constant 50 : i32
      %dma_start3A_1345 = arith.constant 0 : i32
      %dma_start3A_1346 = tpu.memref_slice %arg6[%dma_start3A_1328, %dma_start3A_1344, %dma_start3A_1345] : memref<8x100x64xf32, #tpu.memory_space<vmem>> -> memref<1x50x64xf32, #tpu.memory_space<vmem>>
      %dma_start3A_1347 = tpu.memref_squeeze %dma_start3A_1346 : memref<1x50x64xf32, #tpu.memory_space<vmem>> -> memref<50x64xf32, #tpu.memory_space<vmem>>
      tpu.enqueue_dma source(%dma_start3A_1347 : memref<50x64xf32, #tpu.memory_space<vmem>>) target(%dma_start3A_1343 : memref<50x64xf32, #tpu.memory_space<hbm>>) target_semaphore(%dma_start3A_1339 : memref<!tpu.dma_semaphore, #tpu.memory_space<semaphore_mem>>)
      %mul3A_1348 = arith.constant 2 : i32
      %mul3A_1349 = arith.muli %add3A_1283, %mul3A_1348 : i32
      %add3A_1350 = arith.addi %mul3A_2, %mul3A_1349 : i32
      %add3A_1351 = arith.constant 0 : i32
      %add3A_1352 = arith.addi %add3A_1350, %add3A_1351 : i32
      %dma_wait3A_1353 = arith.constant 2 : i32
      %dma_wait3A_1354 = arith.constant 2 : i32
      %dma_wait3A_1355 = arith.constant 0 : i32
      %dma_wait3A_1356 = arith.constant 0 : i32
      %dma_wait3A_1357 = tpu.memref_slice %arg6[%dma_wait3A_1353, %dma_wait3A_1355, %dma_wait3A_1356] : memref<8x100x64xf32, #tpu.memory_space<vmem>> -> memref<1x50x64xf32, #tpu.memory_space<vmem>>
      %dma_wait3A_1358 = tpu.memref_squeeze %dma_wait3A_1357 : memref<1x50x64xf32, #tpu.memory_space<vmem>> -> memref<50x64xf32, #tpu.memory_space<vmem>>
      %dma_wait3A_1359 = arith.constant 0 : i32
      %dma_wait3A_1360 = arith.constant 0 : i32
      %dma_wait3A_1361 = tpu.memref_slice %arg4[%add3A_1352, %dma_wait3A_1359, %dma_wait3A_1360] : memref<16384x56x128xf32, #tpu.memory_space<hbm>> -> memref<1x50x64xf32, #tpu.memory_space<hbm>>
      %dma_wait3A_1362 = tpu.memref_squeeze %dma_wait3A_1361 : memref<1x50x64xf32, #tpu.memory_space<hbm>> -> memref<50x64xf32, #tpu.memory_space<hbm>>
      %dma_wait3A_1363 = tpu.memref_slice %arg8[%dma_wait3A_1354] : memref<8x!tpu.dma_semaphore, #tpu.memory_space<semaphore_mem>> -> memref<1x!tpu.dma_semaphore, #tpu.memory_space<semaphore_mem>>
      %dma_wait3A_1364 = tpu.memref_squeeze %dma_wait3A_1363 : memref<1x!tpu.dma_semaphore, #tpu.memory_space<semaphore_mem>> -> memref<!tpu.dma_semaphore, #tpu.memory_space<semaphore_mem>>
      %dma_wait3A_1365 = arith.constant 0 : i32
      %dma_wait3A_1366 = arith.constant 0 : i32
      %dma_wait3A_1367 = tpu.memref_slice %arg4[%add3A_1352, %dma_wait3A_1365, %dma_wait3A_1366] : memref<16384x56x128xf32, #tpu.memory_space<hbm>> -> memref<1x50x64xf32, #tpu.memory_space<hbm>>
      %dma_wait3A_1368 = tpu.memref_squeeze %dma_wait3A_1367 : memref<1x50x64xf32, #tpu.memory_space<hbm>> -> memref<50x64xf32, #tpu.memory_space<hbm>>
      %dma_wait3A_1369 = arith.constant 0 : i32
      %dma_wait3A_1370 = arith.constant 0 : i32
      %dma_wait3A_1371 = tpu.memref_slice %arg6[%dma_wait3A_1353, %dma_wait3A_1369, %dma_wait3A_1370] : memref<8x100x64xf32, #tpu.memory_space<vmem>> -> memref<1x50x64xf32, #tpu.memory_space<vmem>>
      %dma_wait3A_1372 = tpu.memref_squeeze %dma_wait3A_1371 : memref<1x50x64xf32, #tpu.memory_space<vmem>> -> memref<50x64xf32, #tpu.memory_space<vmem>>
      tpu.wait_dma2 semaphore(%dma_wait3A_1364 : memref<!tpu.dma_semaphore, #tpu.memory_space<semaphore_mem>>) src(%dma_wait3A_1372 : memref<50x64xf32, #tpu.memory_space<vmem>>) dst(%dma_wait3A_1368 : memref<50x64xf32, #tpu.memory_space<hbm>>)
      %mul3A_1373 = arith.constant 2 : i32
      %mul3A_1374 = arith.muli %add3A_1283, %mul3A_1373 : i32
      %add3A_1375 = arith.addi %mul3A_2, %mul3A_1374 : i32
      %add3A_1376 = arith.constant 1 : i32
      %add3A_1377 = arith.addi %add3A_1375, %add3A_1376 : i32
      %dma_wait3A_1378 = arith.constant 2 : i32
      %dma_wait3A_1379 = arith.constant 2 : i32
      %dma_wait3A_1380 = arith.constant 50 : i32
      %dma_wait3A_1381 = arith.constant 0 : i32
      %dma_wait3A_1382 = tpu.memref_slice %arg6[%dma_wait3A_1378, %dma_wait3A_1380, %dma_wait3A_1381] : memref<8x100x64xf32, #tpu.memory_space<vmem>> -> memref<1x50x64xf32, #tpu.memory_space<vmem>>
      %dma_wait3A_1383 = tpu.memref_squeeze %dma_wait3A_1382 : memref<1x50x64xf32, #tpu.memory_space<vmem>> -> memref<50x64xf32, #tpu.memory_space<vmem>>
      %dma_wait3A_1384 = arith.constant 0 : i32
      %dma_wait3A_1385 = arith.constant 0 : i32
      %dma_wait3A_1386 = tpu.memref_slice %arg4[%add3A_1377, %dma_wait3A_1384, %dma_wait3A_1385] : memref<16384x56x128xf32, #tpu.memory_space<hbm>> -> memref<1x50x64xf32, #tpu.memory_space<hbm>>
      %dma_wait3A_1387 = tpu.memref_squeeze %dma_wait3A_1386 : memref<1x50x64xf32, #tpu.memory_space<hbm>> -> memref<50x64xf32, #tpu.memory_space<hbm>>
      %dma_wait3A_1388 = tpu.memref_slice %arg8[%dma_wait3A_1379] : memref<8x!tpu.dma_semaphore, #tpu.memory_space<semaphore_mem>> -> memref<1x!tpu.dma_semaphore, #tpu.memory_space<semaphore_mem>>
      %dma_wait3A_1389 = tpu.memref_squeeze %dma_wait3A_1388 : memref<1x!tpu.dma_semaphore, #tpu.memory_space<semaphore_mem>> -> memref<!tpu.dma_semaphore, #tpu.memory_space<semaphore_mem>>
      %dma_wait3A_1390 = arith.constant 0 : i32
      %dma_wait3A_1391 = arith.constant 0 : i32
      %dma_wait3A_1392 = tpu.memref_slice %arg4[%add3A_1377, %dma_wait3A_1390, %dma_wait3A_1391] : memref<16384x56x128xf32, #tpu.memory_space<hbm>> -> memref<1x50x64xf32, #tpu.memory_space<hbm>>
      %dma_wait3A_1393 = tpu.memref_squeeze %dma_wait3A_1392 : memref<1x50x64xf32, #tpu.memory_space<hbm>> -> memref<50x64xf32, #tpu.memory_space<hbm>>
      %dma_wait3A_1394 = arith.constant 50 : i32
      %dma_wait3A_1395 = arith.constant 0 : i32
      %dma_wait3A_1396 = tpu.memref_slice %arg6[%dma_wait3A_1378, %dma_wait3A_1394, %dma_wait3A_1395] : memref<8x100x64xf32, #tpu.memory_space<vmem>> -> memref<1x50x64xf32, #tpu.memory_space<vmem>>
      %dma_wait3A_1397 = tpu.memref_squeeze %dma_wait3A_1396 : memref<1x50x64xf32, #tpu.memory_space<vmem>> -> memref<50x64xf32, #tpu.memory_space<vmem>>
      tpu.wait_dma2 semaphore(%dma_wait3A_1389 : memref<!tpu.dma_semaphore, #tpu.memory_space<semaphore_mem>>) src(%dma_wait3A_1397 : memref<50x64xf32, #tpu.memory_space<vmem>>) dst(%dma_wait3A_1393 : memref<50x64xf32, #tpu.memory_space<hbm>>)
      %add3A_1398 = arith.constant 8 : i32
      %add3A_1399 = arith.addi %add3A_1283, %add3A_1398 : i32
      %dma_start3A_1400 = arith.constant 2 : i32
      %dma_start3A_1401 = arith.constant 2 : i32
      %dma_start3A_1402 = arith.constant 0 : i32
      %dma_start3A_1403 = arith.constant 0 : i32
      %dma_start3A_1404 = tpu.memref_slice %arg6[%dma_start3A_1400, %dma_start3A_1402, %dma_start3A_1403] : memref<8x100x64xf32, #tpu.memory_space<vmem>> -> memref<1x100x64xf32, #tpu.memory_space<vmem>>
      %dma_start3A_1405 = tpu.memref_squeeze %dma_start3A_1404 : memref<1x100x64xf32, #tpu.memory_space<vmem>> -> memref<100x64xf32, #tpu.memory_space<vmem>>
      %dma_start3A_1406 = arith.constant 0 : i32
      %dma_start3A_1407 = tpu.memref_slice %arg5[%add3A_1399, %dma_start3A_1406] : memref<256x100xi32, #tpu.memory_space<vmem>> -> memref<1x100xi32, #tpu.memory_space<vmem>>
      %dma_start3A_1408 = tpu.memref_squeeze %dma_start3A_1407 : memref<1x100xi32, #tpu.memory_space<vmem>> -> memref<100xi32, #tpu.memory_space<vmem>>
      %dma_start3A_1409 = arith.constant 0 : i32
      %dma_start3A_1410 = arith.constant 0 : i32
      %dma_start3A_1411 = tpu.memref_slice %arg2[%dma_start3A_1409, %dma_start3A_1410] : memref<1000000x64xf32, #tpu.memory_space<hbm>> -> memref<1000000x64xf32, #tpu.memory_space<hbm>>
      %dma_start3A_1412 = tpu.memref_slice %arg7[%dma_start3A_1401] : memref<8x!tpu.dma_semaphore, #tpu.memory_space<semaphore_mem>> -> memref<1x!tpu.dma_semaphore, #tpu.memory_space<semaphore_mem>>
      %dma_start3A_1413 = tpu.memref_squeeze %dma_start3A_1412 : memref<1x!tpu.dma_semaphore, #tpu.memory_space<semaphore_mem>> -> memref<!tpu.dma_semaphore, #tpu.memory_space<semaphore_mem>>
      tpu.enqueue_indirect_dma source(%dma_start3A_1411 : memref<1000000x64xf32, #tpu.memory_space<hbm>>) target(%dma_start3A_1405 : memref<100x64xf32, #tpu.memory_space<vmem>>) offsets(%dma_start3A_1408 : memref<100xi32, #tpu.memory_space<vmem>>) semaphore(%dma_start3A_1413 : memref<!tpu.dma_semaphore, #tpu.memory_space<semaphore_mem>>)
      %add3A_1414 = arith.constant 3 : i32
      %add3A_1415 = arith.addi %add3A_1017, %add3A_1414 : i32
      %dma_wait3A_1416 = arith.constant 3 : i32
      %dma_wait3A_1417 = arith.constant 3 : i32
      %dma_wait3A_1418 = arith.constant 0 : i32
      %dma_wait3A_1419 = arith.constant 0 : i32
      %dma_wait3A_1420 = tpu.memref_slice %arg6[%dma_wait3A_1416, %dma_wait3A_1418, %dma_wait3A_1419] : memref<8x100x64xf32, #tpu.memory_space<vmem>> -> memref<1x100x64xf32, #tpu.memory_space<vmem>>
      %dma_wait3A_1421 = tpu.memref_squeeze %dma_wait3A_1420 : memref<1x100x64xf32, #tpu.memory_space<vmem>> -> memref<100x64xf32, #tpu.memory_space<vmem>>
      %dma_wait3A_1422 = arith.constant 0 : i32
      %dma_wait3A_1423 = tpu.memref_slice %arg5[%add3A_1415, %dma_wait3A_1422] : memref<256x100xi32, #tpu.memory_space<vmem>> -> memref<1x100xi32, #tpu.memory_space<vmem>>
      %dma_wait3A_1424 = tpu.memref_squeeze %dma_wait3A_1423 : memref<1x100xi32, #tpu.memory_space<vmem>> -> memref<100xi32, #tpu.memory_space<vmem>>
      %dma_wait3A_1425 = arith.constant 0 : i32
      %dma_wait3A_1426 = arith.constant 0 : i32
      %dma_wait3A_1427 = tpu.memref_slice %arg2[%dma_wait3A_1425, %dma_wait3A_1426] : memref<1000000x64xf32, #tpu.memory_space<hbm>> -> memref<1000000x64xf32, #tpu.memory_space<hbm>>
      %dma_wait3A_1428 = tpu.memref_slice %arg7[%dma_wait3A_1417] : memref<8x!tpu.dma_semaphore, #tpu.memory_space<semaphore_mem>> -> memref<1x!tpu.dma_semaphore, #tpu.memory_space<semaphore_mem>>
      %dma_wait3A_1429 = tpu.memref_squeeze %dma_wait3A_1428 : memref<1x!tpu.dma_semaphore, #tpu.memory_space<semaphore_mem>> -> memref<!tpu.dma_semaphore, #tpu.memory_space<semaphore_mem>>
      tpu.wait_indirect_dma semaphore(%dma_wait3A_1429 : memref<!tpu.dma_semaphore, #tpu.memory_space<semaphore_mem>>) src(%dma_wait3A_1427 : memref<1000000x64xf32, #tpu.memory_space<hbm>>) dst(%dma_wait3A_1421 : memref<100x64xf32, #tpu.memory_space<vmem>>)
      %mul3A_1430 = arith.constant 2 : i32
      %mul3A_1431 = arith.muli %add3A_1415, %mul3A_1430 : i32
      %add3A_1432 = arith.addi %mul3A_2, %mul3A_1431 : i32
      %add3A_1433 = arith.constant 0 : i32
      %add3A_1434 = arith.addi %add3A_1432, %add3A_1433 : i32
      %dma_start3A_1435 = arith.constant 3 : i32
      %dma_start3A_1436 = arith.constant 3 : i32
      %dma_start3A_1437 = arith.constant 0 : i32
      %dma_start3A_1438 = arith.constant 0 : i32
      %dma_start3A_1439 = tpu.memref_slice %arg6[%dma_start3A_1435, %dma_start3A_1437, %dma_start3A_1438] : memref<8x100x64xf32, #tpu.memory_space<vmem>> -> memref<1x50x64xf32, #tpu.memory_space<vmem>>
      %dma_start3A_1440 = tpu.memref_squeeze %dma_start3A_1439 : memref<1x50x64xf32, #tpu.memory_space<vmem>> -> memref<50x64xf32, #tpu.memory_space<vmem>>
      %dma_start3A_1441 = arith.constant 0 : i32
      %dma_start3A_1442 = arith.constant 0 : i32
      %dma_start3A_1443 = tpu.memref_slice %arg4[%add3A_1434, %dma_start3A_1441, %dma_start3A_1442] : memref<16384x56x128xf32, #tpu.memory_space<hbm>> -> memref<1x50x64xf32, #tpu.memory_space<hbm>>
      %dma_start3A_1444 = tpu.memref_squeeze %dma_start3A_1443 : memref<1x50x64xf32, #tpu.memory_space<hbm>> -> memref<50x64xf32, #tpu.memory_space<hbm>>
      %dma_start3A_1445 = tpu.memref_slice %arg8[%dma_start3A_1436] : memref<8x!tpu.dma_semaphore, #tpu.memory_space<semaphore_mem>> -> memref<1x!tpu.dma_semaphore, #tpu.memory_space<semaphore_mem>>
      %dma_start3A_1446 = tpu.memref_squeeze %dma_start3A_1445 : memref<1x!tpu.dma_semaphore, #tpu.memory_space<semaphore_mem>> -> memref<!tpu.dma_semaphore, #tpu.memory_space<semaphore_mem>>
      %dma_start3A_1447 = arith.constant 0 : i32
      %dma_start3A_1448 = arith.constant 0 : i32
      %dma_start3A_1449 = tpu.memref_slice %arg4[%add3A_1434, %dma_start3A_1447, %dma_start3A_1448] : memref<16384x56x128xf32, #tpu.memory_space<hbm>> -> memref<1x50x64xf32, #tpu.memory_space<hbm>>
      %dma_start3A_1450 = tpu.memref_squeeze %dma_start3A_1449 : memref<1x50x64xf32, #tpu.memory_space<hbm>> -> memref<50x64xf32, #tpu.memory_space<hbm>>
      %dma_start3A_1451 = arith.constant 0 : i32
      %dma_start3A_1452 = arith.constant 0 : i32
      %dma_start3A_1453 = tpu.memref_slice %arg6[%dma_start3A_1435, %dma_start3A_1451, %dma_start3A_1452] : memref<8x100x64xf32, #tpu.memory_space<vmem>> -> memref<1x50x64xf32, #tpu.memory_space<vmem>>
      %dma_start3A_1454 = tpu.memref_squeeze %dma_start3A_1453 : memref<1x50x64xf32, #tpu.memory_space<vmem>> -> memref<50x64xf32, #tpu.memory_space<vmem>>
      tpu.enqueue_dma source(%dma_start3A_1454 : memref<50x64xf32, #tpu.memory_space<vmem>>) target(%dma_start3A_1450 : memref<50x64xf32, #tpu.memory_space<hbm>>) target_semaphore(%dma_start3A_1446 : memref<!tpu.dma_semaphore, #tpu.memory_space<semaphore_mem>>)
      %mul3A_1455 = arith.constant 2 : i32
      %mul3A_1456 = arith.muli %add3A_1415, %mul3A_1455 : i32
      %add3A_1457 = arith.addi %mul3A_2, %mul3A_1456 : i32
      %add3A_1458 = arith.constant 1 : i32
      %add3A_1459 = arith.addi %add3A_1457, %add3A_1458 : i32
      %dma_start3A_1460 = arith.constant 3 : i32
      %dma_start3A_1461 = arith.constant 3 : i32
      %dma_start3A_1462 = arith.constant 50 : i32
      %dma_start3A_1463 = arith.constant 0 : i32
      %dma_start3A_1464 = tpu.memref_slice %arg6[%dma_start3A_1460, %dma_start3A_1462, %dma_start3A_1463] : memref<8x100x64xf32, #tpu.memory_space<vmem>> -> memref<1x50x64xf32, #tpu.memory_space<vmem>>
      %dma_start3A_1465 = tpu.memref_squeeze %dma_start3A_1464 : memref<1x50x64xf32, #tpu.memory_space<vmem>> -> memref<50x64xf32, #tpu.memory_space<vmem>>
      %dma_start3A_1466 = arith.constant 0 : i32
      %dma_start3A_1467 = arith.constant 0 : i32
      %dma_start3A_1468 = tpu.memref_slice %arg4[%add3A_1459, %dma_start3A_1466, %dma_start3A_1467] : memref<16384x56x128xf32, #tpu.memory_space<hbm>> -> memref<1x50x64xf32, #tpu.memory_space<hbm>>
      %dma_start3A_1469 = tpu.memref_squeeze %dma_start3A_1468 : memref<1x50x64xf32, #tpu.memory_space<hbm>> -> memref<50x64xf32, #tpu.memory_space<hbm>>
      %dma_start3A_1470 = tpu.memref_slice %arg8[%dma_start3A_1461] : memref<8x!tpu.dma_semaphore, #tpu.memory_space<semaphore_mem>> -> memref<1x!tpu.dma_semaphore, #tpu.memory_space<semaphore_mem>>
      %dma_start3A_1471 = tpu.memref_squeeze %dma_start3A_1470 : memref<1x!tpu.dma_semaphore, #tpu.memory_space<semaphore_mem>> -> memref<!tpu.dma_semaphore, #tpu.memory_space<semaphore_mem>>
      %dma_start3A_1472 = arith.constant 0 : i32
      %dma_start3A_1473 = arith.constant 0 : i32
      %dma_start3A_1474 = tpu.memref_slice %arg4[%add3A_1459, %dma_start3A_1472, %dma_start3A_1473] : memref<16384x56x128xf32, #tpu.memory_space<hbm>> -> memref<1x50x64xf32, #tpu.memory_space<hbm>>
      %dma_start3A_1475 = tpu.memref_squeeze %dma_start3A_1474 : memref<1x50x64xf32, #tpu.memory_space<hbm>> -> memref<50x64xf32, #tpu.memory_space<hbm>>
      %dma_start3A_1476 = arith.constant 50 : i32
      %dma_start3A_1477 = arith.constant 0 : i32
      %dma_start3A_1478 = tpu.memref_slice %arg6[%dma_start3A_1460, %dma_start3A_1476, %dma_start3A_1477] : memref<8x100x64xf32, #tpu.memory_space<vmem>> -> memref<1x50x64xf32, #tpu.memory_space<vmem>>
      %dma_start3A_1479 = tpu.memref_squeeze %dma_start3A_1478 : memref<1x50x64xf32, #tpu.memory_space<vmem>> -> memref<50x64xf32, #tpu.memory_space<vmem>>
      tpu.enqueue_dma source(%dma_start3A_1479 : memref<50x64xf32, #tpu.memory_space<vmem>>) target(%dma_start3A_1475 : memref<50x64xf32, #tpu.memory_space<hbm>>) target_semaphore(%dma_start3A_1471 : memref<!tpu.dma_semaphore, #tpu.memory_space<semaphore_mem>>)
      %mul3A_1480 = arith.constant 2 : i32
      %mul3A_1481 = arith.muli %add3A_1415, %mul3A_1480 : i32
      %add3A_1482 = arith.addi %mul3A_2, %mul3A_1481 : i32
      %add3A_1483 = arith.constant 0 : i32
      %add3A_1484 = arith.addi %add3A_1482, %add3A_1483 : i32
      %dma_wait3A_1485 = arith.constant 3 : i32
      %dma_wait3A_1486 = arith.constant 3 : i32
      %dma_wait3A_1487 = arith.constant 0 : i32
      %dma_wait3A_1488 = arith.constant 0 : i32
      %dma_wait3A_1489 = tpu.memref_slice %arg6[%dma_wait3A_1485, %dma_wait3A_1487, %dma_wait3A_1488] : memref<8x100x64xf32, #tpu.memory_space<vmem>> -> memref<1x50x64xf32, #tpu.memory_space<vmem>>
      %dma_wait3A_1490 = tpu.memref_squeeze %dma_wait3A_1489 : memref<1x50x64xf32, #tpu.memory_space<vmem>> -> memref<50x64xf32, #tpu.memory_space<vmem>>
      %dma_wait3A_1491 = arith.constant 0 : i32
      %dma_wait3A_1492 = arith.constant 0 : i32
      %dma_wait3A_1493 = tpu.memref_slice %arg4[%add3A_1484, %dma_wait3A_1491, %dma_wait3A_1492] : memref<16384x56x128xf32, #tpu.memory_space<hbm>> -> memref<1x50x64xf32, #tpu.memory_space<hbm>>
      %dma_wait3A_1494 = tpu.memref_squeeze %dma_wait3A_1493 : memref<1x50x64xf32, #tpu.memory_space<hbm>> -> memref<50x64xf32, #tpu.memory_space<hbm>>
      %dma_wait3A_1495 = tpu.memref_slice %arg8[%dma_wait3A_1486] : memref<8x!tpu.dma_semaphore, #tpu.memory_space<semaphore_mem>> -> memref<1x!tpu.dma_semaphore, #tpu.memory_space<semaphore_mem>>
      %dma_wait3A_1496 = tpu.memref_squeeze %dma_wait3A_1495 : memref<1x!tpu.dma_semaphore, #tpu.memory_space<semaphore_mem>> -> memref<!tpu.dma_semaphore, #tpu.memory_space<semaphore_mem>>
      %dma_wait3A_1497 = arith.constant 0 : i32
      %dma_wait3A_1498 = arith.constant 0 : i32
      %dma_wait3A_1499 = tpu.memref_slice %arg4[%add3A_1484, %dma_wait3A_1497, %dma_wait3A_1498] : memref<16384x56x128xf32, #tpu.memory_space<hbm>> -> memref<1x50x64xf32, #tpu.memory_space<hbm>>
      %dma_wait3A_1500 = tpu.memref_squeeze %dma_wait3A_1499 : memref<1x50x64xf32, #tpu.memory_space<hbm>> -> memref<50x64xf32, #tpu.memory_space<hbm>>
      %dma_wait3A_1501 = arith.constant 0 : i32
      %dma_wait3A_1502 = arith.constant 0 : i32
      %dma_wait3A_1503 = tpu.memref_slice %arg6[%dma_wait3A_1485, %dma_wait3A_1501, %dma_wait3A_1502] : memref<8x100x64xf32, #tpu.memory_space<vmem>> -> memref<1x50x64xf32, #tpu.memory_space<vmem>>
      %dma_wait3A_1504 = tpu.memref_squeeze %dma_wait3A_1503 : memref<1x50x64xf32, #tpu.memory_space<vmem>> -> memref<50x64xf32, #tpu.memory_space<vmem>>
      tpu.wait_dma2 semaphore(%dma_wait3A_1496 : memref<!tpu.dma_semaphore, #tpu.memory_space<semaphore_mem>>) src(%dma_wait3A_1504 : memref<50x64xf32, #tpu.memory_space<vmem>>) dst(%dma_wait3A_1500 : memref<50x64xf32, #tpu.memory_space<hbm>>)
      %mul3A_1505 = arith.constant 2 : i32
      %mul3A_1506 = arith.muli %add3A_1415, %mul3A_1505 : i32
      %add3A_1507 = arith.addi %mul3A_2, %mul3A_1506 : i32
      %add3A_1508 = arith.constant 1 : i32
      %add3A_1509 = arith.addi %add3A_1507, %add3A_1508 : i32
      %dma_wait3A_1510 = arith.constant 3 : i32
      %dma_wait3A_1511 = arith.constant 3 : i32
      %dma_wait3A_1512 = arith.constant 50 : i32
      %dma_wait3A_1513 = arith.constant 0 : i32
      %dma_wait3A_1514 = tpu.memref_slice %arg6[%dma_wait3A_1510, %dma_wait3A_1512, %dma_wait3A_1513] : memref<8x100x64xf32, #tpu.memory_space<vmem>> -> memref<1x50x64xf32, #tpu.memory_space<vmem>>
      %dma_wait3A_1515 = tpu.memref_squeeze %dma_wait3A_1514 : memref<1x50x64xf32, #tpu.memory_space<vmem>> -> memref<50x64xf32, #tpu.memory_space<vmem>>
      %dma_wait3A_1516 = arith.constant 0 : i32
      %dma_wait3A_1517 = arith.constant 0 : i32
      %dma_wait3A_1518 = tpu.memref_slice %arg4[%add3A_1509, %dma_wait3A_1516, %dma_wait3A_1517] : memref<16384x56x128xf32, #tpu.memory_space<hbm>> -> memref<1x50x64xf32, #tpu.memory_space<hbm>>
      %dma_wait3A_1519 = tpu.memref_squeeze %dma_wait3A_1518 : memref<1x50x64xf32, #tpu.memory_space<hbm>> -> memref<50x64xf32, #tpu.memory_space<hbm>>
      %dma_wait3A_1520 = tpu.memref_slice %arg8[%dma_wait3A_1511] : memref<8x!tpu.dma_semaphore, #tpu.memory_space<semaphore_mem>> -> memref<1x!tpu.dma_semaphore, #tpu.memory_space<semaphore_mem>>
      %dma_wait3A_1521 = tpu.memref_squeeze %dma_wait3A_1520 : memref<1x!tpu.dma_semaphore, #tpu.memory_space<semaphore_mem>> -> memref<!tpu.dma_semaphore, #tpu.memory_space<semaphore_mem>>
      %dma_wait3A_1522 = arith.constant 0 : i32
      %dma_wait3A_1523 = arith.constant 0 : i32
      %dma_wait3A_1524 = tpu.memref_slice %arg4[%add3A_1509, %dma_wait3A_1522, %dma_wait3A_1523] : memref<16384x56x128xf32, #tpu.memory_space<hbm>> -> memref<1x50x64xf32, #tpu.memory_space<hbm>>
      %dma_wait3A_1525 = tpu.memref_squeeze %dma_wait3A_1524 : memref<1x50x64xf32, #tpu.memory_space<hbm>> -> memref<50x64xf32, #tpu.memory_space<hbm>>
      %dma_wait3A_1526 = arith.constant 50 : i32
      %dma_wait3A_1527 = arith.constant 0 : i32
      %dma_wait3A_1528 = tpu.memref_slice %arg6[%dma_wait3A_1510, %dma_wait3A_1526, %dma_wait3A_1527] : memref<8x100x64xf32, #tpu.memory_space<vmem>> -> memref<1x50x64xf32, #tpu.memory_space<vmem>>
      %dma_wait3A_1529 = tpu.memref_squeeze %dma_wait3A_1528 : memref<1x50x64xf32, #tpu.memory_space<vmem>> -> memref<50x64xf32, #tpu.memory_space<vmem>>
      tpu.wait_dma2 semaphore(%dma_wait3A_1521 : memref<!tpu.dma_semaphore, #tpu.memory_space<semaphore_mem>>) src(%dma_wait3A_1529 : memref<50x64xf32, #tpu.memory_space<vmem>>) dst(%dma_wait3A_1525 : memref<50x64xf32, #tpu.memory_space<hbm>>)
      %add3A_1530 = arith.constant 8 : i32
      %add3A_1531 = arith.addi %add3A_1415, %add3A_1530 : i32
      %dma_start3A_1532 = arith.constant 3 : i32
      %dma_start3A_1533 = arith.constant 3 : i32
      %dma_start3A_1534 = arith.constant 0 : i32
      %dma_start3A_1535 = arith.constant 0 : i32
      %dma_start3A_1536 = tpu.memref_slice %arg6[%dma_start3A_1532, %dma_start3A_1534, %dma_start3A_1535] : memref<8x100x64xf32, #tpu.memory_space<vmem>> -> memref<1x100x64xf32, #tpu.memory_space<vmem>>
      %dma_start3A_1537 = tpu.memref_squeeze %dma_start3A_1536 : memref<1x100x64xf32, #tpu.memory_space<vmem>> -> memref<100x64xf32, #tpu.memory_space<vmem>>
      %dma_start3A_1538 = arith.constant 0 : i32
      %dma_start3A_1539 = tpu.memref_slice %arg5[%add3A_1531, %dma_start3A_1538] : memref<256x100xi32, #tpu.memory_space<vmem>> -> memref<1x100xi32, #tpu.memory_space<vmem>>
      %dma_start3A_1540 = tpu.memref_squeeze %dma_start3A_1539 : memref<1x100xi32, #tpu.memory_space<vmem>> -> memref<100xi32, #tpu.memory_space<vmem>>
      %dma_start3A_1541 = arith.constant 0 : i32
      %dma_start3A_1542 = arith.constant 0 : i32
      %dma_start3A_1543 = tpu.memref_slice %arg2[%dma_start3A_1541, %dma_start3A_1542] : memref<1000000x64xf32, #tpu.memory_space<hbm>> -> memref<1000000x64xf32, #tpu.memory_space<hbm>>
      %dma_start3A_1544 = tpu.memref_slice %arg7[%dma_start3A_1533] : memref<8x!tpu.dma_semaphore, #tpu.memory_space<semaphore_mem>> -> memref<1x!tpu.dma_semaphore, #tpu.memory_space<semaphore_mem>>
      %dma_start3A_1545 = tpu.memref_squeeze %dma_start3A_1544 : memref<1x!tpu.dma_semaphore, #tpu.memory_space<semaphore_mem>> -> memref<!tpu.dma_semaphore, #tpu.memory_space<semaphore_mem>>
      tpu.enqueue_indirect_dma source(%dma_start3A_1543 : memref<1000000x64xf32, #tpu.memory_space<hbm>>) target(%dma_start3A_1537 : memref<100x64xf32, #tpu.memory_space<vmem>>) offsets(%dma_start3A_1540 : memref<100xi32, #tpu.memory_space<vmem>>) semaphore(%dma_start3A_1545 : memref<!tpu.dma_semaphore, #tpu.memory_space<semaphore_mem>>)
      %add3A_1546 = arith.constant 4 : i32
      %add3A_1547 = arith.addi %add3A_1017, %add3A_1546 : i32
      %dma_wait3A_1548 = arith.constant 4 : i32
      %dma_wait3A_1549 = arith.constant 4 : i32
      %dma_wait3A_1550 = arith.constant 0 : i32
      %dma_wait3A_1551 = arith.constant 0 : i32
      %dma_wait3A_1552 = tpu.memref_slice %arg6[%dma_wait3A_1548, %dma_wait3A_1550, %dma_wait3A_1551] : memref<8x100x64xf32, #tpu.memory_space<vmem>> -> memref<1x100x64xf32, #tpu.memory_space<vmem>>
      %dma_wait3A_1553 = tpu.memref_squeeze %dma_wait3A_1552 : memref<1x100x64xf32, #tpu.memory_space<vmem>> -> memref<100x64xf32, #tpu.memory_space<vmem>>
      %dma_wait3A_1554 = arith.constant 0 : i32
      %dma_wait3A_1555 = tpu.memref_slice %arg5[%add3A_1547, %dma_wait3A_1554] : memref<256x100xi32, #tpu.memory_space<vmem>> -> memref<1x100xi32, #tpu.memory_space<vmem>>
      %dma_wait3A_1556 = tpu.memref_squeeze %dma_wait3A_1555 : memref<1x100xi32, #tpu.memory_space<vmem>> -> memref<100xi32, #tpu.memory_space<vmem>>
      %dma_wait3A_1557 = arith.constant 0 : i32
      %dma_wait3A_1558 = arith.constant 0 : i32
      %dma_wait3A_1559 = tpu.memref_slice %arg2[%dma_wait3A_1557, %dma_wait3A_1558] : memref<1000000x64xf32, #tpu.memory_space<hbm>> -> memref<1000000x64xf32, #tpu.memory_space<hbm>>
      %dma_wait3A_1560 = tpu.memref_slice %arg7[%dma_wait3A_1549] : memref<8x!tpu.dma_semaphore, #tpu.memory_space<semaphore_mem>> -> memref<1x!tpu.dma_semaphore, #tpu.memory_space<semaphore_mem>>
      %dma_wait3A_1561 = tpu.memref_squeeze %dma_wait3A_1560 : memref<1x!tpu.dma_semaphore, #tpu.memory_space<semaphore_mem>> -> memref<!tpu.dma_semaphore, #tpu.memory_space<semaphore_mem>>
      tpu.wait_indirect_dma semaphore(%dma_wait3A_1561 : memref<!tpu.dma_semaphore, #tpu.memory_space<semaphore_mem>>) src(%dma_wait3A_1559 : memref<1000000x64xf32, #tpu.memory_space<hbm>>) dst(%dma_wait3A_1553 : memref<100x64xf32, #tpu.memory_space<vmem>>)
      %mul3A_1562 = arith.constant 2 : i32
      %mul3A_1563 = arith.muli %add3A_1547, %mul3A_1562 : i32
      %add3A_1564 = arith.addi %mul3A_2, %mul3A_1563 : i32
      %add3A_1565 = arith.constant 0 : i32
      %add3A_1566 = arith.addi %add3A_1564, %add3A_1565 : i32
      %dma_start3A_1567 = arith.constant 4 : i32
      %dma_start3A_1568 = arith.constant 4 : i32
      %dma_start3A_1569 = arith.constant 0 : i32
      %dma_start3A_1570 = arith.constant 0 : i32
      %dma_start3A_1571 = tpu.memref_slice %arg6[%dma_start3A_1567, %dma_start3A_1569, %dma_start3A_1570] : memref<8x100x64xf32, #tpu.memory_space<vmem>> -> memref<1x50x64xf32, #tpu.memory_space<vmem>>
      %dma_start3A_1572 = tpu.memref_squeeze %dma_start3A_1571 : memref<1x50x64xf32, #tpu.memory_space<vmem>> -> memref<50x64xf32, #tpu.memory_space<vmem>>
      %dma_start3A_1573 = arith.constant 0 : i32
      %dma_start3A_1574 = arith.constant 0 : i32
      %dma_start3A_1575 = tpu.memref_slice %arg4[%add3A_1566, %dma_start3A_1573, %dma_start3A_1574] : memref<16384x56x128xf32, #tpu.memory_space<hbm>> -> memref<1x50x64xf32, #tpu.memory_space<hbm>>
      %dma_start3A_1576 = tpu.memref_squeeze %dma_start3A_1575 : memref<1x50x64xf32, #tpu.memory_space<hbm>> -> memref<50x64xf32, #tpu.memory_space<hbm>>
      %dma_start3A_1577 = tpu.memref_slice %arg8[%dma_start3A_1568] : memref<8x!tpu.dma_semaphore, #tpu.memory_space<semaphore_mem>> -> memref<1x!tpu.dma_semaphore, #tpu.memory_space<semaphore_mem>>
      %dma_start3A_1578 = tpu.memref_squeeze %dma_start3A_1577 : memref<1x!tpu.dma_semaphore, #tpu.memory_space<semaphore_mem>> -> memref<!tpu.dma_semaphore, #tpu.memory_space<semaphore_mem>>
      %dma_start3A_1579 = arith.constant 0 : i32
      %dma_start3A_1580 = arith.constant 0 : i32
      %dma_start3A_1581 = tpu.memref_slice %arg4[%add3A_1566, %dma_start3A_1579, %dma_start3A_1580] : memref<16384x56x128xf32, #tpu.memory_space<hbm>> -> memref<1x50x64xf32, #tpu.memory_space<hbm>>
      %dma_start3A_1582 = tpu.memref_squeeze %dma_start3A_1581 : memref<1x50x64xf32, #tpu.memory_space<hbm>> -> memref<50x64xf32, #tpu.memory_space<hbm>>
      %dma_start3A_1583 = arith.constant 0 : i32
      %dma_start3A_1584 = arith.constant 0 : i32
      %dma_start3A_1585 = tpu.memref_slice %arg6[%dma_start3A_1567, %dma_start3A_1583, %dma_start3A_1584] : memref<8x100x64xf32, #tpu.memory_space<vmem>> -> memref<1x50x64xf32, #tpu.memory_space<vmem>>
      %dma_start3A_1586 = tpu.memref_squeeze %dma_start3A_1585 : memref<1x50x64xf32, #tpu.memory_space<vmem>> -> memref<50x64xf32, #tpu.memory_space<vmem>>
      tpu.enqueue_dma source(%dma_start3A_1586 : memref<50x64xf32, #tpu.memory_space<vmem>>) target(%dma_start3A_1582 : memref<50x64xf32, #tpu.memory_space<hbm>>) target_semaphore(%dma_start3A_1578 : memref<!tpu.dma_semaphore, #tpu.memory_space<semaphore_mem>>)
      %mul3A_1587 = arith.constant 2 : i32
      %mul3A_1588 = arith.muli %add3A_1547, %mul3A_1587 : i32
      %add3A_1589 = arith.addi %mul3A_2, %mul3A_1588 : i32
      %add3A_1590 = arith.constant 1 : i32
      %add3A_1591 = arith.addi %add3A_1589, %add3A_1590 : i32
      %dma_start3A_1592 = arith.constant 4 : i32
      %dma_start3A_1593 = arith.constant 4 : i32
      %dma_start3A_1594 = arith.constant 50 : i32
      %dma_start3A_1595 = arith.constant 0 : i32
      %dma_start3A_1596 = tpu.memref_slice %arg6[%dma_start3A_1592, %dma_start3A_1594, %dma_start3A_1595] : memref<8x100x64xf32, #tpu.memory_space<vmem>> -> memref<1x50x64xf32, #tpu.memory_space<vmem>>
      %dma_start3A_1597 = tpu.memref_squeeze %dma_start3A_1596 : memref<1x50x64xf32, #tpu.memory_space<vmem>> -> memref<50x64xf32, #tpu.memory_space<vmem>>
      %dma_start3A_1598 = arith.constant 0 : i32
      %dma_start3A_1599 = arith.constant 0 : i32
      %dma_start3A_1600 = tpu.memref_slice %arg4[%add3A_1591, %dma_start3A_1598, %dma_start3A_1599] : memref<16384x56x128xf32, #tpu.memory_space<hbm>> -> memref<1x50x64xf32, #tpu.memory_space<hbm>>
      %dma_start3A_1601 = tpu.memref_squeeze %dma_start3A_1600 : memref<1x50x64xf32, #tpu.memory_space<hbm>> -> memref<50x64xf32, #tpu.memory_space<hbm>>
      %dma_start3A_1602 = tpu.memref_slice %arg8[%dma_start3A_1593] : memref<8x!tpu.dma_semaphore, #tpu.memory_space<semaphore_mem>> -> memref<1x!tpu.dma_semaphore, #tpu.memory_space<semaphore_mem>>
      %dma_start3A_1603 = tpu.memref_squeeze %dma_start3A_1602 : memref<1x!tpu.dma_semaphore, #tpu.memory_space<semaphore_mem>> -> memref<!tpu.dma_semaphore, #tpu.memory_space<semaphore_mem>>
      %dma_start3A_1604 = arith.constant 0 : i32
      %dma_start3A_1605 = arith.constant 0 : i32
      %dma_start3A_1606 = tpu.memref_slice %arg4[%add3A_1591, %dma_start3A_1604, %dma_start3A_1605] : memref<16384x56x128xf32, #tpu.memory_space<hbm>> -> memref<1x50x64xf32, #tpu.memory_space<hbm>>
      %dma_start3A_1607 = tpu.memref_squeeze %dma_start3A_1606 : memref<1x50x64xf32, #tpu.memory_space<hbm>> -> memref<50x64xf32, #tpu.memory_space<hbm>>
      %dma_start3A_1608 = arith.constant 50 : i32
      %dma_start3A_1609 = arith.constant 0 : i32
      %dma_start3A_1610 = tpu.memref_slice %arg6[%dma_start3A_1592, %dma_start3A_1608, %dma_start3A_1609] : memref<8x100x64xf32, #tpu.memory_space<vmem>> -> memref<1x50x64xf32, #tpu.memory_space<vmem>>
      %dma_start3A_1611 = tpu.memref_squeeze %dma_start3A_1610 : memref<1x50x64xf32, #tpu.memory_space<vmem>> -> memref<50x64xf32, #tpu.memory_space<vmem>>
      tpu.enqueue_dma source(%dma_start3A_1611 : memref<50x64xf32, #tpu.memory_space<vmem>>) target(%dma_start3A_1607 : memref<50x64xf32, #tpu.memory_space<hbm>>) target_semaphore(%dma_start3A_1603 : memref<!tpu.dma_semaphore, #tpu.memory_space<semaphore_mem>>)
      %mul3A_1612 = arith.constant 2 : i32
      %mul3A_1613 = arith.muli %add3A_1547, %mul3A_1612 : i32
      %add3A_1614 = arith.addi %mul3A_2, %mul3A_1613 : i32
      %add3A_1615 = arith.constant 0 : i32
      %add3A_1616 = arith.addi %add3A_1614, %add3A_1615 : i32
      %dma_wait3A_1617 = arith.constant 4 : i32
      %dma_wait3A_1618 = arith.constant 4 : i32
      %dma_wait3A_1619 = arith.constant 0 : i32
      %dma_wait3A_1620 = arith.constant 0 : i32
      %dma_wait3A_1621 = tpu.memref_slice %arg6[%dma_wait3A_1617, %dma_wait3A_1619, %dma_wait3A_1620] : memref<8x100x64xf32, #tpu.memory_space<vmem>> -> memref<1x50x64xf32, #tpu.memory_space<vmem>>
      %dma_wait3A_1622 = tpu.memref_squeeze %dma_wait3A_1621 : memref<1x50x64xf32, #tpu.memory_space<vmem>> -> memref<50x64xf32, #tpu.memory_space<vmem>>
      %dma_wait3A_1623 = arith.constant 0 : i32
      %dma_wait3A_1624 = arith.constant 0 : i32
      %dma_wait3A_1625 = tpu.memref_slice %arg4[%add3A_1616, %dma_wait3A_1623, %dma_wait3A_1624] : memref<16384x56x128xf32, #tpu.memory_space<hbm>> -> memref<1x50x64xf32, #tpu.memory_space<hbm>>
      %dma_wait3A_1626 = tpu.memref_squeeze %dma_wait3A_1625 : memref<1x50x64xf32, #tpu.memory_space<hbm>> -> memref<50x64xf32, #tpu.memory_space<hbm>>
      %dma_wait3A_1627 = tpu.memref_slice %arg8[%dma_wait3A_1618] : memref<8x!tpu.dma_semaphore, #tpu.memory_space<semaphore_mem>> -> memref<1x!tpu.dma_semaphore, #tpu.memory_space<semaphore_mem>>
      %dma_wait3A_1628 = tpu.memref_squeeze %dma_wait3A_1627 : memref<1x!tpu.dma_semaphore, #tpu.memory_space<semaphore_mem>> -> memref<!tpu.dma_semaphore, #tpu.memory_space<semaphore_mem>>
      %dma_wait3A_1629 = arith.constant 0 : i32
      %dma_wait3A_1630 = arith.constant 0 : i32
      %dma_wait3A_1631 = tpu.memref_slice %arg4[%add3A_1616, %dma_wait3A_1629, %dma_wait3A_1630] : memref<16384x56x128xf32, #tpu.memory_space<hbm>> -> memref<1x50x64xf32, #tpu.memory_space<hbm>>
      %dma_wait3A_1632 = tpu.memref_squeeze %dma_wait3A_1631 : memref<1x50x64xf32, #tpu.memory_space<hbm>> -> memref<50x64xf32, #tpu.memory_space<hbm>>
      %dma_wait3A_1633 = arith.constant 0 : i32
      %dma_wait3A_1634 = arith.constant 0 : i32
      %dma_wait3A_1635 = tpu.memref_slice %arg6[%dma_wait3A_1617, %dma_wait3A_1633, %dma_wait3A_1634] : memref<8x100x64xf32, #tpu.memory_space<vmem>> -> memref<1x50x64xf32, #tpu.memory_space<vmem>>
      %dma_wait3A_1636 = tpu.memref_squeeze %dma_wait3A_1635 : memref<1x50x64xf32, #tpu.memory_space<vmem>> -> memref<50x64xf32, #tpu.memory_space<vmem>>
      tpu.wait_dma2 semaphore(%dma_wait3A_1628 : memref<!tpu.dma_semaphore, #tpu.memory_space<semaphore_mem>>) src(%dma_wait3A_1636 : memref<50x64xf32, #tpu.memory_space<vmem>>) dst(%dma_wait3A_1632 : memref<50x64xf32, #tpu.memory_space<hbm>>)
      %mul3A_1637 = arith.constant 2 : i32
      %mul3A_1638 = arith.muli %add3A_1547, %mul3A_1637 : i32
      %add3A_1639 = arith.addi %mul3A_2, %mul3A_1638 : i32
      %add3A_1640 = arith.constant 1 : i32
      %add3A_1641 = arith.addi %add3A_1639, %add3A_1640 : i32
      %dma_wait3A_1642 = arith.constant 4 : i32
      %dma_wait3A_1643 = arith.constant 4 : i32
      %dma_wait3A_1644 = arith.constant 50 : i32
      %dma_wait3A_1645 = arith.constant 0 : i32
      %dma_wait3A_1646 = tpu.memref_slice %arg6[%dma_wait3A_1642, %dma_wait3A_1644, %dma_wait3A_1645] : memref<8x100x64xf32, #tpu.memory_space<vmem>> -> memref<1x50x64xf32, #tpu.memory_space<vmem>>
      %dma_wait3A_1647 = tpu.memref_squeeze %dma_wait3A_1646 : memref<1x50x64xf32, #tpu.memory_space<vmem>> -> memref<50x64xf32, #tpu.memory_space<vmem>>
      %dma_wait3A_1648 = arith.constant 0 : i32
      %dma_wait3A_1649 = arith.constant 0 : i32
      %dma_wait3A_1650 = tpu.memref_slice %arg4[%add3A_1641, %dma_wait3A_1648, %dma_wait3A_1649] : memref<16384x56x128xf32, #tpu.memory_space<hbm>> -> memref<1x50x64xf32, #tpu.memory_space<hbm>>
      %dma_wait3A_1651 = tpu.memref_squeeze %dma_wait3A_1650 : memref<1x50x64xf32, #tpu.memory_space<hbm>> -> memref<50x64xf32, #tpu.memory_space<hbm>>
      %dma_wait3A_1652 = tpu.memref_slice %arg8[%dma_wait3A_1643] : memref<8x!tpu.dma_semaphore, #tpu.memory_space<semaphore_mem>> -> memref<1x!tpu.dma_semaphore, #tpu.memory_space<semaphore_mem>>
      %dma_wait3A_1653 = tpu.memref_squeeze %dma_wait3A_1652 : memref<1x!tpu.dma_semaphore, #tpu.memory_space<semaphore_mem>> -> memref<!tpu.dma_semaphore, #tpu.memory_space<semaphore_mem>>
      %dma_wait3A_1654 = arith.constant 0 : i32
      %dma_wait3A_1655 = arith.constant 0 : i32
      %dma_wait3A_1656 = tpu.memref_slice %arg4[%add3A_1641, %dma_wait3A_1654, %dma_wait3A_1655] : memref<16384x56x128xf32, #tpu.memory_space<hbm>> -> memref<1x50x64xf32, #tpu.memory_space<hbm>>
      %dma_wait3A_1657 = tpu.memref_squeeze %dma_wait3A_1656 : memref<1x50x64xf32, #tpu.memory_space<hbm>> -> memref<50x64xf32, #tpu.memory_space<hbm>>
      %dma_wait3A_1658 = arith.constant 50 : i32
      %dma_wait3A_1659 = arith.constant 0 : i32
      %dma_wait3A_1660 = tpu.memref_slice %arg6[%dma_wait3A_1642, %dma_wait3A_1658, %dma_wait3A_1659] : memref<8x100x64xf32, #tpu.memory_space<vmem>> -> memref<1x50x64xf32, #tpu.memory_space<vmem>>
      %dma_wait3A_1661 = tpu.memref_squeeze %dma_wait3A_1660 : memref<1x50x64xf32, #tpu.memory_space<vmem>> -> memref<50x64xf32, #tpu.memory_space<vmem>>
      tpu.wait_dma2 semaphore(%dma_wait3A_1653 : memref<!tpu.dma_semaphore, #tpu.memory_space<semaphore_mem>>) src(%dma_wait3A_1661 : memref<50x64xf32, #tpu.memory_space<vmem>>) dst(%dma_wait3A_1657 : memref<50x64xf32, #tpu.memory_space<hbm>>)
      %add3A_1662 = arith.constant 8 : i32
      %add3A_1663 = arith.addi %add3A_1547, %add3A_1662 : i32
      %dma_start3A_1664 = arith.constant 4 : i32
      %dma_start3A_1665 = arith.constant 4 : i32
      %dma_start3A_1666 = arith.constant 0 : i32
      %dma_start3A_1667 = arith.constant 0 : i32
      %dma_start3A_1668 = tpu.memref_slice %arg6[%dma_start3A_1664, %dma_start3A_1666, %dma_start3A_1667] : memref<8x100x64xf32, #tpu.memory_space<vmem>> -> memref<1x100x64xf32, #tpu.memory_space<vmem>>
      %dma_start3A_1669 = tpu.memref_squeeze %dma_start3A_1668 : memref<1x100x64xf32, #tpu.memory_space<vmem>> -> memref<100x64xf32, #tpu.memory_space<vmem>>
      %dma_start3A_1670 = arith.constant 0 : i32
      %dma_start3A_1671 = tpu.memref_slice %arg5[%add3A_1663, %dma_start3A_1670] : memref<256x100xi32, #tpu.memory_space<vmem>> -> memref<1x100xi32, #tpu.memory_space<vmem>>
      %dma_start3A_1672 = tpu.memref_squeeze %dma_start3A_1671 : memref<1x100xi32, #tpu.memory_space<vmem>> -> memref<100xi32, #tpu.memory_space<vmem>>
      %dma_start3A_1673 = arith.constant 0 : i32
      %dma_start3A_1674 = arith.constant 0 : i32
      %dma_start3A_1675 = tpu.memref_slice %arg2[%dma_start3A_1673, %dma_start3A_1674] : memref<1000000x64xf32, #tpu.memory_space<hbm>> -> memref<1000000x64xf32, #tpu.memory_space<hbm>>
      %dma_start3A_1676 = tpu.memref_slice %arg7[%dma_start3A_1665] : memref<8x!tpu.dma_semaphore, #tpu.memory_space<semaphore_mem>> -> memref<1x!tpu.dma_semaphore, #tpu.memory_space<semaphore_mem>>
      %dma_start3A_1677 = tpu.memref_squeeze %dma_start3A_1676 : memref<1x!tpu.dma_semaphore, #tpu.memory_space<semaphore_mem>> -> memref<!tpu.dma_semaphore, #tpu.memory_space<semaphore_mem>>
      tpu.enqueue_indirect_dma source(%dma_start3A_1675 : memref<1000000x64xf32, #tpu.memory_space<hbm>>) target(%dma_start3A_1669 : memref<100x64xf32, #tpu.memory_space<vmem>>) offsets(%dma_start3A_1672 : memref<100xi32, #tpu.memory_space<vmem>>) semaphore(%dma_start3A_1677 : memref<!tpu.dma_semaphore, #tpu.memory_space<semaphore_mem>>)
      %add3A_1678 = arith.constant 5 : i32
      %add3A_1679 = arith.addi %add3A_1017, %add3A_1678 : i32
      %dma_wait3A_1680 = arith.constant 5 : i32
      %dma_wait3A_1681 = arith.constant 5 : i32
      %dma_wait3A_1682 = arith.constant 0 : i32
      %dma_wait3A_1683 = arith.constant 0 : i32
      %dma_wait3A_1684 = tpu.memref_slice %arg6[%dma_wait3A_1680, %dma_wait3A_1682, %dma_wait3A_1683] : memref<8x100x64xf32, #tpu.memory_space<vmem>> -> memref<1x100x64xf32, #tpu.memory_space<vmem>>
      %dma_wait3A_1685 = tpu.memref_squeeze %dma_wait3A_1684 : memref<1x100x64xf32, #tpu.memory_space<vmem>> -> memref<100x64xf32, #tpu.memory_space<vmem>>
      %dma_wait3A_1686 = arith.constant 0 : i32
      %dma_wait3A_1687 = tpu.memref_slice %arg5[%add3A_1679, %dma_wait3A_1686] : memref<256x100xi32, #tpu.memory_space<vmem>> -> memref<1x100xi32, #tpu.memory_space<vmem>>
      %dma_wait3A_1688 = tpu.memref_squeeze %dma_wait3A_1687 : memref<1x100xi32, #tpu.memory_space<vmem>> -> memref<100xi32, #tpu.memory_space<vmem>>
      %dma_wait3A_1689 = arith.constant 0 : i32
      %dma_wait3A_1690 = arith.constant 0 : i32
      %dma_wait3A_1691 = tpu.memref_slice %arg2[%dma_wait3A_1689, %dma_wait3A_1690] : memref<1000000x64xf32, #tpu.memory_space<hbm>> -> memref<1000000x64xf32, #tpu.memory_space<hbm>>
      %dma_wait3A_1692 = tpu.memref_slice %arg7[%dma_wait3A_1681] : memref<8x!tpu.dma_semaphore, #tpu.memory_space<semaphore_mem>> -> memref<1x!tpu.dma_semaphore, #tpu.memory_space<semaphore_mem>>
      %dma_wait3A_1693 = tpu.memref_squeeze %dma_wait3A_1692 : memref<1x!tpu.dma_semaphore, #tpu.memory_space<semaphore_mem>> -> memref<!tpu.dma_semaphore, #tpu.memory_space<semaphore_mem>>
      tpu.wait_indirect_dma semaphore(%dma_wait3A_1693 : memref<!tpu.dma_semaphore, #tpu.memory_space<semaphore_mem>>) src(%dma_wait3A_1691 : memref<1000000x64xf32, #tpu.memory_space<hbm>>) dst(%dma_wait3A_1685 : memref<100x64xf32, #tpu.memory_space<vmem>>)
      %mul3A_1694 = arith.constant 2 : i32
      %mul3A_1695 = arith.muli %add3A_1679, %mul3A_1694 : i32
      %add3A_1696 = arith.addi %mul3A_2, %mul3A_1695 : i32
      %add3A_1697 = arith.constant 0 : i32
      %add3A_1698 = arith.addi %add3A_1696, %add3A_1697 : i32
      %dma_start3A_1699 = arith.constant 5 : i32
      %dma_start3A_1700 = arith.constant 5 : i32
      %dma_start3A_1701 = arith.constant 0 : i32
      %dma_start3A_1702 = arith.constant 0 : i32
      %dma_start3A_1703 = tpu.memref_slice %arg6[%dma_start3A_1699, %dma_start3A_1701, %dma_start3A_1702] : memref<8x100x64xf32, #tpu.memory_space<vmem>> -> memref<1x50x64xf32, #tpu.memory_space<vmem>>
      %dma_start3A_1704 = tpu.memref_squeeze %dma_start3A_1703 : memref<1x50x64xf32, #tpu.memory_space<vmem>> -> memref<50x64xf32, #tpu.memory_space<vmem>>
      %dma_start3A_1705 = arith.constant 0 : i32
      %dma_start3A_1706 = arith.constant 0 : i32
      %dma_start3A_1707 = tpu.memref_slice %arg4[%add3A_1698, %dma_start3A_1705, %dma_start3A_1706] : memref<16384x56x128xf32, #tpu.memory_space<hbm>> -> memref<1x50x64xf32, #tpu.memory_space<hbm>>
      %dma_start3A_1708 = tpu.memref_squeeze %dma_start3A_1707 : memref<1x50x64xf32, #tpu.memory_space<hbm>> -> memref<50x64xf32, #tpu.memory_space<hbm>>
      %dma_start3A_1709 = tpu.memref_slice %arg8[%dma_start3A_1700] : memref<8x!tpu.dma_semaphore, #tpu.memory_space<semaphore_mem>> -> memref<1x!tpu.dma_semaphore, #tpu.memory_space<semaphore_mem>>
      %dma_start3A_1710 = tpu.memref_squeeze %dma_start3A_1709 : memref<1x!tpu.dma_semaphore, #tpu.memory_space<semaphore_mem>> -> memref<!tpu.dma_semaphore, #tpu.memory_space<semaphore_mem>>
      %dma_start3A_1711 = arith.constant 0 : i32
      %dma_start3A_1712 = arith.constant 0 : i32
      %dma_start3A_1713 = tpu.memref_slice %arg4[%add3A_1698, %dma_start3A_1711, %dma_start3A_1712] : memref<16384x56x128xf32, #tpu.memory_space<hbm>> -> memref<1x50x64xf32, #tpu.memory_space<hbm>>
      %dma_start3A_1714 = tpu.memref_squeeze %dma_start3A_1713 : memref<1x50x64xf32, #tpu.memory_space<hbm>> -> memref<50x64xf32, #tpu.memory_space<hbm>>
      %dma_start3A_1715 = arith.constant 0 : i32
      %dma_start3A_1716 = arith.constant 0 : i32
      %dma_start3A_1717 = tpu.memref_slice %arg6[%dma_start3A_1699, %dma_start3A_1715, %dma_start3A_1716] : memref<8x100x64xf32, #tpu.memory_space<vmem>> -> memref<1x50x64xf32, #tpu.memory_space<vmem>>
      %dma_start3A_1718 = tpu.memref_squeeze %dma_start3A_1717 : memref<1x50x64xf32, #tpu.memory_space<vmem>> -> memref<50x64xf32, #tpu.memory_space<vmem>>
      tpu.enqueue_dma source(%dma_start3A_1718 : memref<50x64xf32, #tpu.memory_space<vmem>>) target(%dma_start3A_1714 : memref<50x64xf32, #tpu.memory_space<hbm>>) target_semaphore(%dma_start3A_1710 : memref<!tpu.dma_semaphore, #tpu.memory_space<semaphore_mem>>)
      %mul3A_1719 = arith.constant 2 : i32
      %mul3A_1720 = arith.muli %add3A_1679, %mul3A_1719 : i32
      %add3A_1721 = arith.addi %mul3A_2, %mul3A_1720 : i32
      %add3A_1722 = arith.constant 1 : i32
      %add3A_1723 = arith.addi %add3A_1721, %add3A_1722 : i32
      %dma_start3A_1724 = arith.constant 5 : i32
      %dma_start3A_1725 = arith.constant 5 : i32
      %dma_start3A_1726 = arith.constant 50 : i32
      %dma_start3A_1727 = arith.constant 0 : i32
      %dma_start3A_1728 = tpu.memref_slice %arg6[%dma_start3A_1724, %dma_start3A_1726, %dma_start3A_1727] : memref<8x100x64xf32, #tpu.memory_space<vmem>> -> memref<1x50x64xf32, #tpu.memory_space<vmem>>
      %dma_start3A_1729 = tpu.memref_squeeze %dma_start3A_1728 : memref<1x50x64xf32, #tpu.memory_space<vmem>> -> memref<50x64xf32, #tpu.memory_space<vmem>>
      %dma_start3A_1730 = arith.constant 0 : i32
      %dma_start3A_1731 = arith.constant 0 : i32
      %dma_start3A_1732 = tpu.memref_slice %arg4[%add3A_1723, %dma_start3A_1730, %dma_start3A_1731] : memref<16384x56x128xf32, #tpu.memory_space<hbm>> -> memref<1x50x64xf32, #tpu.memory_space<hbm>>
      %dma_start3A_1733 = tpu.memref_squeeze %dma_start3A_1732 : memref<1x50x64xf32, #tpu.memory_space<hbm>> -> memref<50x64xf32, #tpu.memory_space<hbm>>
      %dma_start3A_1734 = tpu.memref_slice %arg8[%dma_start3A_1725] : memref<8x!tpu.dma_semaphore, #tpu.memory_space<semaphore_mem>> -> memref<1x!tpu.dma_semaphore, #tpu.memory_space<semaphore_mem>>
      %dma_start3A_1735 = tpu.memref_squeeze %dma_start3A_1734 : memref<1x!tpu.dma_semaphore, #tpu.memory_space<semaphore_mem>> -> memref<!tpu.dma_semaphore, #tpu.memory_space<semaphore_mem>>
      %dma_start3A_1736 = arith.constant 0 : i32
      %dma_start3A_1737 = arith.constant 0 : i32
      %dma_start3A_1738 = tpu.memref_slice %arg4[%add3A_1723, %dma_start3A_1736, %dma_start3A_1737] : memref<16384x56x128xf32, #tpu.memory_space<hbm>> -> memref<1x50x64xf32, #tpu.memory_space<hbm>>
      %dma_start3A_1739 = tpu.memref_squeeze %dma_start3A_1738 : memref<1x50x64xf32, #tpu.memory_space<hbm>> -> memref<50x64xf32, #tpu.memory_space<hbm>>
      %dma_start3A_1740 = arith.constant 50 : i32
      %dma_start3A_1741 = arith.constant 0 : i32
      %dma_start3A_1742 = tpu.memref_slice %arg6[%dma_start3A_1724, %dma_start3A_1740, %dma_start3A_1741] : memref<8x100x64xf32, #tpu.memory_space<vmem>> -> memref<1x50x64xf32, #tpu.memory_space<vmem>>
      %dma_start3A_1743 = tpu.memref_squeeze %dma_start3A_1742 : memref<1x50x64xf32, #tpu.memory_space<vmem>> -> memref<50x64xf32, #tpu.memory_space<vmem>>
      tpu.enqueue_dma source(%dma_start3A_1743 : memref<50x64xf32, #tpu.memory_space<vmem>>) target(%dma_start3A_1739 : memref<50x64xf32, #tpu.memory_space<hbm>>) target_semaphore(%dma_start3A_1735 : memref<!tpu.dma_semaphore, #tpu.memory_space<semaphore_mem>>)
      %mul3A_1744 = arith.constant 2 : i32
      %mul3A_1745 = arith.muli %add3A_1679, %mul3A_1744 : i32
      %add3A_1746 = arith.addi %mul3A_2, %mul3A_1745 : i32
      %add3A_1747 = arith.constant 0 : i32
      %add3A_1748 = arith.addi %add3A_1746, %add3A_1747 : i32
      %dma_wait3A_1749 = arith.constant 5 : i32
      %dma_wait3A_1750 = arith.constant 5 : i32
      %dma_wait3A_1751 = arith.constant 0 : i32
      %dma_wait3A_1752 = arith.constant 0 : i32
      %dma_wait3A_1753 = tpu.memref_slice %arg6[%dma_wait3A_1749, %dma_wait3A_1751, %dma_wait3A_1752] : memref<8x100x64xf32, #tpu.memory_space<vmem>> -> memref<1x50x64xf32, #tpu.memory_space<vmem>>
      %dma_wait3A_1754 = tpu.memref_squeeze %dma_wait3A_1753 : memref<1x50x64xf32, #tpu.memory_space<vmem>> -> memref<50x64xf32, #tpu.memory_space<vmem>>
      %dma_wait3A_1755 = arith.constant 0 : i32
      %dma_wait3A_1756 = arith.constant 0 : i32
      %dma_wait3A_1757 = tpu.memref_slice %arg4[%add3A_1748, %dma_wait3A_1755, %dma_wait3A_1756] : memref<16384x56x128xf32, #tpu.memory_space<hbm>> -> memref<1x50x64xf32, #tpu.memory_space<hbm>>
      %dma_wait3A_1758 = tpu.memref_squeeze %dma_wait3A_1757 : memref<1x50x64xf32, #tpu.memory_space<hbm>> -> memref<50x64xf32, #tpu.memory_space<hbm>>
      %dma_wait3A_1759 = tpu.memref_slice %arg8[%dma_wait3A_1750] : memref<8x!tpu.dma_semaphore, #tpu.memory_space<semaphore_mem>> -> memref<1x!tpu.dma_semaphore, #tpu.memory_space<semaphore_mem>>
      %dma_wait3A_1760 = tpu.memref_squeeze %dma_wait3A_1759 : memref<1x!tpu.dma_semaphore, #tpu.memory_space<semaphore_mem>> -> memref<!tpu.dma_semaphore, #tpu.memory_space<semaphore_mem>>
      %dma_wait3A_1761 = arith.constant 0 : i32
      %dma_wait3A_1762 = arith.constant 0 : i32
      %dma_wait3A_1763 = tpu.memref_slice %arg4[%add3A_1748, %dma_wait3A_1761, %dma_wait3A_1762] : memref<16384x56x128xf32, #tpu.memory_space<hbm>> -> memref<1x50x64xf32, #tpu.memory_space<hbm>>
      %dma_wait3A_1764 = tpu.memref_squeeze %dma_wait3A_1763 : memref<1x50x64xf32, #tpu.memory_space<hbm>> -> memref<50x64xf32, #tpu.memory_space<hbm>>
      %dma_wait3A_1765 = arith.constant 0 : i32
      %dma_wait3A_1766 = arith.constant 0 : i32
      %dma_wait3A_1767 = tpu.memref_slice %arg6[%dma_wait3A_1749, %dma_wait3A_1765, %dma_wait3A_1766] : memref<8x100x64xf32, #tpu.memory_space<vmem>> -> memref<1x50x64xf32, #tpu.memory_space<vmem>>
      %dma_wait3A_1768 = tpu.memref_squeeze %dma_wait3A_1767 : memref<1x50x64xf32, #tpu.memory_space<vmem>> -> memref<50x64xf32, #tpu.memory_space<vmem>>
      tpu.wait_dma2 semaphore(%dma_wait3A_1760 : memref<!tpu.dma_semaphore, #tpu.memory_space<semaphore_mem>>) src(%dma_wait3A_1768 : memref<50x64xf32, #tpu.memory_space<vmem>>) dst(%dma_wait3A_1764 : memref<50x64xf32, #tpu.memory_space<hbm>>)
      %mul3A_1769 = arith.constant 2 : i32
      %mul3A_1770 = arith.muli %add3A_1679, %mul3A_1769 : i32
      %add3A_1771 = arith.addi %mul3A_2, %mul3A_1770 : i32
      %add3A_1772 = arith.constant 1 : i32
      %add3A_1773 = arith.addi %add3A_1771, %add3A_1772 : i32
      %dma_wait3A_1774 = arith.constant 5 : i32
      %dma_wait3A_1775 = arith.constant 5 : i32
      %dma_wait3A_1776 = arith.constant 50 : i32
      %dma_wait3A_1777 = arith.constant 0 : i32
      %dma_wait3A_1778 = tpu.memref_slice %arg6[%dma_wait3A_1774, %dma_wait3A_1776, %dma_wait3A_1777] : memref<8x100x64xf32, #tpu.memory_space<vmem>> -> memref<1x50x64xf32, #tpu.memory_space<vmem>>
      %dma_wait3A_1779 = tpu.memref_squeeze %dma_wait3A_1778 : memref<1x50x64xf32, #tpu.memory_space<vmem>> -> memref<50x64xf32, #tpu.memory_space<vmem>>
      %dma_wait3A_1780 = arith.constant 0 : i32
      %dma_wait3A_1781 = arith.constant 0 : i32
      %dma_wait3A_1782 = tpu.memref_slice %arg4[%add3A_1773, %dma_wait3A_1780, %dma_wait3A_1781] : memref<16384x56x128xf32, #tpu.memory_space<hbm>> -> memref<1x50x64xf32, #tpu.memory_space<hbm>>
      %dma_wait3A_1783 = tpu.memref_squeeze %dma_wait3A_1782 : memref<1x50x64xf32, #tpu.memory_space<hbm>> -> memref<50x64xf32, #tpu.memory_space<hbm>>
      %dma_wait3A_1784 = tpu.memref_slice %arg8[%dma_wait3A_1775] : memref<8x!tpu.dma_semaphore, #tpu.memory_space<semaphore_mem>> -> memref<1x!tpu.dma_semaphore, #tpu.memory_space<semaphore_mem>>
      %dma_wait3A_1785 = tpu.memref_squeeze %dma_wait3A_1784 : memref<1x!tpu.dma_semaphore, #tpu.memory_space<semaphore_mem>> -> memref<!tpu.dma_semaphore, #tpu.memory_space<semaphore_mem>>
      %dma_wait3A_1786 = arith.constant 0 : i32
      %dma_wait3A_1787 = arith.constant 0 : i32
      %dma_wait3A_1788 = tpu.memref_slice %arg4[%add3A_1773, %dma_wait3A_1786, %dma_wait3A_1787] : memref<16384x56x128xf32, #tpu.memory_space<hbm>> -> memref<1x50x64xf32, #tpu.memory_space<hbm>>
      %dma_wait3A_1789 = tpu.memref_squeeze %dma_wait3A_1788 : memref<1x50x64xf32, #tpu.memory_space<hbm>> -> memref<50x64xf32, #tpu.memory_space<hbm>>
      %dma_wait3A_1790 = arith.constant 50 : i32
      %dma_wait3A_1791 = arith.constant 0 : i32
      %dma_wait3A_1792 = tpu.memref_slice %arg6[%dma_wait3A_1774, %dma_wait3A_1790, %dma_wait3A_1791] : memref<8x100x64xf32, #tpu.memory_space<vmem>> -> memref<1x50x64xf32, #tpu.memory_space<vmem>>
      %dma_wait3A_1793 = tpu.memref_squeeze %dma_wait3A_1792 : memref<1x50x64xf32, #tpu.memory_space<vmem>> -> memref<50x64xf32, #tpu.memory_space<vmem>>
      tpu.wait_dma2 semaphore(%dma_wait3A_1785 : memref<!tpu.dma_semaphore, #tpu.memory_space<semaphore_mem>>) src(%dma_wait3A_1793 : memref<50x64xf32, #tpu.memory_space<vmem>>) dst(%dma_wait3A_1789 : memref<50x64xf32, #tpu.memory_space<hbm>>)
      %add3A_1794 = arith.constant 8 : i32
      %add3A_1795 = arith.addi %add3A_1679, %add3A_1794 : i32
      %dma_start3A_1796 = arith.constant 5 : i32
      %dma_start3A_1797 = arith.constant 5 : i32
      %dma_start3A_1798 = arith.constant 0 : i32
      %dma_start3A_1799 = arith.constant 0 : i32
      %dma_start3A_1800 = tpu.memref_slice %arg6[%dma_start3A_1796, %dma_start3A_1798, %dma_start3A_1799] : memref<8x100x64xf32, #tpu.memory_space<vmem>> -> memref<1x100x64xf32, #tpu.memory_space<vmem>>
      %dma_start3A_1801 = tpu.memref_squeeze %dma_start3A_1800 : memref<1x100x64xf32, #tpu.memory_space<vmem>> -> memref<100x64xf32, #tpu.memory_space<vmem>>
      %dma_start3A_1802 = arith.constant 0 : i32
      %dma_start3A_1803 = tpu.memref_slice %arg5[%add3A_1795, %dma_start3A_1802] : memref<256x100xi32, #tpu.memory_space<vmem>> -> memref<1x100xi32, #tpu.memory_space<vmem>>
      %dma_start3A_1804 = tpu.memref_squeeze %dma_start3A_1803 : memref<1x100xi32, #tpu.memory_space<vmem>> -> memref<100xi32, #tpu.memory_space<vmem>>
      %dma_start3A_1805 = arith.constant 0 : i32
      %dma_start3A_1806 = arith.constant 0 : i32
      %dma_start3A_1807 = tpu.memref_slice %arg2[%dma_start3A_1805, %dma_start3A_1806] : memref<1000000x64xf32, #tpu.memory_space<hbm>> -> memref<1000000x64xf32, #tpu.memory_space<hbm>>
      %dma_start3A_1808 = tpu.memref_slice %arg7[%dma_start3A_1797] : memref<8x!tpu.dma_semaphore, #tpu.memory_space<semaphore_mem>> -> memref<1x!tpu.dma_semaphore, #tpu.memory_space<semaphore_mem>>
      %dma_start3A_1809 = tpu.memref_squeeze %dma_start3A_1808 : memref<1x!tpu.dma_semaphore, #tpu.memory_space<semaphore_mem>> -> memref<!tpu.dma_semaphore, #tpu.memory_space<semaphore_mem>>
      tpu.enqueue_indirect_dma source(%dma_start3A_1807 : memref<1000000x64xf32, #tpu.memory_space<hbm>>) target(%dma_start3A_1801 : memref<100x64xf32, #tpu.memory_space<vmem>>) offsets(%dma_start3A_1804 : memref<100xi32, #tpu.memory_space<vmem>>) semaphore(%dma_start3A_1809 : memref<!tpu.dma_semaphore, #tpu.memory_space<semaphore_mem>>)
      %add3A_1810 = arith.constant 6 : i32
      %add3A_1811 = arith.addi %add3A_1017, %add3A_1810 : i32
      %dma_wait3A_1812 = arith.constant 6 : i32
      %dma_wait3A_1813 = arith.constant 6 : i32
      %dma_wait3A_1814 = arith.constant 0 : i32
      %dma_wait3A_1815 = arith.constant 0 : i32
      %dma_wait3A_1816 = tpu.memref_slice %arg6[%dma_wait3A_1812, %dma_wait3A_1814, %dma_wait3A_1815] : memref<8x100x64xf32, #tpu.memory_space<vmem>> -> memref<1x100x64xf32, #tpu.memory_space<vmem>>
      %dma_wait3A_1817 = tpu.memref_squeeze %dma_wait3A_1816 : memref<1x100x64xf32, #tpu.memory_space<vmem>> -> memref<100x64xf32, #tpu.memory_space<vmem>>
      %dma_wait3A_1818 = arith.constant 0 : i32
      %dma_wait3A_1819 = tpu.memref_slice %arg5[%add3A_1811, %dma_wait3A_1818] : memref<256x100xi32, #tpu.memory_space<vmem>> -> memref<1x100xi32, #tpu.memory_space<vmem>>
      %dma_wait3A_1820 = tpu.memref_squeeze %dma_wait3A_1819 : memref<1x100xi32, #tpu.memory_space<vmem>> -> memref<100xi32, #tpu.memory_space<vmem>>
      %dma_wait3A_1821 = arith.constant 0 : i32
      %dma_wait3A_1822 = arith.constant 0 : i32
      %dma_wait3A_1823 = tpu.memref_slice %arg2[%dma_wait3A_1821, %dma_wait3A_1822] : memref<1000000x64xf32, #tpu.memory_space<hbm>> -> memref<1000000x64xf32, #tpu.memory_space<hbm>>
      %dma_wait3A_1824 = tpu.memref_slice %arg7[%dma_wait3A_1813] : memref<8x!tpu.dma_semaphore, #tpu.memory_space<semaphore_mem>> -> memref<1x!tpu.dma_semaphore, #tpu.memory_space<semaphore_mem>>
      %dma_wait3A_1825 = tpu.memref_squeeze %dma_wait3A_1824 : memref<1x!tpu.dma_semaphore, #tpu.memory_space<semaphore_mem>> -> memref<!tpu.dma_semaphore, #tpu.memory_space<semaphore_mem>>
      tpu.wait_indirect_dma semaphore(%dma_wait3A_1825 : memref<!tpu.dma_semaphore, #tpu.memory_space<semaphore_mem>>) src(%dma_wait3A_1823 : memref<1000000x64xf32, #tpu.memory_space<hbm>>) dst(%dma_wait3A_1817 : memref<100x64xf32, #tpu.memory_space<vmem>>)
      %mul3A_1826 = arith.constant 2 : i32
      %mul3A_1827 = arith.muli %add3A_1811, %mul3A_1826 : i32
      %add3A_1828 = arith.addi %mul3A_2, %mul3A_1827 : i32
      %add3A_1829 = arith.constant 0 : i32
      %add3A_1830 = arith.addi %add3A_1828, %add3A_1829 : i32
      %dma_start3A_1831 = arith.constant 6 : i32
      %dma_start3A_1832 = arith.constant 6 : i32
      %dma_start3A_1833 = arith.constant 0 : i32
      %dma_start3A_1834 = arith.constant 0 : i32
      %dma_start3A_1835 = tpu.memref_slice %arg6[%dma_start3A_1831, %dma_start3A_1833, %dma_start3A_1834] : memref<8x100x64xf32, #tpu.memory_space<vmem>> -> memref<1x50x64xf32, #tpu.memory_space<vmem>>
      %dma_start3A_1836 = tpu.memref_squeeze %dma_start3A_1835 : memref<1x50x64xf32, #tpu.memory_space<vmem>> -> memref<50x64xf32, #tpu.memory_space<vmem>>
      %dma_start3A_1837 = arith.constant 0 : i32
      %dma_start3A_1838 = arith.constant 0 : i32
      %dma_start3A_1839 = tpu.memref_slice %arg4[%add3A_1830, %dma_start3A_1837, %dma_start3A_1838] : memref<16384x56x128xf32, #tpu.memory_space<hbm>> -> memref<1x50x64xf32, #tpu.memory_space<hbm>>
      %dma_start3A_1840 = tpu.memref_squeeze %dma_start3A_1839 : memref<1x50x64xf32, #tpu.memory_space<hbm>> -> memref<50x64xf32, #tpu.memory_space<hbm>>
      %dma_start3A_1841 = tpu.memref_slice %arg8[%dma_start3A_1832] : memref<8x!tpu.dma_semaphore, #tpu.memory_space<semaphore_mem>> -> memref<1x!tpu.dma_semaphore, #tpu.memory_space<semaphore_mem>>
      %dma_start3A_1842 = tpu.memref_squeeze %dma_start3A_1841 : memref<1x!tpu.dma_semaphore, #tpu.memory_space<semaphore_mem>> -> memref<!tpu.dma_semaphore, #tpu.memory_space<semaphore_mem>>
      %dma_start3A_1843 = arith.constant 0 : i32
      %dma_start3A_1844 = arith.constant 0 : i32
      %dma_start3A_1845 = tpu.memref_slice %arg4[%add3A_1830, %dma_start3A_1843, %dma_start3A_1844] : memref<16384x56x128xf32, #tpu.memory_space<hbm>> -> memref<1x50x64xf32, #tpu.memory_space<hbm>>
      %dma_start3A_1846 = tpu.memref_squeeze %dma_start3A_1845 : memref<1x50x64xf32, #tpu.memory_space<hbm>> -> memref<50x64xf32, #tpu.memory_space<hbm>>
      %dma_start3A_1847 = arith.constant 0 : i32
      %dma_start3A_1848 = arith.constant 0 : i32
      %dma_start3A_1849 = tpu.memref_slice %arg6[%dma_start3A_1831, %dma_start3A_1847, %dma_start3A_1848] : memref<8x100x64xf32, #tpu.memory_space<vmem>> -> memref<1x50x64xf32, #tpu.memory_space<vmem>>
      %dma_start3A_1850 = tpu.memref_squeeze %dma_start3A_1849 : memref<1x50x64xf32, #tpu.memory_space<vmem>> -> memref<50x64xf32, #tpu.memory_space<vmem>>
      tpu.enqueue_dma source(%dma_start3A_1850 : memref<50x64xf32, #tpu.memory_space<vmem>>) target(%dma_start3A_1846 : memref<50x64xf32, #tpu.memory_space<hbm>>) target_semaphore(%dma_start3A_1842 : memref<!tpu.dma_semaphore, #tpu.memory_space<semaphore_mem>>)
      %mul3A_1851 = arith.constant 2 : i32
      %mul3A_1852 = arith.muli %add3A_1811, %mul3A_1851 : i32
      %add3A_1853 = arith.addi %mul3A_2, %mul3A_1852 : i32
      %add3A_1854 = arith.constant 1 : i32
      %add3A_1855 = arith.addi %add3A_1853, %add3A_1854 : i32
      %dma_start3A_1856 = arith.constant 6 : i32
      %dma_start3A_1857 = arith.constant 6 : i32
      %dma_start3A_1858 = arith.constant 50 : i32
      %dma_start3A_1859 = arith.constant 0 : i32
      %dma_start3A_1860 = tpu.memref_slice %arg6[%dma_start3A_1856, %dma_start3A_1858, %dma_start3A_1859] : memref<8x100x64xf32, #tpu.memory_space<vmem>> -> memref<1x50x64xf32, #tpu.memory_space<vmem>>
      %dma_start3A_1861 = tpu.memref_squeeze %dma_start3A_1860 : memref<1x50x64xf32, #tpu.memory_space<vmem>> -> memref<50x64xf32, #tpu.memory_space<vmem>>
      %dma_start3A_1862 = arith.constant 0 : i32
      %dma_start3A_1863 = arith.constant 0 : i32
      %dma_start3A_1864 = tpu.memref_slice %arg4[%add3A_1855, %dma_start3A_1862, %dma_start3A_1863] : memref<16384x56x128xf32, #tpu.memory_space<hbm>> -> memref<1x50x64xf32, #tpu.memory_space<hbm>>
      %dma_start3A_1865 = tpu.memref_squeeze %dma_start3A_1864 : memref<1x50x64xf32, #tpu.memory_space<hbm>> -> memref<50x64xf32, #tpu.memory_space<hbm>>
      %dma_start3A_1866 = tpu.memref_slice %arg8[%dma_start3A_1857] : memref<8x!tpu.dma_semaphore, #tpu.memory_space<semaphore_mem>> -> memref<1x!tpu.dma_semaphore, #tpu.memory_space<semaphore_mem>>
      %dma_start3A_1867 = tpu.memref_squeeze %dma_start3A_1866 : memref<1x!tpu.dma_semaphore, #tpu.memory_space<semaphore_mem>> -> memref<!tpu.dma_semaphore, #tpu.memory_space<semaphore_mem>>
      %dma_start3A_1868 = arith.constant 0 : i32
      %dma_start3A_1869 = arith.constant 0 : i32
      %dma_start3A_1870 = tpu.memref_slice %arg4[%add3A_1855, %dma_start3A_1868, %dma_start3A_1869] : memref<16384x56x128xf32, #tpu.memory_space<hbm>> -> memref<1x50x64xf32, #tpu.memory_space<hbm>>
      %dma_start3A_1871 = tpu.memref_squeeze %dma_start3A_1870 : memref<1x50x64xf32, #tpu.memory_space<hbm>> -> memref<50x64xf32, #tpu.memory_space<hbm>>
      %dma_start3A_1872 = arith.constant 50 : i32
      %dma_start3A_1873 = arith.constant 0 : i32
      %dma_start3A_1874 = tpu.memref_slice %arg6[%dma_start3A_1856, %dma_start3A_1872, %dma_start3A_1873] : memref<8x100x64xf32, #tpu.memory_space<vmem>> -> memref<1x50x64xf32, #tpu.memory_space<vmem>>
      %dma_start3A_1875 = tpu.memref_squeeze %dma_start3A_1874 : memref<1x50x64xf32, #tpu.memory_space<vmem>> -> memref<50x64xf32, #tpu.memory_space<vmem>>
      tpu.enqueue_dma source(%dma_start3A_1875 : memref<50x64xf32, #tpu.memory_space<vmem>>) target(%dma_start3A_1871 : memref<50x64xf32, #tpu.memory_space<hbm>>) target_semaphore(%dma_start3A_1867 : memref<!tpu.dma_semaphore, #tpu.memory_space<semaphore_mem>>)
      %mul3A_1876 = arith.constant 2 : i32
      %mul3A_1877 = arith.muli %add3A_1811, %mul3A_1876 : i32
      %add3A_1878 = arith.addi %mul3A_2, %mul3A_1877 : i32
      %add3A_1879 = arith.constant 0 : i32
      %add3A_1880 = arith.addi %add3A_1878, %add3A_1879 : i32
      %dma_wait3A_1881 = arith.constant 6 : i32
      %dma_wait3A_1882 = arith.constant 6 : i32
      %dma_wait3A_1883 = arith.constant 0 : i32
      %dma_wait3A_1884 = arith.constant 0 : i32
      %dma_wait3A_1885 = tpu.memref_slice %arg6[%dma_wait3A_1881, %dma_wait3A_1883, %dma_wait3A_1884] : memref<8x100x64xf32, #tpu.memory_space<vmem>> -> memref<1x50x64xf32, #tpu.memory_space<vmem>>
      %dma_wait3A_1886 = tpu.memref_squeeze %dma_wait3A_1885 : memref<1x50x64xf32, #tpu.memory_space<vmem>> -> memref<50x64xf32, #tpu.memory_space<vmem>>
      %dma_wait3A_1887 = arith.constant 0 : i32
      %dma_wait3A_1888 = arith.constant 0 : i32
      %dma_wait3A_1889 = tpu.memref_slice %arg4[%add3A_1880, %dma_wait3A_1887, %dma_wait3A_1888] : memref<16384x56x128xf32, #tpu.memory_space<hbm>> -> memref<1x50x64xf32, #tpu.memory_space<hbm>>
      %dma_wait3A_1890 = tpu.memref_squeeze %dma_wait3A_1889 : memref<1x50x64xf32, #tpu.memory_space<hbm>> -> memref<50x64xf32, #tpu.memory_space<hbm>>
      %dma_wait3A_1891 = tpu.memref_slice %arg8[%dma_wait3A_1882] : memref<8x!tpu.dma_semaphore, #tpu.memory_space<semaphore_mem>> -> memref<1x!tpu.dma_semaphore, #tpu.memory_space<semaphore_mem>>
      %dma_wait3A_1892 = tpu.memref_squeeze %dma_wait3A_1891 : memref<1x!tpu.dma_semaphore, #tpu.memory_space<semaphore_mem>> -> memref<!tpu.dma_semaphore, #tpu.memory_space<semaphore_mem>>
      %dma_wait3A_1893 = arith.constant 0 : i32
      %dma_wait3A_1894 = arith.constant 0 : i32
      %dma_wait3A_1895 = tpu.memref_slice %arg4[%add3A_1880, %dma_wait3A_1893, %dma_wait3A_1894] : memref<16384x56x128xf32, #tpu.memory_space<hbm>> -> memref<1x50x64xf32, #tpu.memory_space<hbm>>
      %dma_wait3A_1896 = tpu.memref_squeeze %dma_wait3A_1895 : memref<1x50x64xf32, #tpu.memory_space<hbm>> -> memref<50x64xf32, #tpu.memory_space<hbm>>
      %dma_wait3A_1897 = arith.constant 0 : i32
      %dma_wait3A_1898 = arith.constant 0 : i32
      %dma_wait3A_1899 = tpu.memref_slice %arg6[%dma_wait3A_1881, %dma_wait3A_1897, %dma_wait3A_1898] : memref<8x100x64xf32, #tpu.memory_space<vmem>> -> memref<1x50x64xf32, #tpu.memory_space<vmem>>
      %dma_wait3A_1900 = tpu.memref_squeeze %dma_wait3A_1899 : memref<1x50x64xf32, #tpu.memory_space<vmem>> -> memref<50x64xf32, #tpu.memory_space<vmem>>
      tpu.wait_dma2 semaphore(%dma_wait3A_1892 : memref<!tpu.dma_semaphore, #tpu.memory_space<semaphore_mem>>) src(%dma_wait3A_1900 : memref<50x64xf32, #tpu.memory_space<vmem>>) dst(%dma_wait3A_1896 : memref<50x64xf32, #tpu.memory_space<hbm>>)
      %mul3A_1901 = arith.constant 2 : i32
      %mul3A_1902 = arith.muli %add3A_1811, %mul3A_1901 : i32
      %add3A_1903 = arith.addi %mul3A_2, %mul3A_1902 : i32
      %add3A_1904 = arith.constant 1 : i32
      %add3A_1905 = arith.addi %add3A_1903, %add3A_1904 : i32
      %dma_wait3A_1906 = arith.constant 6 : i32
      %dma_wait3A_1907 = arith.constant 6 : i32
      %dma_wait3A_1908 = arith.constant 50 : i32
      %dma_wait3A_1909 = arith.constant 0 : i32
      %dma_wait3A_1910 = tpu.memref_slice %arg6[%dma_wait3A_1906, %dma_wait3A_1908, %dma_wait3A_1909] : memref<8x100x64xf32, #tpu.memory_space<vmem>> -> memref<1x50x64xf32, #tpu.memory_space<vmem>>
      %dma_wait3A_1911 = tpu.memref_squeeze %dma_wait3A_1910 : memref<1x50x64xf32, #tpu.memory_space<vmem>> -> memref<50x64xf32, #tpu.memory_space<vmem>>
      %dma_wait3A_1912 = arith.constant 0 : i32
      %dma_wait3A_1913 = arith.constant 0 : i32
      %dma_wait3A_1914 = tpu.memref_slice %arg4[%add3A_1905, %dma_wait3A_1912, %dma_wait3A_1913] : memref<16384x56x128xf32, #tpu.memory_space<hbm>> -> memref<1x50x64xf32, #tpu.memory_space<hbm>>
      %dma_wait3A_1915 = tpu.memref_squeeze %dma_wait3A_1914 : memref<1x50x64xf32, #tpu.memory_space<hbm>> -> memref<50x64xf32, #tpu.memory_space<hbm>>
      %dma_wait3A_1916 = tpu.memref_slice %arg8[%dma_wait3A_1907] : memref<8x!tpu.dma_semaphore, #tpu.memory_space<semaphore_mem>> -> memref<1x!tpu.dma_semaphore, #tpu.memory_space<semaphore_mem>>
      %dma_wait3A_1917 = tpu.memref_squeeze %dma_wait3A_1916 : memref<1x!tpu.dma_semaphore, #tpu.memory_space<semaphore_mem>> -> memref<!tpu.dma_semaphore, #tpu.memory_space<semaphore_mem>>
      %dma_wait3A_1918 = arith.constant 0 : i32
      %dma_wait3A_1919 = arith.constant 0 : i32
      %dma_wait3A_1920 = tpu.memref_slice %arg4[%add3A_1905, %dma_wait3A_1918, %dma_wait3A_1919] : memref<16384x56x128xf32, #tpu.memory_space<hbm>> -> memref<1x50x64xf32, #tpu.memory_space<hbm>>
      %dma_wait3A_1921 = tpu.memref_squeeze %dma_wait3A_1920 : memref<1x50x64xf32, #tpu.memory_space<hbm>> -> memref<50x64xf32, #tpu.memory_space<hbm>>
      %dma_wait3A_1922 = arith.constant 50 : i32
      %dma_wait3A_1923 = arith.constant 0 : i32
      %dma_wait3A_1924 = tpu.memref_slice %arg6[%dma_wait3A_1906, %dma_wait3A_1922, %dma_wait3A_1923] : memref<8x100x64xf32, #tpu.memory_space<vmem>> -> memref<1x50x64xf32, #tpu.memory_space<vmem>>
      %dma_wait3A_1925 = tpu.memref_squeeze %dma_wait3A_1924 : memref<1x50x64xf32, #tpu.memory_space<vmem>> -> memref<50x64xf32, #tpu.memory_space<vmem>>
      tpu.wait_dma2 semaphore(%dma_wait3A_1917 : memref<!tpu.dma_semaphore, #tpu.memory_space<semaphore_mem>>) src(%dma_wait3A_1925 : memref<50x64xf32, #tpu.memory_space<vmem>>) dst(%dma_wait3A_1921 : memref<50x64xf32, #tpu.memory_space<hbm>>)
      %add3A_1926 = arith.constant 8 : i32
      %add3A_1927 = arith.addi %add3A_1811, %add3A_1926 : i32
      %dma_start3A_1928 = arith.constant 6 : i32
      %dma_start3A_1929 = arith.constant 6 : i32
      %dma_start3A_1930 = arith.constant 0 : i32
      %dma_start3A_1931 = arith.constant 0 : i32
      %dma_start3A_1932 = tpu.memref_slice %arg6[%dma_start3A_1928, %dma_start3A_1930, %dma_start3A_1931] : memref<8x100x64xf32, #tpu.memory_space<vmem>> -> memref<1x100x64xf32, #tpu.memory_space<vmem>>
      %dma_start3A_1933 = tpu.memref_squeeze %dma_start3A_1932 : memref<1x100x64xf32, #tpu.memory_space<vmem>> -> memref<100x64xf32, #tpu.memory_space<vmem>>
      %dma_start3A_1934 = arith.constant 0 : i32
      %dma_start3A_1935 = tpu.memref_slice %arg5[%add3A_1927, %dma_start3A_1934] : memref<256x100xi32, #tpu.memory_space<vmem>> -> memref<1x100xi32, #tpu.memory_space<vmem>>
      %dma_start3A_1936 = tpu.memref_squeeze %dma_start3A_1935 : memref<1x100xi32, #tpu.memory_space<vmem>> -> memref<100xi32, #tpu.memory_space<vmem>>
      %dma_start3A_1937 = arith.constant 0 : i32
      %dma_start3A_1938 = arith.constant 0 : i32
      %dma_start3A_1939 = tpu.memref_slice %arg2[%dma_start3A_1937, %dma_start3A_1938] : memref<1000000x64xf32, #tpu.memory_space<hbm>> -> memref<1000000x64xf32, #tpu.memory_space<hbm>>
      %dma_start3A_1940 = tpu.memref_slice %arg7[%dma_start3A_1929] : memref<8x!tpu.dma_semaphore, #tpu.memory_space<semaphore_mem>> -> memref<1x!tpu.dma_semaphore, #tpu.memory_space<semaphore_mem>>
      %dma_start3A_1941 = tpu.memref_squeeze %dma_start3A_1940 : memref<1x!tpu.dma_semaphore, #tpu.memory_space<semaphore_mem>> -> memref<!tpu.dma_semaphore, #tpu.memory_space<semaphore_mem>>
      tpu.enqueue_indirect_dma source(%dma_start3A_1939 : memref<1000000x64xf32, #tpu.memory_space<hbm>>) target(%dma_start3A_1933 : memref<100x64xf32, #tpu.memory_space<vmem>>) offsets(%dma_start3A_1936 : memref<100xi32, #tpu.memory_space<vmem>>) semaphore(%dma_start3A_1941 : memref<!tpu.dma_semaphore, #tpu.memory_space<semaphore_mem>>)
      %add3A_1942 = arith.constant 7 : i32
      %add3A_1943 = arith.addi %add3A_1017, %add3A_1942 : i32
      %dma_wait3A_1944 = arith.constant 7 : i32
      %dma_wait3A_1945 = arith.constant 7 : i32
      %dma_wait3A_1946 = arith.constant 0 : i32
      %dma_wait3A_1947 = arith.constant 0 : i32
      %dma_wait3A_1948 = tpu.memref_slice %arg6[%dma_wait3A_1944, %dma_wait3A_1946, %dma_wait3A_1947] : memref<8x100x64xf32, #tpu.memory_space<vmem>> -> memref<1x100x64xf32, #tpu.memory_space<vmem>>
      %dma_wait3A_1949 = tpu.memref_squeeze %dma_wait3A_1948 : memref<1x100x64xf32, #tpu.memory_space<vmem>> -> memref<100x64xf32, #tpu.memory_space<vmem>>
      %dma_wait3A_1950 = arith.constant 0 : i32
      %dma_wait3A_1951 = tpu.memref_slice %arg5[%add3A_1943, %dma_wait3A_1950] : memref<256x100xi32, #tpu.memory_space<vmem>> -> memref<1x100xi32, #tpu.memory_space<vmem>>
      %dma_wait3A_1952 = tpu.memref_squeeze %dma_wait3A_1951 : memref<1x100xi32, #tpu.memory_space<vmem>> -> memref<100xi32, #tpu.memory_space<vmem>>
      %dma_wait3A_1953 = arith.constant 0 : i32
      %dma_wait3A_1954 = arith.constant 0 : i32
      %dma_wait3A_1955 = tpu.memref_slice %arg2[%dma_wait3A_1953, %dma_wait3A_1954] : memref<1000000x64xf32, #tpu.memory_space<hbm>> -> memref<1000000x64xf32, #tpu.memory_space<hbm>>
      %dma_wait3A_1956 = tpu.memref_slice %arg7[%dma_wait3A_1945] : memref<8x!tpu.dma_semaphore, #tpu.memory_space<semaphore_mem>> -> memref<1x!tpu.dma_semaphore, #tpu.memory_space<semaphore_mem>>
      %dma_wait3A_1957 = tpu.memref_squeeze %dma_wait3A_1956 : memref<1x!tpu.dma_semaphore, #tpu.memory_space<semaphore_mem>> -> memref<!tpu.dma_semaphore, #tpu.memory_space<semaphore_mem>>
      tpu.wait_indirect_dma semaphore(%dma_wait3A_1957 : memref<!tpu.dma_semaphore, #tpu.memory_space<semaphore_mem>>) src(%dma_wait3A_1955 : memref<1000000x64xf32, #tpu.memory_space<hbm>>) dst(%dma_wait3A_1949 : memref<100x64xf32, #tpu.memory_space<vmem>>)
      %mul3A_1958 = arith.constant 2 : i32
      %mul3A_1959 = arith.muli %add3A_1943, %mul3A_1958 : i32
      %add3A_1960 = arith.addi %mul3A_2, %mul3A_1959 : i32
      %add3A_1961 = arith.constant 0 : i32
      %add3A_1962 = arith.addi %add3A_1960, %add3A_1961 : i32
      %dma_start3A_1963 = arith.constant 7 : i32
      %dma_start3A_1964 = arith.constant 7 : i32
      %dma_start3A_1965 = arith.constant 0 : i32
      %dma_start3A_1966 = arith.constant 0 : i32
      %dma_start3A_1967 = tpu.memref_slice %arg6[%dma_start3A_1963, %dma_start3A_1965, %dma_start3A_1966] : memref<8x100x64xf32, #tpu.memory_space<vmem>> -> memref<1x50x64xf32, #tpu.memory_space<vmem>>
      %dma_start3A_1968 = tpu.memref_squeeze %dma_start3A_1967 : memref<1x50x64xf32, #tpu.memory_space<vmem>> -> memref<50x64xf32, #tpu.memory_space<vmem>>
      %dma_start3A_1969 = arith.constant 0 : i32
      %dma_start3A_1970 = arith.constant 0 : i32
      %dma_start3A_1971 = tpu.memref_slice %arg4[%add3A_1962, %dma_start3A_1969, %dma_start3A_1970] : memref<16384x56x128xf32, #tpu.memory_space<hbm>> -> memref<1x50x64xf32, #tpu.memory_space<hbm>>
      %dma_start3A_1972 = tpu.memref_squeeze %dma_start3A_1971 : memref<1x50x64xf32, #tpu.memory_space<hbm>> -> memref<50x64xf32, #tpu.memory_space<hbm>>
      %dma_start3A_1973 = tpu.memref_slice %arg8[%dma_start3A_1964] : memref<8x!tpu.dma_semaphore, #tpu.memory_space<semaphore_mem>> -> memref<1x!tpu.dma_semaphore, #tpu.memory_space<semaphore_mem>>
      %dma_start3A_1974 = tpu.memref_squeeze %dma_start3A_1973 : memref<1x!tpu.dma_semaphore, #tpu.memory_space<semaphore_mem>> -> memref<!tpu.dma_semaphore, #tpu.memory_space<semaphore_mem>>
      %dma_start3A_1975 = arith.constant 0 : i32
      %dma_start3A_1976 = arith.constant 0 : i32
      %dma_start3A_1977 = tpu.memref_slice %arg4[%add3A_1962, %dma_start3A_1975, %dma_start3A_1976] : memref<16384x56x128xf32, #tpu.memory_space<hbm>> -> memref<1x50x64xf32, #tpu.memory_space<hbm>>
      %dma_start3A_1978 = tpu.memref_squeeze %dma_start3A_1977 : memref<1x50x64xf32, #tpu.memory_space<hbm>> -> memref<50x64xf32, #tpu.memory_space<hbm>>
      %dma_start3A_1979 = arith.constant 0 : i32
      %dma_start3A_1980 = arith.constant 0 : i32
      %dma_start3A_1981 = tpu.memref_slice %arg6[%dma_start3A_1963, %dma_start3A_1979, %dma_start3A_1980] : memref<8x100x64xf32, #tpu.memory_space<vmem>> -> memref<1x50x64xf32, #tpu.memory_space<vmem>>
      %dma_start3A_1982 = tpu.memref_squeeze %dma_start3A_1981 : memref<1x50x64xf32, #tpu.memory_space<vmem>> -> memref<50x64xf32, #tpu.memory_space<vmem>>
      tpu.enqueue_dma source(%dma_start3A_1982 : memref<50x64xf32, #tpu.memory_space<vmem>>) target(%dma_start3A_1978 : memref<50x64xf32, #tpu.memory_space<hbm>>) target_semaphore(%dma_start3A_1974 : memref<!tpu.dma_semaphore, #tpu.memory_space<semaphore_mem>>)
      %mul3A_1983 = arith.constant 2 : i32
      %mul3A_1984 = arith.muli %add3A_1943, %mul3A_1983 : i32
      %add3A_1985 = arith.addi %mul3A_2, %mul3A_1984 : i32
      %add3A_1986 = arith.constant 1 : i32
      %add3A_1987 = arith.addi %add3A_1985, %add3A_1986 : i32
      %dma_start3A_1988 = arith.constant 7 : i32
      %dma_start3A_1989 = arith.constant 7 : i32
      %dma_start3A_1990 = arith.constant 50 : i32
      %dma_start3A_1991 = arith.constant 0 : i32
      %dma_start3A_1992 = tpu.memref_slice %arg6[%dma_start3A_1988, %dma_start3A_1990, %dma_start3A_1991] : memref<8x100x64xf32, #tpu.memory_space<vmem>> -> memref<1x50x64xf32, #tpu.memory_space<vmem>>
      %dma_start3A_1993 = tpu.memref_squeeze %dma_start3A_1992 : memref<1x50x64xf32, #tpu.memory_space<vmem>> -> memref<50x64xf32, #tpu.memory_space<vmem>>
      %dma_start3A_1994 = arith.constant 0 : i32
      %dma_start3A_1995 = arith.constant 0 : i32
      %dma_start3A_1996 = tpu.memref_slice %arg4[%add3A_1987, %dma_start3A_1994, %dma_start3A_1995] : memref<16384x56x128xf32, #tpu.memory_space<hbm>> -> memref<1x50x64xf32, #tpu.memory_space<hbm>>
      %dma_start3A_1997 = tpu.memref_squeeze %dma_start3A_1996 : memref<1x50x64xf32, #tpu.memory_space<hbm>> -> memref<50x64xf32, #tpu.memory_space<hbm>>
      %dma_start3A_1998 = tpu.memref_slice %arg8[%dma_start3A_1989] : memref<8x!tpu.dma_semaphore, #tpu.memory_space<semaphore_mem>> -> memref<1x!tpu.dma_semaphore, #tpu.memory_space<semaphore_mem>>
      %dma_start3A_1999 = tpu.memref_squeeze %dma_start3A_1998 : memref<1x!tpu.dma_semaphore, #tpu.memory_space<semaphore_mem>> -> memref<!tpu.dma_semaphore, #tpu.memory_space<semaphore_mem>>
      %dma_start3A_2000 = arith.constant 0 : i32
      %dma_start3A_2001 = arith.constant 0 : i32
      %dma_start3A_2002 = tpu.memref_slice %arg4[%add3A_1987, %dma_start3A_2000, %dma_start3A_2001] : memref<16384x56x128xf32, #tpu.memory_space<hbm>> -> memref<1x50x64xf32, #tpu.memory_space<hbm>>
      %dma_start3A_2003 = tpu.memref_squeeze %dma_start3A_2002 : memref<1x50x64xf32, #tpu.memory_space<hbm>> -> memref<50x64xf32, #tpu.memory_space<hbm>>
      %dma_start3A_2004 = arith.constant 50 : i32
      %dma_start3A_2005 = arith.constant 0 : i32
      %dma_start3A_2006 = tpu.memref_slice %arg6[%dma_start3A_1988, %dma_start3A_2004, %dma_start3A_2005] : memref<8x100x64xf32, #tpu.memory_space<vmem>> -> memref<1x50x64xf32, #tpu.memory_space<vmem>>
      %dma_start3A_2007 = tpu.memref_squeeze %dma_start3A_2006 : memref<1x50x64xf32, #tpu.memory_space<vmem>> -> memref<50x64xf32, #tpu.memory_space<vmem>>
      tpu.enqueue_dma source(%dma_start3A_2007 : memref<50x64xf32, #tpu.memory_space<vmem>>) target(%dma_start3A_2003 : memref<50x64xf32, #tpu.memory_space<hbm>>) target_semaphore(%dma_start3A_1999 : memref<!tpu.dma_semaphore, #tpu.memory_space<semaphore_mem>>)
      %mul3A_2008 = arith.constant 2 : i32
      %mul3A_2009 = arith.muli %add3A_1943, %mul3A_2008 : i32
      %add3A_2010 = arith.addi %mul3A_2, %mul3A_2009 : i32
      %add3A_2011 = arith.constant 0 : i32
      %add3A_2012 = arith.addi %add3A_2010, %add3A_2011 : i32
      %dma_wait3A_2013 = arith.constant 7 : i32
      %dma_wait3A_2014 = arith.constant 7 : i32
      %dma_wait3A_2015 = arith.constant 0 : i32
      %dma_wait3A_2016 = arith.constant 0 : i32
      %dma_wait3A_2017 = tpu.memref_slice %arg6[%dma_wait3A_2013, %dma_wait3A_2015, %dma_wait3A_2016] : memref<8x100x64xf32, #tpu.memory_space<vmem>> -> memref<1x50x64xf32, #tpu.memory_space<vmem>>
      %dma_wait3A_2018 = tpu.memref_squeeze %dma_wait3A_2017 : memref<1x50x64xf32, #tpu.memory_space<vmem>> -> memref<50x64xf32, #tpu.memory_space<vmem>>
      %dma_wait3A_2019 = arith.constant 0 : i32
      %dma_wait3A_2020 = arith.constant 0 : i32
      %dma_wait3A_2021 = tpu.memref_slice %arg4[%add3A_2012, %dma_wait3A_2019, %dma_wait3A_2020] : memref<16384x56x128xf32, #tpu.memory_space<hbm>> -> memref<1x50x64xf32, #tpu.memory_space<hbm>>
      %dma_wait3A_2022 = tpu.memref_squeeze %dma_wait3A_2021 : memref<1x50x64xf32, #tpu.memory_space<hbm>> -> memref<50x64xf32, #tpu.memory_space<hbm>>
      %dma_wait3A_2023 = tpu.memref_slice %arg8[%dma_wait3A_2014] : memref<8x!tpu.dma_semaphore, #tpu.memory_space<semaphore_mem>> -> memref<1x!tpu.dma_semaphore, #tpu.memory_space<semaphore_mem>>
      %dma_wait3A_2024 = tpu.memref_squeeze %dma_wait3A_2023 : memref<1x!tpu.dma_semaphore, #tpu.memory_space<semaphore_mem>> -> memref<!tpu.dma_semaphore, #tpu.memory_space<semaphore_mem>>
      %dma_wait3A_2025 = arith.constant 0 : i32
      %dma_wait3A_2026 = arith.constant 0 : i32
      %dma_wait3A_2027 = tpu.memref_slice %arg4[%add3A_2012, %dma_wait3A_2025, %dma_wait3A_2026] : memref<16384x56x128xf32, #tpu.memory_space<hbm>> -> memref<1x50x64xf32, #tpu.memory_space<hbm>>
      %dma_wait3A_2028 = tpu.memref_squeeze %dma_wait3A_2027 : memref<1x50x64xf32, #tpu.memory_space<hbm>> -> memref<50x64xf32, #tpu.memory_space<hbm>>
      %dma_wait3A_2029 = arith.constant 0 : i32
      %dma_wait3A_2030 = arith.constant 0 : i32
      %dma_wait3A_2031 = tpu.memref_slice %arg6[%dma_wait3A_2013, %dma_wait3A_2029, %dma_wait3A_2030] : memref<8x100x64xf32, #tpu.memory_space<vmem>> -> memref<1x50x64xf32, #tpu.memory_space<vmem>>
      %dma_wait3A_2032 = tpu.memref_squeeze %dma_wait3A_2031 : memref<1x50x64xf32, #tpu.memory_space<vmem>> -> memref<50x64xf32, #tpu.memory_space<vmem>>
      tpu.wait_dma2 semaphore(%dma_wait3A_2024 : memref<!tpu.dma_semaphore, #tpu.memory_space<semaphore_mem>>) src(%dma_wait3A_2032 : memref<50x64xf32, #tpu.memory_space<vmem>>) dst(%dma_wait3A_2028 : memref<50x64xf32, #tpu.memory_space<hbm>>)
      %mul3A_2033 = arith.constant 2 : i32
      %mul3A_2034 = arith.muli %add3A_1943, %mul3A_2033 : i32
      %add3A_2035 = arith.addi %mul3A_2, %mul3A_2034 : i32
      %add3A_2036 = arith.constant 1 : i32
      %add3A_2037 = arith.addi %add3A_2035, %add3A_2036 : i32
      %dma_wait3A_2038 = arith.constant 7 : i32
      %dma_wait3A_2039 = arith.constant 7 : i32
      %dma_wait3A_2040 = arith.constant 50 : i32
      %dma_wait3A_2041 = arith.constant 0 : i32
      %dma_wait3A_2042 = tpu.memref_slice %arg6[%dma_wait3A_2038, %dma_wait3A_2040, %dma_wait3A_2041] : memref<8x100x64xf32, #tpu.memory_space<vmem>> -> memref<1x50x64xf32, #tpu.memory_space<vmem>>
      %dma_wait3A_2043 = tpu.memref_squeeze %dma_wait3A_2042 : memref<1x50x64xf32, #tpu.memory_space<vmem>> -> memref<50x64xf32, #tpu.memory_space<vmem>>
      %dma_wait3A_2044 = arith.constant 0 : i32
      %dma_wait3A_2045 = arith.constant 0 : i32
      %dma_wait3A_2046 = tpu.memref_slice %arg4[%add3A_2037, %dma_wait3A_2044, %dma_wait3A_2045] : memref<16384x56x128xf32, #tpu.memory_space<hbm>> -> memref<1x50x64xf32, #tpu.memory_space<hbm>>
      %dma_wait3A_2047 = tpu.memref_squeeze %dma_wait3A_2046 : memref<1x50x64xf32, #tpu.memory_space<hbm>> -> memref<50x64xf32, #tpu.memory_space<hbm>>
      %dma_wait3A_2048 = tpu.memref_slice %arg8[%dma_wait3A_2039] : memref<8x!tpu.dma_semaphore, #tpu.memory_space<semaphore_mem>> -> memref<1x!tpu.dma_semaphore, #tpu.memory_space<semaphore_mem>>
      %dma_wait3A_2049 = tpu.memref_squeeze %dma_wait3A_2048 : memref<1x!tpu.dma_semaphore, #tpu.memory_space<semaphore_mem>> -> memref<!tpu.dma_semaphore, #tpu.memory_space<semaphore_mem>>
      %dma_wait3A_2050 = arith.constant 0 : i32
      %dma_wait3A_2051 = arith.constant 0 : i32
      %dma_wait3A_2052 = tpu.memref_slice %arg4[%add3A_2037, %dma_wait3A_2050, %dma_wait3A_2051] : memref<16384x56x128xf32, #tpu.memory_space<hbm>> -> memref<1x50x64xf32, #tpu.memory_space<hbm>>
      %dma_wait3A_2053 = tpu.memref_squeeze %dma_wait3A_2052 : memref<1x50x64xf32, #tpu.memory_space<hbm>> -> memref<50x64xf32, #tpu.memory_space<hbm>>
      %dma_wait3A_2054 = arith.constant 50 : i32
      %dma_wait3A_2055 = arith.constant 0 : i32
      %dma_wait3A_2056 = tpu.memref_slice %arg6[%dma_wait3A_2038, %dma_wait3A_2054, %dma_wait3A_2055] : memref<8x100x64xf32, #tpu.memory_space<vmem>> -> memref<1x50x64xf32, #tpu.memory_space<vmem>>
      %dma_wait3A_2057 = tpu.memref_squeeze %dma_wait3A_2056 : memref<1x50x64xf32, #tpu.memory_space<vmem>> -> memref<50x64xf32, #tpu.memory_space<vmem>>
      tpu.wait_dma2 semaphore(%dma_wait3A_2049 : memref<!tpu.dma_semaphore, #tpu.memory_space<semaphore_mem>>) src(%dma_wait3A_2057 : memref<50x64xf32, #tpu.memory_space<vmem>>) dst(%dma_wait3A_2053 : memref<50x64xf32, #tpu.memory_space<hbm>>)
      %add3A_2058 = arith.constant 8 : i32
      %add3A_2059 = arith.addi %add3A_1943, %add3A_2058 : i32
      %dma_start3A_2060 = arith.constant 7 : i32
      %dma_start3A_2061 = arith.constant 7 : i32
      %dma_start3A_2062 = arith.constant 0 : i32
      %dma_start3A_2063 = arith.constant 0 : i32
      %dma_start3A_2064 = tpu.memref_slice %arg6[%dma_start3A_2060, %dma_start3A_2062, %dma_start3A_2063] : memref<8x100x64xf32, #tpu.memory_space<vmem>> -> memref<1x100x64xf32, #tpu.memory_space<vmem>>
      %dma_start3A_2065 = tpu.memref_squeeze %dma_start3A_2064 : memref<1x100x64xf32, #tpu.memory_space<vmem>> -> memref<100x64xf32, #tpu.memory_space<vmem>>
      %dma_start3A_2066 = arith.constant 0 : i32
      %dma_start3A_2067 = tpu.memref_slice %arg5[%add3A_2059, %dma_start3A_2066] : memref<256x100xi32, #tpu.memory_space<vmem>> -> memref<1x100xi32, #tpu.memory_space<vmem>>
      %dma_start3A_2068 = tpu.memref_squeeze %dma_start3A_2067 : memref<1x100xi32, #tpu.memory_space<vmem>> -> memref<100xi32, #tpu.memory_space<vmem>>
      %dma_start3A_2069 = arith.constant 0 : i32
      %dma_start3A_2070 = arith.constant 0 : i32
      %dma_start3A_2071 = tpu.memref_slice %arg2[%dma_start3A_2069, %dma_start3A_2070] : memref<1000000x64xf32, #tpu.memory_space<hbm>> -> memref<1000000x64xf32, #tpu.memory_space<hbm>>
      %dma_start3A_2072 = tpu.memref_slice %arg7[%dma_start3A_2061] : memref<8x!tpu.dma_semaphore, #tpu.memory_space<semaphore_mem>> -> memref<1x!tpu.dma_semaphore, #tpu.memory_space<semaphore_mem>>
      %dma_start3A_2073 = tpu.memref_squeeze %dma_start3A_2072 : memref<1x!tpu.dma_semaphore, #tpu.memory_space<semaphore_mem>> -> memref<!tpu.dma_semaphore, #tpu.memory_space<semaphore_mem>>
      tpu.enqueue_indirect_dma source(%dma_start3A_2071 : memref<1000000x64xf32, #tpu.memory_space<hbm>>) target(%dma_start3A_2065 : memref<100x64xf32, #tpu.memory_space<vmem>>) offsets(%dma_start3A_2068 : memref<100xi32, #tpu.memory_space<vmem>>) semaphore(%dma_start3A_2073 : memref<!tpu.dma_semaphore, #tpu.memory_space<semaphore_mem>>)
    }
    %scan3A_125 = arith.constant 31 : i32
    %dma_wait3A = arith.constant 248 : i32
    %dma_wait3A_126 = arith.constant 0 : i32
    %dma_wait3A_127 = arith.constant 0 : i32
    %dma_wait3A_128 = arith.constant 0 : i32
    %dma_wait3A_129 = arith.constant 0 : i32
    %dma_wait3A_130 = tpu.memref_slice %arg6[%dma_wait3A_126, %dma_wait3A_128, %dma_wait3A_129] : memref<8x100x64xf32, #tpu.memory_space<vmem>> -> memref<1x100x64xf32, #tpu.memory_space<vmem>>
    %dma_wait3A_131 = tpu.memref_squeeze %dma_wait3A_130 : memref<1x100x64xf32, #tpu.memory_space<vmem>> -> memref<100x64xf32, #tpu.memory_space<vmem>>
    %dma_wait3A_132 = arith.constant 0 : i32
    %dma_wait3A_133 = tpu.memref_slice %arg5[%dma_wait3A, %dma_wait3A_132] : memref<256x100xi32, #tpu.memory_space<vmem>> -> memref<1x100xi32, #tpu.memory_space<vmem>>
    %dma_wait3A_134 = tpu.memref_squeeze %dma_wait3A_133 : memref<1x100xi32, #tpu.memory_space<vmem>> -> memref<100xi32, #tpu.memory_space<vmem>>
    %dma_wait3A_135 = arith.constant 0 : i32
    %dma_wait3A_136 = arith.constant 0 : i32
    %dma_wait3A_137 = tpu.memref_slice %arg2[%dma_wait3A_135, %dma_wait3A_136] : memref<1000000x64xf32, #tpu.memory_space<hbm>> -> memref<1000000x64xf32, #tpu.memory_space<hbm>>
    %dma_wait3A_138 = tpu.memref_slice %arg7[%dma_wait3A_127] : memref<8x!tpu.dma_semaphore, #tpu.memory_space<semaphore_mem>> -> memref<1x!tpu.dma_semaphore, #tpu.memory_space<semaphore_mem>>
    %dma_wait3A_139 = tpu.memref_squeeze %dma_wait3A_138 : memref<1x!tpu.dma_semaphore, #tpu.memory_space<semaphore_mem>> -> memref<!tpu.dma_semaphore, #tpu.memory_space<semaphore_mem>>
    tpu.wait_indirect_dma semaphore(%dma_wait3A_139 : memref<!tpu.dma_semaphore, #tpu.memory_space<semaphore_mem>>) src(%dma_wait3A_137 : memref<1000000x64xf32, #tpu.memory_space<hbm>>) dst(%dma_wait3A_131 : memref<100x64xf32, #tpu.memory_space<vmem>>)
    %add3A_140 = arith.constant 496 : i32
    %add3A_141 = arith.addi %mul3A_2, %add3A_140 : i32
    %add3A_142 = arith.constant 0 : i32
    %add3A_143 = arith.addi %add3A_141, %add3A_142 : i32
    %dma_start3A_144 = arith.constant 0 : i32
    %dma_start3A_145 = arith.constant 0 : i32
    %dma_start3A_146 = arith.constant 0 : i32
    %dma_start3A_147 = arith.constant 0 : i32
    %dma_start3A_148 = tpu.memref_slice %arg6[%dma_start3A_144, %dma_start3A_146, %dma_start3A_147] : memref<8x100x64xf32, #tpu.memory_space<vmem>> -> memref<1x50x64xf32, #tpu.memory_space<vmem>>
    %dma_start3A_149 = tpu.memref_squeeze %dma_start3A_148 : memref<1x50x64xf32, #tpu.memory_space<vmem>> -> memref<50x64xf32, #tpu.memory_space<vmem>>
    %dma_start3A_150 = arith.constant 0 : i32
    %dma_start3A_151 = arith.constant 0 : i32
    %dma_start3A_152 = tpu.memref_slice %arg4[%add3A_143, %dma_start3A_150, %dma_start3A_151] : memref<16384x56x128xf32, #tpu.memory_space<hbm>> -> memref<1x50x64xf32, #tpu.memory_space<hbm>>
    %dma_start3A_153 = tpu.memref_squeeze %dma_start3A_152 : memref<1x50x64xf32, #tpu.memory_space<hbm>> -> memref<50x64xf32, #tpu.memory_space<hbm>>
    %dma_start3A_154 = tpu.memref_slice %arg8[%dma_start3A_145] : memref<8x!tpu.dma_semaphore, #tpu.memory_space<semaphore_mem>> -> memref<1x!tpu.dma_semaphore, #tpu.memory_space<semaphore_mem>>
    %dma_start3A_155 = tpu.memref_squeeze %dma_start3A_154 : memref<1x!tpu.dma_semaphore, #tpu.memory_space<semaphore_mem>> -> memref<!tpu.dma_semaphore, #tpu.memory_space<semaphore_mem>>
    %dma_start3A_156 = arith.constant 0 : i32
    %dma_start3A_157 = arith.constant 0 : i32
    %dma_start3A_158 = tpu.memref_slice %arg4[%add3A_143, %dma_start3A_156, %dma_start3A_157] : memref<16384x56x128xf32, #tpu.memory_space<hbm>> -> memref<1x50x64xf32, #tpu.memory_space<hbm>>
    %dma_start3A_159 = tpu.memref_squeeze %dma_start3A_158 : memref<1x50x64xf32, #tpu.memory_space<hbm>> -> memref<50x64xf32, #tpu.memory_space<hbm>>
    %dma_start3A_160 = arith.constant 0 : i32
    %dma_start3A_161 = arith.constant 0 : i32
    %dma_start3A_162 = tpu.memref_slice %arg6[%dma_start3A_144, %dma_start3A_160, %dma_start3A_161] : memref<8x100x64xf32, #tpu.memory_space<vmem>> -> memref<1x50x64xf32, #tpu.memory_space<vmem>>
    %dma_start3A_163 = tpu.memref_squeeze %dma_start3A_162 : memref<1x50x64xf32, #tpu.memory_space<vmem>> -> memref<50x64xf32, #tpu.memory_space<vmem>>
    tpu.enqueue_dma source(%dma_start3A_163 : memref<50x64xf32, #tpu.memory_space<vmem>>) target(%dma_start3A_159 : memref<50x64xf32, #tpu.memory_space<hbm>>) target_semaphore(%dma_start3A_155 : memref<!tpu.dma_semaphore, #tpu.memory_space<semaphore_mem>>)
    %add3A_164 = arith.constant 496 : i32
    %add3A_165 = arith.addi %mul3A_2, %add3A_164 : i32
    %add3A_166 = arith.constant 1 : i32
    %add3A_167 = arith.addi %add3A_165, %add3A_166 : i32
    %dma_start3A_168 = arith.constant 0 : i32
    %dma_start3A_169 = arith.constant 0 : i32
    %dma_start3A_170 = arith.constant 50 : i32
    %dma_start3A_171 = arith.constant 0 : i32
    %dma_start3A_172 = tpu.memref_slice %arg6[%dma_start3A_168, %dma_start3A_170, %dma_start3A_171] : memref<8x100x64xf32, #tpu.memory_space<vmem>> -> memref<1x50x64xf32, #tpu.memory_space<vmem>>
    %dma_start3A_173 = tpu.memref_squeeze %dma_start3A_172 : memref<1x50x64xf32, #tpu.memory_space<vmem>> -> memref<50x64xf32, #tpu.memory_space<vmem>>
    %dma_start3A_174 = arith.constant 0 : i32
    %dma_start3A_175 = arith.constant 0 : i32
    %dma_start3A_176 = tpu.memref_slice %arg4[%add3A_167, %dma_start3A_174, %dma_start3A_175] : memref<16384x56x128xf32, #tpu.memory_space<hbm>> -> memref<1x50x64xf32, #tpu.memory_space<hbm>>
    %dma_start3A_177 = tpu.memref_squeeze %dma_start3A_176 : memref<1x50x64xf32, #tpu.memory_space<hbm>> -> memref<50x64xf32, #tpu.memory_space<hbm>>
    %dma_start3A_178 = tpu.memref_slice %arg8[%dma_start3A_169] : memref<8x!tpu.dma_semaphore, #tpu.memory_space<semaphore_mem>> -> memref<1x!tpu.dma_semaphore, #tpu.memory_space<semaphore_mem>>
    %dma_start3A_179 = tpu.memref_squeeze %dma_start3A_178 : memref<1x!tpu.dma_semaphore, #tpu.memory_space<semaphore_mem>> -> memref<!tpu.dma_semaphore, #tpu.memory_space<semaphore_mem>>
    %dma_start3A_180 = arith.constant 0 : i32
    %dma_start3A_181 = arith.constant 0 : i32
    %dma_start3A_182 = tpu.memref_slice %arg4[%add3A_167, %dma_start3A_180, %dma_start3A_181] : memref<16384x56x128xf32, #tpu.memory_space<hbm>> -> memref<1x50x64xf32, #tpu.memory_space<hbm>>
    %dma_start3A_183 = tpu.memref_squeeze %dma_start3A_182 : memref<1x50x64xf32, #tpu.memory_space<hbm>> -> memref<50x64xf32, #tpu.memory_space<hbm>>
    %dma_start3A_184 = arith.constant 50 : i32
    %dma_start3A_185 = arith.constant 0 : i32
    %dma_start3A_186 = tpu.memref_slice %arg6[%dma_start3A_168, %dma_start3A_184, %dma_start3A_185] : memref<8x100x64xf32, #tpu.memory_space<vmem>> -> memref<1x50x64xf32, #tpu.memory_space<vmem>>
    %dma_start3A_187 = tpu.memref_squeeze %dma_start3A_186 : memref<1x50x64xf32, #tpu.memory_space<vmem>> -> memref<50x64xf32, #tpu.memory_space<vmem>>
    tpu.enqueue_dma source(%dma_start3A_187 : memref<50x64xf32, #tpu.memory_space<vmem>>) target(%dma_start3A_183 : memref<50x64xf32, #tpu.memory_space<hbm>>) target_semaphore(%dma_start3A_179 : memref<!tpu.dma_semaphore, #tpu.memory_space<semaphore_mem>>)
    %dma_wait3A_188 = arith.constant 249 : i32
    %dma_wait3A_189 = arith.constant 1 : i32
    %dma_wait3A_190 = arith.constant 1 : i32
    %dma_wait3A_191 = arith.constant 0 : i32
    %dma_wait3A_192 = arith.constant 0 : i32
    %dma_wait3A_193 = tpu.memref_slice %arg6[%dma_wait3A_189, %dma_wait3A_191, %dma_wait3A_192] : memref<8x100x64xf32, #tpu.memory_space<vmem>> -> memref<1x100x64xf32, #tpu.memory_space<vmem>>
    %dma_wait3A_194 = tpu.memref_squeeze %dma_wait3A_193 : memref<1x100x64xf32, #tpu.memory_space<vmem>> -> memref<100x64xf32, #tpu.memory_space<vmem>>
    %dma_wait3A_195 = arith.constant 0 : i32
    %dma_wait3A_196 = tpu.memref_slice %arg5[%dma_wait3A_188, %dma_wait3A_195] : memref<256x100xi32, #tpu.memory_space<vmem>> -> memref<1x100xi32, #tpu.memory_space<vmem>>
    %dma_wait3A_197 = tpu.memref_squeeze %dma_wait3A_196 : memref<1x100xi32, #tpu.memory_space<vmem>> -> memref<100xi32, #tpu.memory_space<vmem>>
    %dma_wait3A_198 = arith.constant 0 : i32
    %dma_wait3A_199 = arith.constant 0 : i32
    %dma_wait3A_200 = tpu.memref_slice %arg2[%dma_wait3A_198, %dma_wait3A_199] : memref<1000000x64xf32, #tpu.memory_space<hbm>> -> memref<1000000x64xf32, #tpu.memory_space<hbm>>
    %dma_wait3A_201 = tpu.memref_slice %arg7[%dma_wait3A_190] : memref<8x!tpu.dma_semaphore, #tpu.memory_space<semaphore_mem>> -> memref<1x!tpu.dma_semaphore, #tpu.memory_space<semaphore_mem>>
    %dma_wait3A_202 = tpu.memref_squeeze %dma_wait3A_201 : memref<1x!tpu.dma_semaphore, #tpu.memory_space<semaphore_mem>> -> memref<!tpu.dma_semaphore, #tpu.memory_space<semaphore_mem>>
    tpu.wait_indirect_dma semaphore(%dma_wait3A_202 : memref<!tpu.dma_semaphore, #tpu.memory_space<semaphore_mem>>) src(%dma_wait3A_200 : memref<1000000x64xf32, #tpu.memory_space<hbm>>) dst(%dma_wait3A_194 : memref<100x64xf32, #tpu.memory_space<vmem>>)
    %add3A_203 = arith.constant 498 : i32
    %add3A_204 = arith.addi %mul3A_2, %add3A_203 : i32
    %add3A_205 = arith.constant 0 : i32
    %add3A_206 = arith.addi %add3A_204, %add3A_205 : i32
    %dma_start3A_207 = arith.constant 1 : i32
    %dma_start3A_208 = arith.constant 1 : i32
    %dma_start3A_209 = arith.constant 0 : i32
    %dma_start3A_210 = arith.constant 0 : i32
    %dma_start3A_211 = tpu.memref_slice %arg6[%dma_start3A_207, %dma_start3A_209, %dma_start3A_210] : memref<8x100x64xf32, #tpu.memory_space<vmem>> -> memref<1x50x64xf32, #tpu.memory_space<vmem>>
    %dma_start3A_212 = tpu.memref_squeeze %dma_start3A_211 : memref<1x50x64xf32, #tpu.memory_space<vmem>> -> memref<50x64xf32, #tpu.memory_space<vmem>>
    %dma_start3A_213 = arith.constant 0 : i32
    %dma_start3A_214 = arith.constant 0 : i32
    %dma_start3A_215 = tpu.memref_slice %arg4[%add3A_206, %dma_start3A_213, %dma_start3A_214] : memref<16384x56x128xf32, #tpu.memory_space<hbm>> -> memref<1x50x64xf32, #tpu.memory_space<hbm>>
    %dma_start3A_216 = tpu.memref_squeeze %dma_start3A_215 : memref<1x50x64xf32, #tpu.memory_space<hbm>> -> memref<50x64xf32, #tpu.memory_space<hbm>>
    %dma_start3A_217 = tpu.memref_slice %arg8[%dma_start3A_208] : memref<8x!tpu.dma_semaphore, #tpu.memory_space<semaphore_mem>> -> memref<1x!tpu.dma_semaphore, #tpu.memory_space<semaphore_mem>>
    %dma_start3A_218 = tpu.memref_squeeze %dma_start3A_217 : memref<1x!tpu.dma_semaphore, #tpu.memory_space<semaphore_mem>> -> memref<!tpu.dma_semaphore, #tpu.memory_space<semaphore_mem>>
    %dma_start3A_219 = arith.constant 0 : i32
    %dma_start3A_220 = arith.constant 0 : i32
    %dma_start3A_221 = tpu.memref_slice %arg4[%add3A_206, %dma_start3A_219, %dma_start3A_220] : memref<16384x56x128xf32, #tpu.memory_space<hbm>> -> memref<1x50x64xf32, #tpu.memory_space<hbm>>
    %dma_start3A_222 = tpu.memref_squeeze %dma_start3A_221 : memref<1x50x64xf32, #tpu.memory_space<hbm>> -> memref<50x64xf32, #tpu.memory_space<hbm>>
    %dma_start3A_223 = arith.constant 0 : i32
    %dma_start3A_224 = arith.constant 0 : i32
    %dma_start3A_225 = tpu.memref_slice %arg6[%dma_start3A_207, %dma_start3A_223, %dma_start3A_224] : memref<8x100x64xf32, #tpu.memory_space<vmem>> -> memref<1x50x64xf32, #tpu.memory_space<vmem>>
    %dma_start3A_226 = tpu.memref_squeeze %dma_start3A_225 : memref<1x50x64xf32, #tpu.memory_space<vmem>> -> memref<50x64xf32, #tpu.memory_space<vmem>>
    tpu.enqueue_dma source(%dma_start3A_226 : memref<50x64xf32, #tpu.memory_space<vmem>>) target(%dma_start3A_222 : memref<50x64xf32, #tpu.memory_space<hbm>>) target_semaphore(%dma_start3A_218 : memref<!tpu.dma_semaphore, #tpu.memory_space<semaphore_mem>>)
    %add3A_227 = arith.constant 498 : i32
    %add3A_228 = arith.addi %mul3A_2, %add3A_227 : i32
    %add3A_229 = arith.constant 1 : i32
    %add3A_230 = arith.addi %add3A_228, %add3A_229 : i32
    %dma_start3A_231 = arith.constant 1 : i32
    %dma_start3A_232 = arith.constant 1 : i32
    %dma_start3A_233 = arith.constant 50 : i32
    %dma_start3A_234 = arith.constant 0 : i32
    %dma_start3A_235 = tpu.memref_slice %arg6[%dma_start3A_231, %dma_start3A_233, %dma_start3A_234] : memref<8x100x64xf32, #tpu.memory_space<vmem>> -> memref<1x50x64xf32, #tpu.memory_space<vmem>>
    %dma_start3A_236 = tpu.memref_squeeze %dma_start3A_235 : memref<1x50x64xf32, #tpu.memory_space<vmem>> -> memref<50x64xf32, #tpu.memory_space<vmem>>
    %dma_start3A_237 = arith.constant 0 : i32
    %dma_start3A_238 = arith.constant 0 : i32
    %dma_start3A_239 = tpu.memref_slice %arg4[%add3A_230, %dma_start3A_237, %dma_start3A_238] : memref<16384x56x128xf32, #tpu.memory_space<hbm>> -> memref<1x50x64xf32, #tpu.memory_space<hbm>>
    %dma_start3A_240 = tpu.memref_squeeze %dma_start3A_239 : memref<1x50x64xf32, #tpu.memory_space<hbm>> -> memref<50x64xf32, #tpu.memory_space<hbm>>
    %dma_start3A_241 = tpu.memref_slice %arg8[%dma_start3A_232] : memref<8x!tpu.dma_semaphore, #tpu.memory_space<semaphore_mem>> -> memref<1x!tpu.dma_semaphore, #tpu.memory_space<semaphore_mem>>
    %dma_start3A_242 = tpu.memref_squeeze %dma_start3A_241 : memref<1x!tpu.dma_semaphore, #tpu.memory_space<semaphore_mem>> -> memref<!tpu.dma_semaphore, #tpu.memory_space<semaphore_mem>>
    %dma_start3A_243 = arith.constant 0 : i32
    %dma_start3A_244 = arith.constant 0 : i32
    %dma_start3A_245 = tpu.memref_slice %arg4[%add3A_230, %dma_start3A_243, %dma_start3A_244] : memref<16384x56x128xf32, #tpu.memory_space<hbm>> -> memref<1x50x64xf32, #tpu.memory_space<hbm>>
    %dma_start3A_246 = tpu.memref_squeeze %dma_start3A_245 : memref<1x50x64xf32, #tpu.memory_space<hbm>> -> memref<50x64xf32, #tpu.memory_space<hbm>>
    %dma_start3A_247 = arith.constant 50 : i32
    %dma_start3A_248 = arith.constant 0 : i32
    %dma_start3A_249 = tpu.memref_slice %arg6[%dma_start3A_231, %dma_start3A_247, %dma_start3A_248] : memref<8x100x64xf32, #tpu.memory_space<vmem>> -> memref<1x50x64xf32, #tpu.memory_space<vmem>>
    %dma_start3A_250 = tpu.memref_squeeze %dma_start3A_249 : memref<1x50x64xf32, #tpu.memory_space<vmem>> -> memref<50x64xf32, #tpu.memory_space<vmem>>
    tpu.enqueue_dma source(%dma_start3A_250 : memref<50x64xf32, #tpu.memory_space<vmem>>) target(%dma_start3A_246 : memref<50x64xf32, #tpu.memory_space<hbm>>) target_semaphore(%dma_start3A_242 : memref<!tpu.dma_semaphore, #tpu.memory_space<semaphore_mem>>)
    %dma_wait3A_251 = arith.constant 250 : i32
    %dma_wait3A_252 = arith.constant 2 : i32
    %dma_wait3A_253 = arith.constant 2 : i32
    %dma_wait3A_254 = arith.constant 0 : i32
    %dma_wait3A_255 = arith.constant 0 : i32
    %dma_wait3A_256 = tpu.memref_slice %arg6[%dma_wait3A_252, %dma_wait3A_254, %dma_wait3A_255] : memref<8x100x64xf32, #tpu.memory_space<vmem>> -> memref<1x100x64xf32, #tpu.memory_space<vmem>>
    %dma_wait3A_257 = tpu.memref_squeeze %dma_wait3A_256 : memref<1x100x64xf32, #tpu.memory_space<vmem>> -> memref<100x64xf32, #tpu.memory_space<vmem>>
    %dma_wait3A_258 = arith.constant 0 : i32
    %dma_wait3A_259 = tpu.memref_slice %arg5[%dma_wait3A_251, %dma_wait3A_258] : memref<256x100xi32, #tpu.memory_space<vmem>> -> memref<1x100xi32, #tpu.memory_space<vmem>>
    %dma_wait3A_260 = tpu.memref_squeeze %dma_wait3A_259 : memref<1x100xi32, #tpu.memory_space<vmem>> -> memref<100xi32, #tpu.memory_space<vmem>>
    %dma_wait3A_261 = arith.constant 0 : i32
    %dma_wait3A_262 = arith.constant 0 : i32
    %dma_wait3A_263 = tpu.memref_slice %arg2[%dma_wait3A_261, %dma_wait3A_262] : memref<1000000x64xf32, #tpu.memory_space<hbm>> -> memref<1000000x64xf32, #tpu.memory_space<hbm>>
    %dma_wait3A_264 = tpu.memref_slice %arg7[%dma_wait3A_253] : memref<8x!tpu.dma_semaphore, #tpu.memory_space<semaphore_mem>> -> memref<1x!tpu.dma_semaphore, #tpu.memory_space<semaphore_mem>>
    %dma_wait3A_265 = tpu.memref_squeeze %dma_wait3A_264 : memref<1x!tpu.dma_semaphore, #tpu.memory_space<semaphore_mem>> -> memref<!tpu.dma_semaphore, #tpu.memory_space<semaphore_mem>>
    tpu.wait_indirect_dma semaphore(%dma_wait3A_265 : memref<!tpu.dma_semaphore, #tpu.memory_space<semaphore_mem>>) src(%dma_wait3A_263 : memref<1000000x64xf32, #tpu.memory_space<hbm>>) dst(%dma_wait3A_257 : memref<100x64xf32, #tpu.memory_space<vmem>>)
    %add3A_266 = arith.constant 500 : i32
    %add3A_267 = arith.addi %mul3A_2, %add3A_266 : i32
    %add3A_268 = arith.constant 0 : i32
    %add3A_269 = arith.addi %add3A_267, %add3A_268 : i32
    %dma_start3A_270 = arith.constant 2 : i32
    %dma_start3A_271 = arith.constant 2 : i32
    %dma_start3A_272 = arith.constant 0 : i32
    %dma_start3A_273 = arith.constant 0 : i32
    %dma_start3A_274 = tpu.memref_slice %arg6[%dma_start3A_270, %dma_start3A_272, %dma_start3A_273] : memref<8x100x64xf32, #tpu.memory_space<vmem>> -> memref<1x50x64xf32, #tpu.memory_space<vmem>>
    %dma_start3A_275 = tpu.memref_squeeze %dma_start3A_274 : memref<1x50x64xf32, #tpu.memory_space<vmem>> -> memref<50x64xf32, #tpu.memory_space<vmem>>
    %dma_start3A_276 = arith.constant 0 : i32
    %dma_start3A_277 = arith.constant 0 : i32
    %dma_start3A_278 = tpu.memref_slice %arg4[%add3A_269, %dma_start3A_276, %dma_start3A_277] : memref<16384x56x128xf32, #tpu.memory_space<hbm>> -> memref<1x50x64xf32, #tpu.memory_space<hbm>>
    %dma_start3A_279 = tpu.memref_squeeze %dma_start3A_278 : memref<1x50x64xf32, #tpu.memory_space<hbm>> -> memref<50x64xf32, #tpu.memory_space<hbm>>
    %dma_start3A_280 = tpu.memref_slice %arg8[%dma_start3A_271] : memref<8x!tpu.dma_semaphore, #tpu.memory_space<semaphore_mem>> -> memref<1x!tpu.dma_semaphore, #tpu.memory_space<semaphore_mem>>
    %dma_start3A_281 = tpu.memref_squeeze %dma_start3A_280 : memref<1x!tpu.dma_semaphore, #tpu.memory_space<semaphore_mem>> -> memref<!tpu.dma_semaphore, #tpu.memory_space<semaphore_mem>>
    %dma_start3A_282 = arith.constant 0 : i32
    %dma_start3A_283 = arith.constant 0 : i32
    %dma_start3A_284 = tpu.memref_slice %arg4[%add3A_269, %dma_start3A_282, %dma_start3A_283] : memref<16384x56x128xf32, #tpu.memory_space<hbm>> -> memref<1x50x64xf32, #tpu.memory_space<hbm>>
    %dma_start3A_285 = tpu.memref_squeeze %dma_start3A_284 : memref<1x50x64xf32, #tpu.memory_space<hbm>> -> memref<50x64xf32, #tpu.memory_space<hbm>>
    %dma_start3A_286 = arith.constant 0 : i32
    %dma_start3A_287 = arith.constant 0 : i32
    %dma_start3A_288 = tpu.memref_slice %arg6[%dma_start3A_270, %dma_start3A_286, %dma_start3A_287] : memref<8x100x64xf32, #tpu.memory_space<vmem>> -> memref<1x50x64xf32, #tpu.memory_space<vmem>>
    %dma_start3A_289 = tpu.memref_squeeze %dma_start3A_288 : memref<1x50x64xf32, #tpu.memory_space<vmem>> -> memref<50x64xf32, #tpu.memory_space<vmem>>
    tpu.enqueue_dma source(%dma_start3A_289 : memref<50x64xf32, #tpu.memory_space<vmem>>) target(%dma_start3A_285 : memref<50x64xf32, #tpu.memory_space<hbm>>) target_semaphore(%dma_start3A_281 : memref<!tpu.dma_semaphore, #tpu.memory_space<semaphore_mem>>)
    %add3A_290 = arith.constant 500 : i32
    %add3A_291 = arith.addi %mul3A_2, %add3A_290 : i32
    %add3A_292 = arith.constant 1 : i32
    %add3A_293 = arith.addi %add3A_291, %add3A_292 : i32
    %dma_start3A_294 = arith.constant 2 : i32
    %dma_start3A_295 = arith.constant 2 : i32
    %dma_start3A_296 = arith.constant 50 : i32
    %dma_start3A_297 = arith.constant 0 : i32
    %dma_start3A_298 = tpu.memref_slice %arg6[%dma_start3A_294, %dma_start3A_296, %dma_start3A_297] : memref<8x100x64xf32, #tpu.memory_space<vmem>> -> memref<1x50x64xf32, #tpu.memory_space<vmem>>
    %dma_start3A_299 = tpu.memref_squeeze %dma_start3A_298 : memref<1x50x64xf32, #tpu.memory_space<vmem>> -> memref<50x64xf32, #tpu.memory_space<vmem>>
    %dma_start3A_300 = arith.constant 0 : i32
    %dma_start3A_301 = arith.constant 0 : i32
    %dma_start3A_302 = tpu.memref_slice %arg4[%add3A_293, %dma_start3A_300, %dma_start3A_301] : memref<16384x56x128xf32, #tpu.memory_space<hbm>> -> memref<1x50x64xf32, #tpu.memory_space<hbm>>
    %dma_start3A_303 = tpu.memref_squeeze %dma_start3A_302 : memref<1x50x64xf32, #tpu.memory_space<hbm>> -> memref<50x64xf32, #tpu.memory_space<hbm>>
    %dma_start3A_304 = tpu.memref_slice %arg8[%dma_start3A_295] : memref<8x!tpu.dma_semaphore, #tpu.memory_space<semaphore_mem>> -> memref<1x!tpu.dma_semaphore, #tpu.memory_space<semaphore_mem>>
    %dma_start3A_305 = tpu.memref_squeeze %dma_start3A_304 : memref<1x!tpu.dma_semaphore, #tpu.memory_space<semaphore_mem>> -> memref<!tpu.dma_semaphore, #tpu.memory_space<semaphore_mem>>
    %dma_start3A_306 = arith.constant 0 : i32
    %dma_start3A_307 = arith.constant 0 : i32
    %dma_start3A_308 = tpu.memref_slice %arg4[%add3A_293, %dma_start3A_306, %dma_start3A_307] : memref<16384x56x128xf32, #tpu.memory_space<hbm>> -> memref<1x50x64xf32, #tpu.memory_space<hbm>>
    %dma_start3A_309 = tpu.memref_squeeze %dma_start3A_308 : memref<1x50x64xf32, #tpu.memory_space<hbm>> -> memref<50x64xf32, #tpu.memory_space<hbm>>
    %dma_start3A_310 = arith.constant 50 : i32
    %dma_start3A_311 = arith.constant 0 : i32
    %dma_start3A_312 = tpu.memref_slice %arg6[%dma_start3A_294, %dma_start3A_310, %dma_start3A_311] : memref<8x100x64xf32, #tpu.memory_space<vmem>> -> memref<1x50x64xf32, #tpu.memory_space<vmem>>
    %dma_start3A_313 = tpu.memref_squeeze %dma_start3A_312 : memref<1x50x64xf32, #tpu.memory_space<vmem>> -> memref<50x64xf32, #tpu.memory_space<vmem>>
    tpu.enqueue_dma source(%dma_start3A_313 : memref<50x64xf32, #tpu.memory_space<vmem>>) target(%dma_start3A_309 : memref<50x64xf32, #tpu.memory_space<hbm>>) target_semaphore(%dma_start3A_305 : memref<!tpu.dma_semaphore, #tpu.memory_space<semaphore_mem>>)
    %dma_wait3A_314 = arith.constant 251 : i32
    %dma_wait3A_315 = arith.constant 3 : i32
    %dma_wait3A_316 = arith.constant 3 : i32
    %dma_wait3A_317 = arith.constant 0 : i32
    %dma_wait3A_318 = arith.constant 0 : i32
    %dma_wait3A_319 = tpu.memref_slice %arg6[%dma_wait3A_315, %dma_wait3A_317, %dma_wait3A_318] : memref<8x100x64xf32, #tpu.memory_space<vmem>> -> memref<1x100x64xf32, #tpu.memory_space<vmem>>
    %dma_wait3A_320 = tpu.memref_squeeze %dma_wait3A_319 : memref<1x100x64xf32, #tpu.memory_space<vmem>> -> memref<100x64xf32, #tpu.memory_space<vmem>>
    %dma_wait3A_321 = arith.constant 0 : i32
    %dma_wait3A_322 = tpu.memref_slice %arg5[%dma_wait3A_314, %dma_wait3A_321] : memref<256x100xi32, #tpu.memory_space<vmem>> -> memref<1x100xi32, #tpu.memory_space<vmem>>
    %dma_wait3A_323 = tpu.memref_squeeze %dma_wait3A_322 : memref<1x100xi32, #tpu.memory_space<vmem>> -> memref<100xi32, #tpu.memory_space<vmem>>
    %dma_wait3A_324 = arith.constant 0 : i32
    %dma_wait3A_325 = arith.constant 0 : i32
    %dma_wait3A_326 = tpu.memref_slice %arg2[%dma_wait3A_324, %dma_wait3A_325] : memref<1000000x64xf32, #tpu.memory_space<hbm>> -> memref<1000000x64xf32, #tpu.memory_space<hbm>>
    %dma_wait3A_327 = tpu.memref_slice %arg7[%dma_wait3A_316] : memref<8x!tpu.dma_semaphore, #tpu.memory_space<semaphore_mem>> -> memref<1x!tpu.dma_semaphore, #tpu.memory_space<semaphore_mem>>
    %dma_wait3A_328 = tpu.memref_squeeze %dma_wait3A_327 : memref<1x!tpu.dma_semaphore, #tpu.memory_space<semaphore_mem>> -> memref<!tpu.dma_semaphore, #tpu.memory_space<semaphore_mem>>
    tpu.wait_indirect_dma semaphore(%dma_wait3A_328 : memref<!tpu.dma_semaphore, #tpu.memory_space<semaphore_mem>>) src(%dma_wait3A_326 : memref<1000000x64xf32, #tpu.memory_space<hbm>>) dst(%dma_wait3A_320 : memref<100x64xf32, #tpu.memory_space<vmem>>)
    %add3A_329 = arith.constant 502 : i32
    %add3A_330 = arith.addi %mul3A_2, %add3A_329 : i32
    %add3A_331 = arith.constant 0 : i32
    %add3A_332 = arith.addi %add3A_330, %add3A_331 : i32
    %dma_start3A_333 = arith.constant 3 : i32
    %dma_start3A_334 = arith.constant 3 : i32
    %dma_start3A_335 = arith.constant 0 : i32
    %dma_start3A_336 = arith.constant 0 : i32
    %dma_start3A_337 = tpu.memref_slice %arg6[%dma_start3A_333, %dma_start3A_335, %dma_start3A_336] : memref<8x100x64xf32, #tpu.memory_space<vmem>> -> memref<1x50x64xf32, #tpu.memory_space<vmem>>
    %dma_start3A_338 = tpu.memref_squeeze %dma_start3A_337 : memref<1x50x64xf32, #tpu.memory_space<vmem>> -> memref<50x64xf32, #tpu.memory_space<vmem>>
    %dma_start3A_339 = arith.constant 0 : i32
    %dma_start3A_340 = arith.constant 0 : i32
    %dma_start3A_341 = tpu.memref_slice %arg4[%add3A_332, %dma_start3A_339, %dma_start3A_340] : memref<16384x56x128xf32, #tpu.memory_space<hbm>> -> memref<1x50x64xf32, #tpu.memory_space<hbm>>
    %dma_start3A_342 = tpu.memref_squeeze %dma_start3A_341 : memref<1x50x64xf32, #tpu.memory_space<hbm>> -> memref<50x64xf32, #tpu.memory_space<hbm>>
    %dma_start3A_343 = tpu.memref_slice %arg8[%dma_start3A_334] : memref<8x!tpu.dma_semaphore, #tpu.memory_space<semaphore_mem>> -> memref<1x!tpu.dma_semaphore, #tpu.memory_space<semaphore_mem>>
    %dma_start3A_344 = tpu.memref_squeeze %dma_start3A_343 : memref<1x!tpu.dma_semaphore, #tpu.memory_space<semaphore_mem>> -> memref<!tpu.dma_semaphore, #tpu.memory_space<semaphore_mem>>
    %dma_start3A_345 = arith.constant 0 : i32
    %dma_start3A_346 = arith.constant 0 : i32
    %dma_start3A_347 = tpu.memref_slice %arg4[%add3A_332, %dma_start3A_345, %dma_start3A_346] : memref<16384x56x128xf32, #tpu.memory_space<hbm>> -> memref<1x50x64xf32, #tpu.memory_space<hbm>>
    %dma_start3A_348 = tpu.memref_squeeze %dma_start3A_347 : memref<1x50x64xf32, #tpu.memory_space<hbm>> -> memref<50x64xf32, #tpu.memory_space<hbm>>
    %dma_start3A_349 = arith.constant 0 : i32
    %dma_start3A_350 = arith.constant 0 : i32
    %dma_start3A_351 = tpu.memref_slice %arg6[%dma_start3A_333, %dma_start3A_349, %dma_start3A_350] : memref<8x100x64xf32, #tpu.memory_space<vmem>> -> memref<1x50x64xf32, #tpu.memory_space<vmem>>
    %dma_start3A_352 = tpu.memref_squeeze %dma_start3A_351 : memref<1x50x64xf32, #tpu.memory_space<vmem>> -> memref<50x64xf32, #tpu.memory_space<vmem>>
    tpu.enqueue_dma source(%dma_start3A_352 : memref<50x64xf32, #tpu.memory_space<vmem>>) target(%dma_start3A_348 : memref<50x64xf32, #tpu.memory_space<hbm>>) target_semaphore(%dma_start3A_344 : memref<!tpu.dma_semaphore, #tpu.memory_space<semaphore_mem>>)
    %add3A_353 = arith.constant 502 : i32
    %add3A_354 = arith.addi %mul3A_2, %add3A_353 : i32
    %add3A_355 = arith.constant 1 : i32
    %add3A_356 = arith.addi %add3A_354, %add3A_355 : i32
    %dma_start3A_357 = arith.constant 3 : i32
    %dma_start3A_358 = arith.constant 3 : i32
    %dma_start3A_359 = arith.constant 50 : i32
    %dma_start3A_360 = arith.constant 0 : i32
    %dma_start3A_361 = tpu.memref_slice %arg6[%dma_start3A_357, %dma_start3A_359, %dma_start3A_360] : memref<8x100x64xf32, #tpu.memory_space<vmem>> -> memref<1x50x64xf32, #tpu.memory_space<vmem>>
    %dma_start3A_362 = tpu.memref_squeeze %dma_start3A_361 : memref<1x50x64xf32, #tpu.memory_space<vmem>> -> memref<50x64xf32, #tpu.memory_space<vmem>>
    %dma_start3A_363 = arith.constant 0 : i32
    %dma_start3A_364 = arith.constant 0 : i32
    %dma_start3A_365 = tpu.memref_slice %arg4[%add3A_356, %dma_start3A_363, %dma_start3A_364] : memref<16384x56x128xf32, #tpu.memory_space<hbm>> -> memref<1x50x64xf32, #tpu.memory_space<hbm>>
    %dma_start3A_366 = tpu.memref_squeeze %dma_start3A_365 : memref<1x50x64xf32, #tpu.memory_space<hbm>> -> memref<50x64xf32, #tpu.memory_space<hbm>>
    %dma_start3A_367 = tpu.memref_slice %arg8[%dma_start3A_358] : memref<8x!tpu.dma_semaphore, #tpu.memory_space<semaphore_mem>> -> memref<1x!tpu.dma_semaphore, #tpu.memory_space<semaphore_mem>>
    %dma_start3A_368 = tpu.memref_squeeze %dma_start3A_367 : memref<1x!tpu.dma_semaphore, #tpu.memory_space<semaphore_mem>> -> memref<!tpu.dma_semaphore, #tpu.memory_space<semaphore_mem>>
    %dma_start3A_369 = arith.constant 0 : i32
    %dma_start3A_370 = arith.constant 0 : i32
    %dma_start3A_371 = tpu.memref_slice %arg4[%add3A_356, %dma_start3A_369, %dma_start3A_370] : memref<16384x56x128xf32, #tpu.memory_space<hbm>> -> memref<1x50x64xf32, #tpu.memory_space<hbm>>
    %dma_start3A_372 = tpu.memref_squeeze %dma_start3A_371 : memref<1x50x64xf32, #tpu.memory_space<hbm>> -> memref<50x64xf32, #tpu.memory_space<hbm>>
    %dma_start3A_373 = arith.constant 50 : i32
    %dma_start3A_374 = arith.constant 0 : i32
    %dma_start3A_375 = tpu.memref_slice %arg6[%dma_start3A_357, %dma_start3A_373, %dma_start3A_374] : memref<8x100x64xf32, #tpu.memory_space<vmem>> -> memref<1x50x64xf32, #tpu.memory_space<vmem>>
    %dma_start3A_376 = tpu.memref_squeeze %dma_start3A_375 : memref<1x50x64xf32, #tpu.memory_space<vmem>> -> memref<50x64xf32, #tpu.memory_space<vmem>>
    tpu.enqueue_dma source(%dma_start3A_376 : memref<50x64xf32, #tpu.memory_space<vmem>>) target(%dma_start3A_372 : memref<50x64xf32, #tpu.memory_space<hbm>>) target_semaphore(%dma_start3A_368 : memref<!tpu.dma_semaphore, #tpu.memory_space<semaphore_mem>>)
    %dma_wait3A_377 = arith.constant 252 : i32
    %dma_wait3A_378 = arith.constant 4 : i32
    %dma_wait3A_379 = arith.constant 4 : i32
    %dma_wait3A_380 = arith.constant 0 : i32
    %dma_wait3A_381 = arith.constant 0 : i32
    %dma_wait3A_382 = tpu.memref_slice %arg6[%dma_wait3A_378, %dma_wait3A_380, %dma_wait3A_381] : memref<8x100x64xf32, #tpu.memory_space<vmem>> -> memref<1x100x64xf32, #tpu.memory_space<vmem>>
    %dma_wait3A_383 = tpu.memref_squeeze %dma_wait3A_382 : memref<1x100x64xf32, #tpu.memory_space<vmem>> -> memref<100x64xf32, #tpu.memory_space<vmem>>
    %dma_wait3A_384 = arith.constant 0 : i32
    %dma_wait3A_385 = tpu.memref_slice %arg5[%dma_wait3A_377, %dma_wait3A_384] : memref<256x100xi32, #tpu.memory_space<vmem>> -> memref<1x100xi32, #tpu.memory_space<vmem>>
    %dma_wait3A_386 = tpu.memref_squeeze %dma_wait3A_385 : memref<1x100xi32, #tpu.memory_space<vmem>> -> memref<100xi32, #tpu.memory_space<vmem>>
    %dma_wait3A_387 = arith.constant 0 : i32
    %dma_wait3A_388 = arith.constant 0 : i32
    %dma_wait3A_389 = tpu.memref_slice %arg2[%dma_wait3A_387, %dma_wait3A_388] : memref<1000000x64xf32, #tpu.memory_space<hbm>> -> memref<1000000x64xf32, #tpu.memory_space<hbm>>
    %dma_wait3A_390 = tpu.memref_slice %arg7[%dma_wait3A_379] : memref<8x!tpu.dma_semaphore, #tpu.memory_space<semaphore_mem>> -> memref<1x!tpu.dma_semaphore, #tpu.memory_space<semaphore_mem>>
    %dma_wait3A_391 = tpu.memref_squeeze %dma_wait3A_390 : memref<1x!tpu.dma_semaphore, #tpu.memory_space<semaphore_mem>> -> memref<!tpu.dma_semaphore, #tpu.memory_space<semaphore_mem>>
    tpu.wait_indirect_dma semaphore(%dma_wait3A_391 : memref<!tpu.dma_semaphore, #tpu.memory_space<semaphore_mem>>) src(%dma_wait3A_389 : memref<1000000x64xf32, #tpu.memory_space<hbm>>) dst(%dma_wait3A_383 : memref<100x64xf32, #tpu.memory_space<vmem>>)
    %add3A_392 = arith.constant 504 : i32
    %add3A_393 = arith.addi %mul3A_2, %add3A_392 : i32
    %add3A_394 = arith.constant 0 : i32
    %add3A_395 = arith.addi %add3A_393, %add3A_394 : i32
    %dma_start3A_396 = arith.constant 4 : i32
    %dma_start3A_397 = arith.constant 4 : i32
    %dma_start3A_398 = arith.constant 0 : i32
    %dma_start3A_399 = arith.constant 0 : i32
    %dma_start3A_400 = tpu.memref_slice %arg6[%dma_start3A_396, %dma_start3A_398, %dma_start3A_399] : memref<8x100x64xf32, #tpu.memory_space<vmem>> -> memref<1x50x64xf32, #tpu.memory_space<vmem>>
    %dma_start3A_401 = tpu.memref_squeeze %dma_start3A_400 : memref<1x50x64xf32, #tpu.memory_space<vmem>> -> memref<50x64xf32, #tpu.memory_space<vmem>>
    %dma_start3A_402 = arith.constant 0 : i32
    %dma_start3A_403 = arith.constant 0 : i32
    %dma_start3A_404 = tpu.memref_slice %arg4[%add3A_395, %dma_start3A_402, %dma_start3A_403] : memref<16384x56x128xf32, #tpu.memory_space<hbm>> -> memref<1x50x64xf32, #tpu.memory_space<hbm>>
    %dma_start3A_405 = tpu.memref_squeeze %dma_start3A_404 : memref<1x50x64xf32, #tpu.memory_space<hbm>> -> memref<50x64xf32, #tpu.memory_space<hbm>>
    %dma_start3A_406 = tpu.memref_slice %arg8[%dma_start3A_397] : memref<8x!tpu.dma_semaphore, #tpu.memory_space<semaphore_mem>> -> memref<1x!tpu.dma_semaphore, #tpu.memory_space<semaphore_mem>>
    %dma_start3A_407 = tpu.memref_squeeze %dma_start3A_406 : memref<1x!tpu.dma_semaphore, #tpu.memory_space<semaphore_mem>> -> memref<!tpu.dma_semaphore, #tpu.memory_space<semaphore_mem>>
    %dma_start3A_408 = arith.constant 0 : i32
    %dma_start3A_409 = arith.constant 0 : i32
    %dma_start3A_410 = tpu.memref_slice %arg4[%add3A_395, %dma_start3A_408, %dma_start3A_409] : memref<16384x56x128xf32, #tpu.memory_space<hbm>> -> memref<1x50x64xf32, #tpu.memory_space<hbm>>
    %dma_start3A_411 = tpu.memref_squeeze %dma_start3A_410 : memref<1x50x64xf32, #tpu.memory_space<hbm>> -> memref<50x64xf32, #tpu.memory_space<hbm>>
    %dma_start3A_412 = arith.constant 0 : i32
    %dma_start3A_413 = arith.constant 0 : i32
    %dma_start3A_414 = tpu.memref_slice %arg6[%dma_start3A_396, %dma_start3A_412, %dma_start3A_413] : memref<8x100x64xf32, #tpu.memory_space<vmem>> -> memref<1x50x64xf32, #tpu.memory_space<vmem>>
    %dma_start3A_415 = tpu.memref_squeeze %dma_start3A_414 : memref<1x50x64xf32, #tpu.memory_space<vmem>> -> memref<50x64xf32, #tpu.memory_space<vmem>>
    tpu.enqueue_dma source(%dma_start3A_415 : memref<50x64xf32, #tpu.memory_space<vmem>>) target(%dma_start3A_411 : memref<50x64xf32, #tpu.memory_space<hbm>>) target_semaphore(%dma_start3A_407 : memref<!tpu.dma_semaphore, #tpu.memory_space<semaphore_mem>>)
    %add3A_416 = arith.constant 504 : i32
    %add3A_417 = arith.addi %mul3A_2, %add3A_416 : i32
    %add3A_418 = arith.constant 1 : i32
    %add3A_419 = arith.addi %add3A_417, %add3A_418 : i32
    %dma_start3A_420 = arith.constant 4 : i32
    %dma_start3A_421 = arith.constant 4 : i32
    %dma_start3A_422 = arith.constant 50 : i32
    %dma_start3A_423 = arith.constant 0 : i32
    %dma_start3A_424 = tpu.memref_slice %arg6[%dma_start3A_420, %dma_start3A_422, %dma_start3A_423] : memref<8x100x64xf32, #tpu.memory_space<vmem>> -> memref<1x50x64xf32, #tpu.memory_space<vmem>>
    %dma_start3A_425 = tpu.memref_squeeze %dma_start3A_424 : memref<1x50x64xf32, #tpu.memory_space<vmem>> -> memref<50x64xf32, #tpu.memory_space<vmem>>
    %dma_start3A_426 = arith.constant 0 : i32
    %dma_start3A_427 = arith.constant 0 : i32
    %dma_start3A_428 = tpu.memref_slice %arg4[%add3A_419, %dma_start3A_426, %dma_start3A_427] : memref<16384x56x128xf32, #tpu.memory_space<hbm>> -> memref<1x50x64xf32, #tpu.memory_space<hbm>>
    %dma_start3A_429 = tpu.memref_squeeze %dma_start3A_428 : memref<1x50x64xf32, #tpu.memory_space<hbm>> -> memref<50x64xf32, #tpu.memory_space<hbm>>
    %dma_start3A_430 = tpu.memref_slice %arg8[%dma_start3A_421] : memref<8x!tpu.dma_semaphore, #tpu.memory_space<semaphore_mem>> -> memref<1x!tpu.dma_semaphore, #tpu.memory_space<semaphore_mem>>
    %dma_start3A_431 = tpu.memref_squeeze %dma_start3A_430 : memref<1x!tpu.dma_semaphore, #tpu.memory_space<semaphore_mem>> -> memref<!tpu.dma_semaphore, #tpu.memory_space<semaphore_mem>>
    %dma_start3A_432 = arith.constant 0 : i32
    %dma_start3A_433 = arith.constant 0 : i32
    %dma_start3A_434 = tpu.memref_slice %arg4[%add3A_419, %dma_start3A_432, %dma_start3A_433] : memref<16384x56x128xf32, #tpu.memory_space<hbm>> -> memref<1x50x64xf32, #tpu.memory_space<hbm>>
    %dma_start3A_435 = tpu.memref_squeeze %dma_start3A_434 : memref<1x50x64xf32, #tpu.memory_space<hbm>> -> memref<50x64xf32, #tpu.memory_space<hbm>>
    %dma_start3A_436 = arith.constant 50 : i32
    %dma_start3A_437 = arith.constant 0 : i32
    %dma_start3A_438 = tpu.memref_slice %arg6[%dma_start3A_420, %dma_start3A_436, %dma_start3A_437] : memref<8x100x64xf32, #tpu.memory_space<vmem>> -> memref<1x50x64xf32, #tpu.memory_space<vmem>>
    %dma_start3A_439 = tpu.memref_squeeze %dma_start3A_438 : memref<1x50x64xf32, #tpu.memory_space<vmem>> -> memref<50x64xf32, #tpu.memory_space<vmem>>
    tpu.enqueue_dma source(%dma_start3A_439 : memref<50x64xf32, #tpu.memory_space<vmem>>) target(%dma_start3A_435 : memref<50x64xf32, #tpu.memory_space<hbm>>) target_semaphore(%dma_start3A_431 : memref<!tpu.dma_semaphore, #tpu.memory_space<semaphore_mem>>)
    %dma_wait3A_440 = arith.constant 253 : i32
    %dma_wait3A_441 = arith.constant 5 : i32
    %dma_wait3A_442 = arith.constant 5 : i32
    %dma_wait3A_443 = arith.constant 0 : i32
    %dma_wait3A_444 = arith.constant 0 : i32
    %dma_wait3A_445 = tpu.memref_slice %arg6[%dma_wait3A_441, %dma_wait3A_443, %dma_wait3A_444] : memref<8x100x64xf32, #tpu.memory_space<vmem>> -> memref<1x100x64xf32, #tpu.memory_space<vmem>>
    %dma_wait3A_446 = tpu.memref_squeeze %dma_wait3A_445 : memref<1x100x64xf32, #tpu.memory_space<vmem>> -> memref<100x64xf32, #tpu.memory_space<vmem>>
    %dma_wait3A_447 = arith.constant 0 : i32
    %dma_wait3A_448 = tpu.memref_slice %arg5[%dma_wait3A_440, %dma_wait3A_447] : memref<256x100xi32, #tpu.memory_space<vmem>> -> memref<1x100xi32, #tpu.memory_space<vmem>>
    %dma_wait3A_449 = tpu.memref_squeeze %dma_wait3A_448 : memref<1x100xi32, #tpu.memory_space<vmem>> -> memref<100xi32, #tpu.memory_space<vmem>>
    %dma_wait3A_450 = arith.constant 0 : i32
    %dma_wait3A_451 = arith.constant 0 : i32
    %dma_wait3A_452 = tpu.memref_slice %arg2[%dma_wait3A_450, %dma_wait3A_451] : memref<1000000x64xf32, #tpu.memory_space<hbm>> -> memref<1000000x64xf32, #tpu.memory_space<hbm>>
    %dma_wait3A_453 = tpu.memref_slice %arg7[%dma_wait3A_442] : memref<8x!tpu.dma_semaphore, #tpu.memory_space<semaphore_mem>> -> memref<1x!tpu.dma_semaphore, #tpu.memory_space<semaphore_mem>>
    %dma_wait3A_454 = tpu.memref_squeeze %dma_wait3A_453 : memref<1x!tpu.dma_semaphore, #tpu.memory_space<semaphore_mem>> -> memref<!tpu.dma_semaphore, #tpu.memory_space<semaphore_mem>>
    tpu.wait_indirect_dma semaphore(%dma_wait3A_454 : memref<!tpu.dma_semaphore, #tpu.memory_space<semaphore_mem>>) src(%dma_wait3A_452 : memref<1000000x64xf32, #tpu.memory_space<hbm>>) dst(%dma_wait3A_446 : memref<100x64xf32, #tpu.memory_space<vmem>>)
    %add3A_455 = arith.constant 506 : i32
    %add3A_456 = arith.addi %mul3A_2, %add3A_455 : i32
    %add3A_457 = arith.constant 0 : i32
    %add3A_458 = arith.addi %add3A_456, %add3A_457 : i32
    %dma_start3A_459 = arith.constant 5 : i32
    %dma_start3A_460 = arith.constant 5 : i32
    %dma_start3A_461 = arith.constant 0 : i32
    %dma_start3A_462 = arith.constant 0 : i32
    %dma_start3A_463 = tpu.memref_slice %arg6[%dma_start3A_459, %dma_start3A_461, %dma_start3A_462] : memref<8x100x64xf32, #tpu.memory_space<vmem>> -> memref<1x50x64xf32, #tpu.memory_space<vmem>>
    %dma_start3A_464 = tpu.memref_squeeze %dma_start3A_463 : memref<1x50x64xf32, #tpu.memory_space<vmem>> -> memref<50x64xf32, #tpu.memory_space<vmem>>
    %dma_start3A_465 = arith.constant 0 : i32
    %dma_start3A_466 = arith.constant 0 : i32
    %dma_start3A_467 = tpu.memref_slice %arg4[%add3A_458, %dma_start3A_465, %dma_start3A_466] : memref<16384x56x128xf32, #tpu.memory_space<hbm>> -> memref<1x50x64xf32, #tpu.memory_space<hbm>>
    %dma_start3A_468 = tpu.memref_squeeze %dma_start3A_467 : memref<1x50x64xf32, #tpu.memory_space<hbm>> -> memref<50x64xf32, #tpu.memory_space<hbm>>
    %dma_start3A_469 = tpu.memref_slice %arg8[%dma_start3A_460] : memref<8x!tpu.dma_semaphore, #tpu.memory_space<semaphore_mem>> -> memref<1x!tpu.dma_semaphore, #tpu.memory_space<semaphore_mem>>
    %dma_start3A_470 = tpu.memref_squeeze %dma_start3A_469 : memref<1x!tpu.dma_semaphore, #tpu.memory_space<semaphore_mem>> -> memref<!tpu.dma_semaphore, #tpu.memory_space<semaphore_mem>>
    %dma_start3A_471 = arith.constant 0 : i32
    %dma_start3A_472 = arith.constant 0 : i32
    %dma_start3A_473 = tpu.memref_slice %arg4[%add3A_458, %dma_start3A_471, %dma_start3A_472] : memref<16384x56x128xf32, #tpu.memory_space<hbm>> -> memref<1x50x64xf32, #tpu.memory_space<hbm>>
    %dma_start3A_474 = tpu.memref_squeeze %dma_start3A_473 : memref<1x50x64xf32, #tpu.memory_space<hbm>> -> memref<50x64xf32, #tpu.memory_space<hbm>>
    %dma_start3A_475 = arith.constant 0 : i32
    %dma_start3A_476 = arith.constant 0 : i32
    %dma_start3A_477 = tpu.memref_slice %arg6[%dma_start3A_459, %dma_start3A_475, %dma_start3A_476] : memref<8x100x64xf32, #tpu.memory_space<vmem>> -> memref<1x50x64xf32, #tpu.memory_space<vmem>>
    %dma_start3A_478 = tpu.memref_squeeze %dma_start3A_477 : memref<1x50x64xf32, #tpu.memory_space<vmem>> -> memref<50x64xf32, #tpu.memory_space<vmem>>
    tpu.enqueue_dma source(%dma_start3A_478 : memref<50x64xf32, #tpu.memory_space<vmem>>) target(%dma_start3A_474 : memref<50x64xf32, #tpu.memory_space<hbm>>) target_semaphore(%dma_start3A_470 : memref<!tpu.dma_semaphore, #tpu.memory_space<semaphore_mem>>)
    %add3A_479 = arith.constant 506 : i32
    %add3A_480 = arith.addi %mul3A_2, %add3A_479 : i32
    %add3A_481 = arith.constant 1 : i32
    %add3A_482 = arith.addi %add3A_480, %add3A_481 : i32
    %dma_start3A_483 = arith.constant 5 : i32
    %dma_start3A_484 = arith.constant 5 : i32
    %dma_start3A_485 = arith.constant 50 : i32
    %dma_start3A_486 = arith.constant 0 : i32
    %dma_start3A_487 = tpu.memref_slice %arg6[%dma_start3A_483, %dma_start3A_485, %dma_start3A_486] : memref<8x100x64xf32, #tpu.memory_space<vmem>> -> memref<1x50x64xf32, #tpu.memory_space<vmem>>
    %dma_start3A_488 = tpu.memref_squeeze %dma_start3A_487 : memref<1x50x64xf32, #tpu.memory_space<vmem>> -> memref<50x64xf32, #tpu.memory_space<vmem>>
    %dma_start3A_489 = arith.constant 0 : i32
    %dma_start3A_490 = arith.constant 0 : i32
    %dma_start3A_491 = tpu.memref_slice %arg4[%add3A_482, %dma_start3A_489, %dma_start3A_490] : memref<16384x56x128xf32, #tpu.memory_space<hbm>> -> memref<1x50x64xf32, #tpu.memory_space<hbm>>
    %dma_start3A_492 = tpu.memref_squeeze %dma_start3A_491 : memref<1x50x64xf32, #tpu.memory_space<hbm>> -> memref<50x64xf32, #tpu.memory_space<hbm>>
    %dma_start3A_493 = tpu.memref_slice %arg8[%dma_start3A_484] : memref<8x!tpu.dma_semaphore, #tpu.memory_space<semaphore_mem>> -> memref<1x!tpu.dma_semaphore, #tpu.memory_space<semaphore_mem>>
    %dma_start3A_494 = tpu.memref_squeeze %dma_start3A_493 : memref<1x!tpu.dma_semaphore, #tpu.memory_space<semaphore_mem>> -> memref<!tpu.dma_semaphore, #tpu.memory_space<semaphore_mem>>
    %dma_start3A_495 = arith.constant 0 : i32
    %dma_start3A_496 = arith.constant 0 : i32
    %dma_start3A_497 = tpu.memref_slice %arg4[%add3A_482, %dma_start3A_495, %dma_start3A_496] : memref<16384x56x128xf32, #tpu.memory_space<hbm>> -> memref<1x50x64xf32, #tpu.memory_space<hbm>>
    %dma_start3A_498 = tpu.memref_squeeze %dma_start3A_497 : memref<1x50x64xf32, #tpu.memory_space<hbm>> -> memref<50x64xf32, #tpu.memory_space<hbm>>
    %dma_start3A_499 = arith.constant 50 : i32
    %dma_start3A_500 = arith.constant 0 : i32
    %dma_start3A_501 = tpu.memref_slice %arg6[%dma_start3A_483, %dma_start3A_499, %dma_start3A_500] : memref<8x100x64xf32, #tpu.memory_space<vmem>> -> memref<1x50x64xf32, #tpu.memory_space<vmem>>
    %dma_start3A_502 = tpu.memref_squeeze %dma_start3A_501 : memref<1x50x64xf32, #tpu.memory_space<vmem>> -> memref<50x64xf32, #tpu.memory_space<vmem>>
    tpu.enqueue_dma source(%dma_start3A_502 : memref<50x64xf32, #tpu.memory_space<vmem>>) target(%dma_start3A_498 : memref<50x64xf32, #tpu.memory_space<hbm>>) target_semaphore(%dma_start3A_494 : memref<!tpu.dma_semaphore, #tpu.memory_space<semaphore_mem>>)
    %dma_wait3A_503 = arith.constant 254 : i32
    %dma_wait3A_504 = arith.constant 6 : i32
    %dma_wait3A_505 = arith.constant 6 : i32
    %dma_wait3A_506 = arith.constant 0 : i32
    %dma_wait3A_507 = arith.constant 0 : i32
    %dma_wait3A_508 = tpu.memref_slice %arg6[%dma_wait3A_504, %dma_wait3A_506, %dma_wait3A_507] : memref<8x100x64xf32, #tpu.memory_space<vmem>> -> memref<1x100x64xf32, #tpu.memory_space<vmem>>
    %dma_wait3A_509 = tpu.memref_squeeze %dma_wait3A_508 : memref<1x100x64xf32, #tpu.memory_space<vmem>> -> memref<100x64xf32, #tpu.memory_space<vmem>>
    %dma_wait3A_510 = arith.constant 0 : i32
    %dma_wait3A_511 = tpu.memref_slice %arg5[%dma_wait3A_503, %dma_wait3A_510] : memref<256x100xi32, #tpu.memory_space<vmem>> -> memref<1x100xi32, #tpu.memory_space<vmem>>
    %dma_wait3A_512 = tpu.memref_squeeze %dma_wait3A_511 : memref<1x100xi32, #tpu.memory_space<vmem>> -> memref<100xi32, #tpu.memory_space<vmem>>
    %dma_wait3A_513 = arith.constant 0 : i32
    %dma_wait3A_514 = arith.constant 0 : i32
    %dma_wait3A_515 = tpu.memref_slice %arg2[%dma_wait3A_513, %dma_wait3A_514] : memref<1000000x64xf32, #tpu.memory_space<hbm>> -> memref<1000000x64xf32, #tpu.memory_space<hbm>>
    %dma_wait3A_516 = tpu.memref_slice %arg7[%dma_wait3A_505] : memref<8x!tpu.dma_semaphore, #tpu.memory_space<semaphore_mem>> -> memref<1x!tpu.dma_semaphore, #tpu.memory_space<semaphore_mem>>
    %dma_wait3A_517 = tpu.memref_squeeze %dma_wait3A_516 : memref<1x!tpu.dma_semaphore, #tpu.memory_space<semaphore_mem>> -> memref<!tpu.dma_semaphore, #tpu.memory_space<semaphore_mem>>
    tpu.wait_indirect_dma semaphore(%dma_wait3A_517 : memref<!tpu.dma_semaphore, #tpu.memory_space<semaphore_mem>>) src(%dma_wait3A_515 : memref<1000000x64xf32, #tpu.memory_space<hbm>>) dst(%dma_wait3A_509 : memref<100x64xf32, #tpu.memory_space<vmem>>)
    %add3A_518 = arith.constant 508 : i32
    %add3A_519 = arith.addi %mul3A_2, %add3A_518 : i32
    %add3A_520 = arith.constant 0 : i32
    %add3A_521 = arith.addi %add3A_519, %add3A_520 : i32
    %dma_start3A_522 = arith.constant 6 : i32
    %dma_start3A_523 = arith.constant 6 : i32
    %dma_start3A_524 = arith.constant 0 : i32
    %dma_start3A_525 = arith.constant 0 : i32
    %dma_start3A_526 = tpu.memref_slice %arg6[%dma_start3A_522, %dma_start3A_524, %dma_start3A_525] : memref<8x100x64xf32, #tpu.memory_space<vmem>> -> memref<1x50x64xf32, #tpu.memory_space<vmem>>
    %dma_start3A_527 = tpu.memref_squeeze %dma_start3A_526 : memref<1x50x64xf32, #tpu.memory_space<vmem>> -> memref<50x64xf32, #tpu.memory_space<vmem>>
    %dma_start3A_528 = arith.constant 0 : i32
    %dma_start3A_529 = arith.constant 0 : i32
    %dma_start3A_530 = tpu.memref_slice %arg4[%add3A_521, %dma_start3A_528, %dma_start3A_529] : memref<16384x56x128xf32, #tpu.memory_space<hbm>> -> memref<1x50x64xf32, #tpu.memory_space<hbm>>
    %dma_start3A_531 = tpu.memref_squeeze %dma_start3A_530 : memref<1x50x64xf32, #tpu.memory_space<hbm>> -> memref<50x64xf32, #tpu.memory_space<hbm>>
    %dma_start3A_532 = tpu.memref_slice %arg8[%dma_start3A_523] : memref<8x!tpu.dma_semaphore, #tpu.memory_space<semaphore_mem>> -> memref<1x!tpu.dma_semaphore, #tpu.memory_space<semaphore_mem>>
    %dma_start3A_533 = tpu.memref_squeeze %dma_start3A_532 : memref<1x!tpu.dma_semaphore, #tpu.memory_space<semaphore_mem>> -> memref<!tpu.dma_semaphore, #tpu.memory_space<semaphore_mem>>
    %dma_start3A_534 = arith.constant 0 : i32
    %dma_start3A_535 = arith.constant 0 : i32
    %dma_start3A_536 = tpu.memref_slice %arg4[%add3A_521, %dma_start3A_534, %dma_start3A_535] : memref<16384x56x128xf32, #tpu.memory_space<hbm>> -> memref<1x50x64xf32, #tpu.memory_space<hbm>>
    %dma_start3A_537 = tpu.memref_squeeze %dma_start3A_536 : memref<1x50x64xf32, #tpu.memory_space<hbm>> -> memref<50x64xf32, #tpu.memory_space<hbm>>
    %dma_start3A_538 = arith.constant 0 : i32
    %dma_start3A_539 = arith.constant 0 : i32
    %dma_start3A_540 = tpu.memref_slice %arg6[%dma_start3A_522, %dma_start3A_538, %dma_start3A_539] : memref<8x100x64xf32, #tpu.memory_space<vmem>> -> memref<1x50x64xf32, #tpu.memory_space<vmem>>
    %dma_start3A_541 = tpu.memref_squeeze %dma_start3A_540 : memref<1x50x64xf32, #tpu.memory_space<vmem>> -> memref<50x64xf32, #tpu.memory_space<vmem>>
    tpu.enqueue_dma source(%dma_start3A_541 : memref<50x64xf32, #tpu.memory_space<vmem>>) target(%dma_start3A_537 : memref<50x64xf32, #tpu.memory_space<hbm>>) target_semaphore(%dma_start3A_533 : memref<!tpu.dma_semaphore, #tpu.memory_space<semaphore_mem>>)
    %add3A_542 = arith.constant 508 : i32
    %add3A_543 = arith.addi %mul3A_2, %add3A_542 : i32
    %add3A_544 = arith.constant 1 : i32
    %add3A_545 = arith.addi %add3A_543, %add3A_544 : i32
    %dma_start3A_546 = arith.constant 6 : i32
    %dma_start3A_547 = arith.constant 6 : i32
    %dma_start3A_548 = arith.constant 50 : i32
    %dma_start3A_549 = arith.constant 0 : i32
    %dma_start3A_550 = tpu.memref_slice %arg6[%dma_start3A_546, %dma_start3A_548, %dma_start3A_549] : memref<8x100x64xf32, #tpu.memory_space<vmem>> -> memref<1x50x64xf32, #tpu.memory_space<vmem>>
    %dma_start3A_551 = tpu.memref_squeeze %dma_start3A_550 : memref<1x50x64xf32, #tpu.memory_space<vmem>> -> memref<50x64xf32, #tpu.memory_space<vmem>>
    %dma_start3A_552 = arith.constant 0 : i32
    %dma_start3A_553 = arith.constant 0 : i32
    %dma_start3A_554 = tpu.memref_slice %arg4[%add3A_545, %dma_start3A_552, %dma_start3A_553] : memref<16384x56x128xf32, #tpu.memory_space<hbm>> -> memref<1x50x64xf32, #tpu.memory_space<hbm>>
    %dma_start3A_555 = tpu.memref_squeeze %dma_start3A_554 : memref<1x50x64xf32, #tpu.memory_space<hbm>> -> memref<50x64xf32, #tpu.memory_space<hbm>>
    %dma_start3A_556 = tpu.memref_slice %arg8[%dma_start3A_547] : memref<8x!tpu.dma_semaphore, #tpu.memory_space<semaphore_mem>> -> memref<1x!tpu.dma_semaphore, #tpu.memory_space<semaphore_mem>>
    %dma_start3A_557 = tpu.memref_squeeze %dma_start3A_556 : memref<1x!tpu.dma_semaphore, #tpu.memory_space<semaphore_mem>> -> memref<!tpu.dma_semaphore, #tpu.memory_space<semaphore_mem>>
    %dma_start3A_558 = arith.constant 0 : i32
    %dma_start3A_559 = arith.constant 0 : i32
    %dma_start3A_560 = tpu.memref_slice %arg4[%add3A_545, %dma_start3A_558, %dma_start3A_559] : memref<16384x56x128xf32, #tpu.memory_space<hbm>> -> memref<1x50x64xf32, #tpu.memory_space<hbm>>
    %dma_start3A_561 = tpu.memref_squeeze %dma_start3A_560 : memref<1x50x64xf32, #tpu.memory_space<hbm>> -> memref<50x64xf32, #tpu.memory_space<hbm>>
    %dma_start3A_562 = arith.constant 50 : i32
    %dma_start3A_563 = arith.constant 0 : i32
    %dma_start3A_564 = tpu.memref_slice %arg6[%dma_start3A_546, %dma_start3A_562, %dma_start3A_563] : memref<8x100x64xf32, #tpu.memory_space<vmem>> -> memref<1x50x64xf32, #tpu.memory_space<vmem>>
    %dma_start3A_565 = tpu.memref_squeeze %dma_start3A_564 : memref<1x50x64xf32, #tpu.memory_space<vmem>> -> memref<50x64xf32, #tpu.memory_space<vmem>>
    tpu.enqueue_dma source(%dma_start3A_565 : memref<50x64xf32, #tpu.memory_space<vmem>>) target(%dma_start3A_561 : memref<50x64xf32, #tpu.memory_space<hbm>>) target_semaphore(%dma_start3A_557 : memref<!tpu.dma_semaphore, #tpu.memory_space<semaphore_mem>>)
    %dma_wait3A_566 = arith.constant 255 : i32
    %dma_wait3A_567 = arith.constant 7 : i32
    %dma_wait3A_568 = arith.constant 7 : i32
    %dma_wait3A_569 = arith.constant 0 : i32
    %dma_wait3A_570 = arith.constant 0 : i32
    %dma_wait3A_571 = tpu.memref_slice %arg6[%dma_wait3A_567, %dma_wait3A_569, %dma_wait3A_570] : memref<8x100x64xf32, #tpu.memory_space<vmem>> -> memref<1x100x64xf32, #tpu.memory_space<vmem>>
    %dma_wait3A_572 = tpu.memref_squeeze %dma_wait3A_571 : memref<1x100x64xf32, #tpu.memory_space<vmem>> -> memref<100x64xf32, #tpu.memory_space<vmem>>
    %dma_wait3A_573 = arith.constant 0 : i32
    %dma_wait3A_574 = tpu.memref_slice %arg5[%dma_wait3A_566, %dma_wait3A_573] : memref<256x100xi32, #tpu.memory_space<vmem>> -> memref<1x100xi32, #tpu.memory_space<vmem>>
    %dma_wait3A_575 = tpu.memref_squeeze %dma_wait3A_574 : memref<1x100xi32, #tpu.memory_space<vmem>> -> memref<100xi32, #tpu.memory_space<vmem>>
    %dma_wait3A_576 = arith.constant 0 : i32
    %dma_wait3A_577 = arith.constant 0 : i32
    %dma_wait3A_578 = tpu.memref_slice %arg2[%dma_wait3A_576, %dma_wait3A_577] : memref<1000000x64xf32, #tpu.memory_space<hbm>> -> memref<1000000x64xf32, #tpu.memory_space<hbm>>
    %dma_wait3A_579 = tpu.memref_slice %arg7[%dma_wait3A_568] : memref<8x!tpu.dma_semaphore, #tpu.memory_space<semaphore_mem>> -> memref<1x!tpu.dma_semaphore, #tpu.memory_space<semaphore_mem>>
    %dma_wait3A_580 = tpu.memref_squeeze %dma_wait3A_579 : memref<1x!tpu.dma_semaphore, #tpu.memory_space<semaphore_mem>> -> memref<!tpu.dma_semaphore, #tpu.memory_space<semaphore_mem>>
    tpu.wait_indirect_dma semaphore(%dma_wait3A_580 : memref<!tpu.dma_semaphore, #tpu.memory_space<semaphore_mem>>) src(%dma_wait3A_578 : memref<1000000x64xf32, #tpu.memory_space<hbm>>) dst(%dma_wait3A_572 : memref<100x64xf32, #tpu.memory_space<vmem>>)
    %add3A_581 = arith.constant 510 : i32
    %add3A_582 = arith.addi %mul3A_2, %add3A_581 : i32
    %add3A_583 = arith.constant 0 : i32
    %add3A_584 = arith.addi %add3A_582, %add3A_583 : i32
    %dma_start3A_585 = arith.constant 7 : i32
    %dma_start3A_586 = arith.constant 7 : i32
    %dma_start3A_587 = arith.constant 0 : i32
    %dma_start3A_588 = arith.constant 0 : i32
    %dma_start3A_589 = tpu.memref_slice %arg6[%dma_start3A_585, %dma_start3A_587, %dma_start3A_588] : memref<8x100x64xf32, #tpu.memory_space<vmem>> -> memref<1x50x64xf32, #tpu.memory_space<vmem>>
    %dma_start3A_590 = tpu.memref_squeeze %dma_start3A_589 : memref<1x50x64xf32, #tpu.memory_space<vmem>> -> memref<50x64xf32, #tpu.memory_space<vmem>>
    %dma_start3A_591 = arith.constant 0 : i32
    %dma_start3A_592 = arith.constant 0 : i32
    %dma_start3A_593 = tpu.memref_slice %arg4[%add3A_584, %dma_start3A_591, %dma_start3A_592] : memref<16384x56x128xf32, #tpu.memory_space<hbm>> -> memref<1x50x64xf32, #tpu.memory_space<hbm>>
    %dma_start3A_594 = tpu.memref_squeeze %dma_start3A_593 : memref<1x50x64xf32, #tpu.memory_space<hbm>> -> memref<50x64xf32, #tpu.memory_space<hbm>>
    %dma_start3A_595 = tpu.memref_slice %arg8[%dma_start3A_586] : memref<8x!tpu.dma_semaphore, #tpu.memory_space<semaphore_mem>> -> memref<1x!tpu.dma_semaphore, #tpu.memory_space<semaphore_mem>>
    %dma_start3A_596 = tpu.memref_squeeze %dma_start3A_595 : memref<1x!tpu.dma_semaphore, #tpu.memory_space<semaphore_mem>> -> memref<!tpu.dma_semaphore, #tpu.memory_space<semaphore_mem>>
    %dma_start3A_597 = arith.constant 0 : i32
    %dma_start3A_598 = arith.constant 0 : i32
    %dma_start3A_599 = tpu.memref_slice %arg4[%add3A_584, %dma_start3A_597, %dma_start3A_598] : memref<16384x56x128xf32, #tpu.memory_space<hbm>> -> memref<1x50x64xf32, #tpu.memory_space<hbm>>
    %dma_start3A_600 = tpu.memref_squeeze %dma_start3A_599 : memref<1x50x64xf32, #tpu.memory_space<hbm>> -> memref<50x64xf32, #tpu.memory_space<hbm>>
    %dma_start3A_601 = arith.constant 0 : i32
    %dma_start3A_602 = arith.constant 0 : i32
    %dma_start3A_603 = tpu.memref_slice %arg6[%dma_start3A_585, %dma_start3A_601, %dma_start3A_602] : memref<8x100x64xf32, #tpu.memory_space<vmem>> -> memref<1x50x64xf32, #tpu.memory_space<vmem>>
    %dma_start3A_604 = tpu.memref_squeeze %dma_start3A_603 : memref<1x50x64xf32, #tpu.memory_space<vmem>> -> memref<50x64xf32, #tpu.memory_space<vmem>>
    tpu.enqueue_dma source(%dma_start3A_604 : memref<50x64xf32, #tpu.memory_space<vmem>>) target(%dma_start3A_600 : memref<50x64xf32, #tpu.memory_space<hbm>>) target_semaphore(%dma_start3A_596 : memref<!tpu.dma_semaphore, #tpu.memory_space<semaphore_mem>>)
    %add3A_605 = arith.constant 510 : i32
    %add3A_606 = arith.addi %mul3A_2, %add3A_605 : i32
    %add3A_607 = arith.constant 1 : i32
    %add3A_608 = arith.addi %add3A_606, %add3A_607 : i32
    %dma_start3A_609 = arith.constant 7 : i32
    %dma_start3A_610 = arith.constant 7 : i32
    %dma_start3A_611 = arith.constant 50 : i32
    %dma_start3A_612 = arith.constant 0 : i32
    %dma_start3A_613 = tpu.memref_slice %arg6[%dma_start3A_609, %dma_start3A_611, %dma_start3A_612] : memref<8x100x64xf32, #tpu.memory_space<vmem>> -> memref<1x50x64xf32, #tpu.memory_space<vmem>>
    %dma_start3A_614 = tpu.memref_squeeze %dma_start3A_613 : memref<1x50x64xf32, #tpu.memory_space<vmem>> -> memref<50x64xf32, #tpu.memory_space<vmem>>
    %dma_start3A_615 = arith.constant 0 : i32
    %dma_start3A_616 = arith.constant 0 : i32
    %dma_start3A_617 = tpu.memref_slice %arg4[%add3A_608, %dma_start3A_615, %dma_start3A_616] : memref<16384x56x128xf32, #tpu.memory_space<hbm>> -> memref<1x50x64xf32, #tpu.memory_space<hbm>>
    %dma_start3A_618 = tpu.memref_squeeze %dma_start3A_617 : memref<1x50x64xf32, #tpu.memory_space<hbm>> -> memref<50x64xf32, #tpu.memory_space<hbm>>
    %dma_start3A_619 = tpu.memref_slice %arg8[%dma_start3A_610] : memref<8x!tpu.dma_semaphore, #tpu.memory_space<semaphore_mem>> -> memref<1x!tpu.dma_semaphore, #tpu.memory_space<semaphore_mem>>
    %dma_start3A_620 = tpu.memref_squeeze %dma_start3A_619 : memref<1x!tpu.dma_semaphore, #tpu.memory_space<semaphore_mem>> -> memref<!tpu.dma_semaphore, #tpu.memory_space<semaphore_mem>>
    %dma_start3A_621 = arith.constant 0 : i32
    %dma_start3A_622 = arith.constant 0 : i32
    %dma_start3A_623 = tpu.memref_slice %arg4[%add3A_608, %dma_start3A_621, %dma_start3A_622] : memref<16384x56x128xf32, #tpu.memory_space<hbm>> -> memref<1x50x64xf32, #tpu.memory_space<hbm>>
    %dma_start3A_624 = tpu.memref_squeeze %dma_start3A_623 : memref<1x50x64xf32, #tpu.memory_space<hbm>> -> memref<50x64xf32, #tpu.memory_space<hbm>>
    %dma_start3A_625 = arith.constant 50 : i32
    %dma_start3A_626 = arith.constant 0 : i32
    %dma_start3A_627 = tpu.memref_slice %arg6[%dma_start3A_609, %dma_start3A_625, %dma_start3A_626] : memref<8x100x64xf32, #tpu.memory_space<vmem>> -> memref<1x50x64xf32, #tpu.memory_space<vmem>>
    %dma_start3A_628 = tpu.memref_squeeze %dma_start3A_627 : memref<1x50x64xf32, #tpu.memory_space<vmem>> -> memref<50x64xf32, #tpu.memory_space<vmem>>
    tpu.enqueue_dma source(%dma_start3A_628 : memref<50x64xf32, #tpu.memory_space<vmem>>) target(%dma_start3A_624 : memref<50x64xf32, #tpu.memory_space<hbm>>) target_semaphore(%dma_start3A_620 : memref<!tpu.dma_semaphore, #tpu.memory_space<semaphore_mem>>)
    %add3A_629 = arith.constant 496 : i32
    %add3A_630 = arith.addi %mul3A_2, %add3A_629 : i32
    %add3A_631 = arith.constant 0 : i32
    %add3A_632 = arith.addi %add3A_630, %add3A_631 : i32
    %dma_wait3A_633 = arith.constant 0 : i32
    %dma_wait3A_634 = arith.constant 0 : i32
    %dma_wait3A_635 = arith.constant 0 : i32
    %dma_wait3A_636 = arith.constant 0 : i32
    %dma_wait3A_637 = tpu.memref_slice %arg6[%dma_wait3A_633, %dma_wait3A_635, %dma_wait3A_636] : memref<8x100x64xf32, #tpu.memory_space<vmem>> -> memref<1x50x64xf32, #tpu.memory_space<vmem>>
    %dma_wait3A_638 = tpu.memref_squeeze %dma_wait3A_637 : memref<1x50x64xf32, #tpu.memory_space<vmem>> -> memref<50x64xf32, #tpu.memory_space<vmem>>
    %dma_wait3A_639 = arith.constant 0 : i32
    %dma_wait3A_640 = arith.constant 0 : i32
    %dma_wait3A_641 = tpu.memref_slice %arg4[%add3A_632, %dma_wait3A_639, %dma_wait3A_640] : memref<16384x56x128xf32, #tpu.memory_space<hbm>> -> memref<1x50x64xf32, #tpu.memory_space<hbm>>
    %dma_wait3A_642 = tpu.memref_squeeze %dma_wait3A_641 : memref<1x50x64xf32, #tpu.memory_space<hbm>> -> memref<50x64xf32, #tpu.memory_space<hbm>>
    %dma_wait3A_643 = tpu.memref_slice %arg8[%dma_wait3A_634] : memref<8x!tpu.dma_semaphore, #tpu.memory_space<semaphore_mem>> -> memref<1x!tpu.dma_semaphore, #tpu.memory_space<semaphore_mem>>
    %dma_wait3A_644 = tpu.memref_squeeze %dma_wait3A_643 : memref<1x!tpu.dma_semaphore, #tpu.memory_space<semaphore_mem>> -> memref<!tpu.dma_semaphore, #tpu.memory_space<semaphore_mem>>
    %dma_wait3A_645 = arith.constant 0 : i32
    %dma_wait3A_646 = arith.constant 0 : i32
    %dma_wait3A_647 = tpu.memref_slice %arg4[%add3A_632, %dma_wait3A_645, %dma_wait3A_646] : memref<16384x56x128xf32, #tpu.memory_space<hbm>> -> memref<1x50x64xf32, #tpu.memory_space<hbm>>
    %dma_wait3A_648 = tpu.memref_squeeze %dma_wait3A_647 : memref<1x50x64xf32, #tpu.memory_space<hbm>> -> memref<50x64xf32, #tpu.memory_space<hbm>>
    %dma_wait3A_649 = arith.constant 0 : i32
    %dma_wait3A_650 = arith.constant 0 : i32
    %dma_wait3A_651 = tpu.memref_slice %arg6[%dma_wait3A_633, %dma_wait3A_649, %dma_wait3A_650] : memref<8x100x64xf32, #tpu.memory_space<vmem>> -> memref<1x50x64xf32, #tpu.memory_space<vmem>>
    %dma_wait3A_652 = tpu.memref_squeeze %dma_wait3A_651 : memref<1x50x64xf32, #tpu.memory_space<vmem>> -> memref<50x64xf32, #tpu.memory_space<vmem>>
    tpu.wait_dma2 semaphore(%dma_wait3A_644 : memref<!tpu.dma_semaphore, #tpu.memory_space<semaphore_mem>>) src(%dma_wait3A_652 : memref<50x64xf32, #tpu.memory_space<vmem>>) dst(%dma_wait3A_648 : memref<50x64xf32, #tpu.memory_space<hbm>>)
    %add3A_653 = arith.constant 496 : i32
    %add3A_654 = arith.addi %mul3A_2, %add3A_653 : i32
    %add3A_655 = arith.constant 1 : i32
    %add3A_656 = arith.addi %add3A_654, %add3A_655 : i32
    %dma_wait3A_657 = arith.constant 0 : i32
    %dma_wait3A_658 = arith.constant 0 : i32
    %dma_wait3A_659 = arith.constant 50 : i32
    %dma_wait3A_660 = arith.constant 0 : i32
    %dma_wait3A_661 = tpu.memref_slice %arg6[%dma_wait3A_657, %dma_wait3A_659, %dma_wait3A_660] : memref<8x100x64xf32, #tpu.memory_space<vmem>> -> memref<1x50x64xf32, #tpu.memory_space<vmem>>
    %dma_wait3A_662 = tpu.memref_squeeze %dma_wait3A_661 : memref<1x50x64xf32, #tpu.memory_space<vmem>> -> memref<50x64xf32, #tpu.memory_space<vmem>>
    %dma_wait3A_663 = arith.constant 0 : i32
    %dma_wait3A_664 = arith.constant 0 : i32
    %dma_wait3A_665 = tpu.memref_slice %arg4[%add3A_656, %dma_wait3A_663, %dma_wait3A_664] : memref<16384x56x128xf32, #tpu.memory_space<hbm>> -> memref<1x50x64xf32, #tpu.memory_space<hbm>>
    %dma_wait3A_666 = tpu.memref_squeeze %dma_wait3A_665 : memref<1x50x64xf32, #tpu.memory_space<hbm>> -> memref<50x64xf32, #tpu.memory_space<hbm>>
    %dma_wait3A_667 = tpu.memref_slice %arg8[%dma_wait3A_658] : memref<8x!tpu.dma_semaphore, #tpu.memory_space<semaphore_mem>> -> memref<1x!tpu.dma_semaphore, #tpu.memory_space<semaphore_mem>>
    %dma_wait3A_668 = tpu.memref_squeeze %dma_wait3A_667 : memref<1x!tpu.dma_semaphore, #tpu.memory_space<semaphore_mem>> -> memref<!tpu.dma_semaphore, #tpu.memory_space<semaphore_mem>>
    %dma_wait3A_669 = arith.constant 0 : i32
    %dma_wait3A_670 = arith.constant 0 : i32
    %dma_wait3A_671 = tpu.memref_slice %arg4[%add3A_656, %dma_wait3A_669, %dma_wait3A_670] : memref<16384x56x128xf32, #tpu.memory_space<hbm>> -> memref<1x50x64xf32, #tpu.memory_space<hbm>>
    %dma_wait3A_672 = tpu.memref_squeeze %dma_wait3A_671 : memref<1x50x64xf32, #tpu.memory_space<hbm>> -> memref<50x64xf32, #tpu.memory_space<hbm>>
    %dma_wait3A_673 = arith.constant 50 : i32
    %dma_wait3A_674 = arith.constant 0 : i32
    %dma_wait3A_675 = tpu.memref_slice %arg6[%dma_wait3A_657, %dma_wait3A_673, %dma_wait3A_674] : memref<8x100x64xf32, #tpu.memory_space<vmem>> -> memref<1x50x64xf32, #tpu.memory_space<vmem>>
    %dma_wait3A_676 = tpu.memref_squeeze %dma_wait3A_675 : memref<1x50x64xf32, #tpu.memory_space<vmem>> -> memref<50x64xf32, #tpu.memory_space<vmem>>
    tpu.wait_dma2 semaphore(%dma_wait3A_668 : memref<!tpu.dma_semaphore, #tpu.memory_space<semaphore_mem>>) src(%dma_wait3A_676 : memref<50x64xf32, #tpu.memory_space<vmem>>) dst(%dma_wait3A_672 : memref<50x64xf32, #tpu.memory_space<hbm>>)
    %add3A_677 = arith.constant 498 : i32
    %add3A_678 = arith.addi %mul3A_2, %add3A_677 : i32
    %add3A_679 = arith.constant 0 : i32
    %add3A_680 = arith.addi %add3A_678, %add3A_679 : i32
    %dma_wait3A_681 = arith.constant 1 : i32
    %dma_wait3A_682 = arith.constant 1 : i32
    %dma_wait3A_683 = arith.constant 0 : i32
    %dma_wait3A_684 = arith.constant 0 : i32
    %dma_wait3A_685 = tpu.memref_slice %arg6[%dma_wait3A_681, %dma_wait3A_683, %dma_wait3A_684] : memref<8x100x64xf32, #tpu.memory_space<vmem>> -> memref<1x50x64xf32, #tpu.memory_space<vmem>>
    %dma_wait3A_686 = tpu.memref_squeeze %dma_wait3A_685 : memref<1x50x64xf32, #tpu.memory_space<vmem>> -> memref<50x64xf32, #tpu.memory_space<vmem>>
    %dma_wait3A_687 = arith.constant 0 : i32
    %dma_wait3A_688 = arith.constant 0 : i32
    %dma_wait3A_689 = tpu.memref_slice %arg4[%add3A_680, %dma_wait3A_687, %dma_wait3A_688] : memref<16384x56x128xf32, #tpu.memory_space<hbm>> -> memref<1x50x64xf32, #tpu.memory_space<hbm>>
    %dma_wait3A_690 = tpu.memref_squeeze %dma_wait3A_689 : memref<1x50x64xf32, #tpu.memory_space<hbm>> -> memref<50x64xf32, #tpu.memory_space<hbm>>
    %dma_wait3A_691 = tpu.memref_slice %arg8[%dma_wait3A_682] : memref<8x!tpu.dma_semaphore, #tpu.memory_space<semaphore_mem>> -> memref<1x!tpu.dma_semaphore, #tpu.memory_space<semaphore_mem>>
    %dma_wait3A_692 = tpu.memref_squeeze %dma_wait3A_691 : memref<1x!tpu.dma_semaphore, #tpu.memory_space<semaphore_mem>> -> memref<!tpu.dma_semaphore, #tpu.memory_space<semaphore_mem>>
    %dma_wait3A_693 = arith.constant 0 : i32
    %dma_wait3A_694 = arith.constant 0 : i32
    %dma_wait3A_695 = tpu.memref_slice %arg4[%add3A_680, %dma_wait3A_693, %dma_wait3A_694] : memref<16384x56x128xf32, #tpu.memory_space<hbm>> -> memref<1x50x64xf32, #tpu.memory_space<hbm>>
    %dma_wait3A_696 = tpu.memref_squeeze %dma_wait3A_695 : memref<1x50x64xf32, #tpu.memory_space<hbm>> -> memref<50x64xf32, #tpu.memory_space<hbm>>
    %dma_wait3A_697 = arith.constant 0 : i32
    %dma_wait3A_698 = arith.constant 0 : i32
    %dma_wait3A_699 = tpu.memref_slice %arg6[%dma_wait3A_681, %dma_wait3A_697, %dma_wait3A_698] : memref<8x100x64xf32, #tpu.memory_space<vmem>> -> memref<1x50x64xf32, #tpu.memory_space<vmem>>
    %dma_wait3A_700 = tpu.memref_squeeze %dma_wait3A_699 : memref<1x50x64xf32, #tpu.memory_space<vmem>> -> memref<50x64xf32, #tpu.memory_space<vmem>>
    tpu.wait_dma2 semaphore(%dma_wait3A_692 : memref<!tpu.dma_semaphore, #tpu.memory_space<semaphore_mem>>) src(%dma_wait3A_700 : memref<50x64xf32, #tpu.memory_space<vmem>>) dst(%dma_wait3A_696 : memref<50x64xf32, #tpu.memory_space<hbm>>)
    %add3A_701 = arith.constant 498 : i32
    %add3A_702 = arith.addi %mul3A_2, %add3A_701 : i32
    %add3A_703 = arith.constant 1 : i32
    %add3A_704 = arith.addi %add3A_702, %add3A_703 : i32
    %dma_wait3A_705 = arith.constant 1 : i32
    %dma_wait3A_706 = arith.constant 1 : i32
    %dma_wait3A_707 = arith.constant 50 : i32
    %dma_wait3A_708 = arith.constant 0 : i32
    %dma_wait3A_709 = tpu.memref_slice %arg6[%dma_wait3A_705, %dma_wait3A_707, %dma_wait3A_708] : memref<8x100x64xf32, #tpu.memory_space<vmem>> -> memref<1x50x64xf32, #tpu.memory_space<vmem>>
    %dma_wait3A_710 = tpu.memref_squeeze %dma_wait3A_709 : memref<1x50x64xf32, #tpu.memory_space<vmem>> -> memref<50x64xf32, #tpu.memory_space<vmem>>
    %dma_wait3A_711 = arith.constant 0 : i32
    %dma_wait3A_712 = arith.constant 0 : i32
    %dma_wait3A_713 = tpu.memref_slice %arg4[%add3A_704, %dma_wait3A_711, %dma_wait3A_712] : memref<16384x56x128xf32, #tpu.memory_space<hbm>> -> memref<1x50x64xf32, #tpu.memory_space<hbm>>
    %dma_wait3A_714 = tpu.memref_squeeze %dma_wait3A_713 : memref<1x50x64xf32, #tpu.memory_space<hbm>> -> memref<50x64xf32, #tpu.memory_space<hbm>>
    %dma_wait3A_715 = tpu.memref_slice %arg8[%dma_wait3A_706] : memref<8x!tpu.dma_semaphore, #tpu.memory_space<semaphore_mem>> -> memref<1x!tpu.dma_semaphore, #tpu.memory_space<semaphore_mem>>
    %dma_wait3A_716 = tpu.memref_squeeze %dma_wait3A_715 : memref<1x!tpu.dma_semaphore, #tpu.memory_space<semaphore_mem>> -> memref<!tpu.dma_semaphore, #tpu.memory_space<semaphore_mem>>
    %dma_wait3A_717 = arith.constant 0 : i32
    %dma_wait3A_718 = arith.constant 0 : i32
    %dma_wait3A_719 = tpu.memref_slice %arg4[%add3A_704, %dma_wait3A_717, %dma_wait3A_718] : memref<16384x56x128xf32, #tpu.memory_space<hbm>> -> memref<1x50x64xf32, #tpu.memory_space<hbm>>
    %dma_wait3A_720 = tpu.memref_squeeze %dma_wait3A_719 : memref<1x50x64xf32, #tpu.memory_space<hbm>> -> memref<50x64xf32, #tpu.memory_space<hbm>>
    %dma_wait3A_721 = arith.constant 50 : i32
    %dma_wait3A_722 = arith.constant 0 : i32
    %dma_wait3A_723 = tpu.memref_slice %arg6[%dma_wait3A_705, %dma_wait3A_721, %dma_wait3A_722] : memref<8x100x64xf32, #tpu.memory_space<vmem>> -> memref<1x50x64xf32, #tpu.memory_space<vmem>>
    %dma_wait3A_724 = tpu.memref_squeeze %dma_wait3A_723 : memref<1x50x64xf32, #tpu.memory_space<vmem>> -> memref<50x64xf32, #tpu.memory_space<vmem>>
    tpu.wait_dma2 semaphore(%dma_wait3A_716 : memref<!tpu.dma_semaphore, #tpu.memory_space<semaphore_mem>>) src(%dma_wait3A_724 : memref<50x64xf32, #tpu.memory_space<vmem>>) dst(%dma_wait3A_720 : memref<50x64xf32, #tpu.memory_space<hbm>>)
    %add3A_725 = arith.constant 500 : i32
    %add3A_726 = arith.addi %mul3A_2, %add3A_725 : i32
    %add3A_727 = arith.constant 0 : i32
    %add3A_728 = arith.addi %add3A_726, %add3A_727 : i32
    %dma_wait3A_729 = arith.constant 2 : i32
    %dma_wait3A_730 = arith.constant 2 : i32
    %dma_wait3A_731 = arith.constant 0 : i32
    %dma_wait3A_732 = arith.constant 0 : i32
    %dma_wait3A_733 = tpu.memref_slice %arg6[%dma_wait3A_729, %dma_wait3A_731, %dma_wait3A_732] : memref<8x100x64xf32, #tpu.memory_space<vmem>> -> memref<1x50x64xf32, #tpu.memory_space<vmem>>
    %dma_wait3A_734 = tpu.memref_squeeze %dma_wait3A_733 : memref<1x50x64xf32, #tpu.memory_space<vmem>> -> memref<50x64xf32, #tpu.memory_space<vmem>>
    %dma_wait3A_735 = arith.constant 0 : i32
    %dma_wait3A_736 = arith.constant 0 : i32
    %dma_wait3A_737 = tpu.memref_slice %arg4[%add3A_728, %dma_wait3A_735, %dma_wait3A_736] : memref<16384x56x128xf32, #tpu.memory_space<hbm>> -> memref<1x50x64xf32, #tpu.memory_space<hbm>>
    %dma_wait3A_738 = tpu.memref_squeeze %dma_wait3A_737 : memref<1x50x64xf32, #tpu.memory_space<hbm>> -> memref<50x64xf32, #tpu.memory_space<hbm>>
    %dma_wait3A_739 = tpu.memref_slice %arg8[%dma_wait3A_730] : memref<8x!tpu.dma_semaphore, #tpu.memory_space<semaphore_mem>> -> memref<1x!tpu.dma_semaphore, #tpu.memory_space<semaphore_mem>>
    %dma_wait3A_740 = tpu.memref_squeeze %dma_wait3A_739 : memref<1x!tpu.dma_semaphore, #tpu.memory_space<semaphore_mem>> -> memref<!tpu.dma_semaphore, #tpu.memory_space<semaphore_mem>>
    %dma_wait3A_741 = arith.constant 0 : i32
    %dma_wait3A_742 = arith.constant 0 : i32
    %dma_wait3A_743 = tpu.memref_slice %arg4[%add3A_728, %dma_wait3A_741, %dma_wait3A_742] : memref<16384x56x128xf32, #tpu.memory_space<hbm>> -> memref<1x50x64xf32, #tpu.memory_space<hbm>>
    %dma_wait3A_744 = tpu.memref_squeeze %dma_wait3A_743 : memref<1x50x64xf32, #tpu.memory_space<hbm>> -> memref<50x64xf32, #tpu.memory_space<hbm>>
    %dma_wait3A_745 = arith.constant 0 : i32
    %dma_wait3A_746 = arith.constant 0 : i32
    %dma_wait3A_747 = tpu.memref_slice %arg6[%dma_wait3A_729, %dma_wait3A_745, %dma_wait3A_746] : memref<8x100x64xf32, #tpu.memory_space<vmem>> -> memref<1x50x64xf32, #tpu.memory_space<vmem>>
    %dma_wait3A_748 = tpu.memref_squeeze %dma_wait3A_747 : memref<1x50x64xf32, #tpu.memory_space<vmem>> -> memref<50x64xf32, #tpu.memory_space<vmem>>
    tpu.wait_dma2 semaphore(%dma_wait3A_740 : memref<!tpu.dma_semaphore, #tpu.memory_space<semaphore_mem>>) src(%dma_wait3A_748 : memref<50x64xf32, #tpu.memory_space<vmem>>) dst(%dma_wait3A_744 : memref<50x64xf32, #tpu.memory_space<hbm>>)
    %add3A_749 = arith.constant 500 : i32
    %add3A_750 = arith.addi %mul3A_2, %add3A_749 : i32
    %add3A_751 = arith.constant 1 : i32
    %add3A_752 = arith.addi %add3A_750, %add3A_751 : i32
    %dma_wait3A_753 = arith.constant 2 : i32
    %dma_wait3A_754 = arith.constant 2 : i32
    %dma_wait3A_755 = arith.constant 50 : i32
    %dma_wait3A_756 = arith.constant 0 : i32
    %dma_wait3A_757 = tpu.memref_slice %arg6[%dma_wait3A_753, %dma_wait3A_755, %dma_wait3A_756] : memref<8x100x64xf32, #tpu.memory_space<vmem>> -> memref<1x50x64xf32, #tpu.memory_space<vmem>>
    %dma_wait3A_758 = tpu.memref_squeeze %dma_wait3A_757 : memref<1x50x64xf32, #tpu.memory_space<vmem>> -> memref<50x64xf32, #tpu.memory_space<vmem>>
    %dma_wait3A_759 = arith.constant 0 : i32
    %dma_wait3A_760 = arith.constant 0 : i32
    %dma_wait3A_761 = tpu.memref_slice %arg4[%add3A_752, %dma_wait3A_759, %dma_wait3A_760] : memref<16384x56x128xf32, #tpu.memory_space<hbm>> -> memref<1x50x64xf32, #tpu.memory_space<hbm>>
    %dma_wait3A_762 = tpu.memref_squeeze %dma_wait3A_761 : memref<1x50x64xf32, #tpu.memory_space<hbm>> -> memref<50x64xf32, #tpu.memory_space<hbm>>
    %dma_wait3A_763 = tpu.memref_slice %arg8[%dma_wait3A_754] : memref<8x!tpu.dma_semaphore, #tpu.memory_space<semaphore_mem>> -> memref<1x!tpu.dma_semaphore, #tpu.memory_space<semaphore_mem>>
    %dma_wait3A_764 = tpu.memref_squeeze %dma_wait3A_763 : memref<1x!tpu.dma_semaphore, #tpu.memory_space<semaphore_mem>> -> memref<!tpu.dma_semaphore, #tpu.memory_space<semaphore_mem>>
    %dma_wait3A_765 = arith.constant 0 : i32
    %dma_wait3A_766 = arith.constant 0 : i32
    %dma_wait3A_767 = tpu.memref_slice %arg4[%add3A_752, %dma_wait3A_765, %dma_wait3A_766] : memref<16384x56x128xf32, #tpu.memory_space<hbm>> -> memref<1x50x64xf32, #tpu.memory_space<hbm>>
    %dma_wait3A_768 = tpu.memref_squeeze %dma_wait3A_767 : memref<1x50x64xf32, #tpu.memory_space<hbm>> -> memref<50x64xf32, #tpu.memory_space<hbm>>
    %dma_wait3A_769 = arith.constant 50 : i32
    %dma_wait3A_770 = arith.constant 0 : i32
    %dma_wait3A_771 = tpu.memref_slice %arg6[%dma_wait3A_753, %dma_wait3A_769, %dma_wait3A_770] : memref<8x100x64xf32, #tpu.memory_space<vmem>> -> memref<1x50x64xf32, #tpu.memory_space<vmem>>
    %dma_wait3A_772 = tpu.memref_squeeze %dma_wait3A_771 : memref<1x50x64xf32, #tpu.memory_space<vmem>> -> memref<50x64xf32, #tpu.memory_space<vmem>>
    tpu.wait_dma2 semaphore(%dma_wait3A_764 : memref<!tpu.dma_semaphore, #tpu.memory_space<semaphore_mem>>) src(%dma_wait3A_772 : memref<50x64xf32, #tpu.memory_space<vmem>>) dst(%dma_wait3A_768 : memref<50x64xf32, #tpu.memory_space<hbm>>)
    %add3A_773 = arith.constant 502 : i32
    %add3A_774 = arith.addi %mul3A_2, %add3A_773 : i32
    %add3A_775 = arith.constant 0 : i32
    %add3A_776 = arith.addi %add3A_774, %add3A_775 : i32
    %dma_wait3A_777 = arith.constant 3 : i32
    %dma_wait3A_778 = arith.constant 3 : i32
    %dma_wait3A_779 = arith.constant 0 : i32
    %dma_wait3A_780 = arith.constant 0 : i32
    %dma_wait3A_781 = tpu.memref_slice %arg6[%dma_wait3A_777, %dma_wait3A_779, %dma_wait3A_780] : memref<8x100x64xf32, #tpu.memory_space<vmem>> -> memref<1x50x64xf32, #tpu.memory_space<vmem>>
    %dma_wait3A_782 = tpu.memref_squeeze %dma_wait3A_781 : memref<1x50x64xf32, #tpu.memory_space<vmem>> -> memref<50x64xf32, #tpu.memory_space<vmem>>
    %dma_wait3A_783 = arith.constant 0 : i32
    %dma_wait3A_784 = arith.constant 0 : i32
    %dma_wait3A_785 = tpu.memref_slice %arg4[%add3A_776, %dma_wait3A_783, %dma_wait3A_784] : memref<16384x56x128xf32, #tpu.memory_space<hbm>> -> memref<1x50x64xf32, #tpu.memory_space<hbm>>
    %dma_wait3A_786 = tpu.memref_squeeze %dma_wait3A_785 : memref<1x50x64xf32, #tpu.memory_space<hbm>> -> memref<50x64xf32, #tpu.memory_space<hbm>>
    %dma_wait3A_787 = tpu.memref_slice %arg8[%dma_wait3A_778] : memref<8x!tpu.dma_semaphore, #tpu.memory_space<semaphore_mem>> -> memref<1x!tpu.dma_semaphore, #tpu.memory_space<semaphore_mem>>
    %dma_wait3A_788 = tpu.memref_squeeze %dma_wait3A_787 : memref<1x!tpu.dma_semaphore, #tpu.memory_space<semaphore_mem>> -> memref<!tpu.dma_semaphore, #tpu.memory_space<semaphore_mem>>
    %dma_wait3A_789 = arith.constant 0 : i32
    %dma_wait3A_790 = arith.constant 0 : i32
    %dma_wait3A_791 = tpu.memref_slice %arg4[%add3A_776, %dma_wait3A_789, %dma_wait3A_790] : memref<16384x56x128xf32, #tpu.memory_space<hbm>> -> memref<1x50x64xf32, #tpu.memory_space<hbm>>
    %dma_wait3A_792 = tpu.memref_squeeze %dma_wait3A_791 : memref<1x50x64xf32, #tpu.memory_space<hbm>> -> memref<50x64xf32, #tpu.memory_space<hbm>>
    %dma_wait3A_793 = arith.constant 0 : i32
    %dma_wait3A_794 = arith.constant 0 : i32
    %dma_wait3A_795 = tpu.memref_slice %arg6[%dma_wait3A_777, %dma_wait3A_793, %dma_wait3A_794] : memref<8x100x64xf32, #tpu.memory_space<vmem>> -> memref<1x50x64xf32, #tpu.memory_space<vmem>>
    %dma_wait3A_796 = tpu.memref_squeeze %dma_wait3A_795 : memref<1x50x64xf32, #tpu.memory_space<vmem>> -> memref<50x64xf32, #tpu.memory_space<vmem>>
    tpu.wait_dma2 semaphore(%dma_wait3A_788 : memref<!tpu.dma_semaphore, #tpu.memory_space<semaphore_mem>>) src(%dma_wait3A_796 : memref<50x64xf32, #tpu.memory_space<vmem>>) dst(%dma_wait3A_792 : memref<50x64xf32, #tpu.memory_space<hbm>>)
    %add3A_797 = arith.constant 502 : i32
    %add3A_798 = arith.addi %mul3A_2, %add3A_797 : i32
    %add3A_799 = arith.constant 1 : i32
    %add3A_800 = arith.addi %add3A_798, %add3A_799 : i32
    %dma_wait3A_801 = arith.constant 3 : i32
    %dma_wait3A_802 = arith.constant 3 : i32
    %dma_wait3A_803 = arith.constant 50 : i32
    %dma_wait3A_804 = arith.constant 0 : i32
    %dma_wait3A_805 = tpu.memref_slice %arg6[%dma_wait3A_801, %dma_wait3A_803, %dma_wait3A_804] : memref<8x100x64xf32, #tpu.memory_space<vmem>> -> memref<1x50x64xf32, #tpu.memory_space<vmem>>
    %dma_wait3A_806 = tpu.memref_squeeze %dma_wait3A_805 : memref<1x50x64xf32, #tpu.memory_space<vmem>> -> memref<50x64xf32, #tpu.memory_space<vmem>>
    %dma_wait3A_807 = arith.constant 0 : i32
    %dma_wait3A_808 = arith.constant 0 : i32
    %dma_wait3A_809 = tpu.memref_slice %arg4[%add3A_800, %dma_wait3A_807, %dma_wait3A_808] : memref<16384x56x128xf32, #tpu.memory_space<hbm>> -> memref<1x50x64xf32, #tpu.memory_space<hbm>>
    %dma_wait3A_810 = tpu.memref_squeeze %dma_wait3A_809 : memref<1x50x64xf32, #tpu.memory_space<hbm>> -> memref<50x64xf32, #tpu.memory_space<hbm>>
    %dma_wait3A_811 = tpu.memref_slice %arg8[%dma_wait3A_802] : memref<8x!tpu.dma_semaphore, #tpu.memory_space<semaphore_mem>> -> memref<1x!tpu.dma_semaphore, #tpu.memory_space<semaphore_mem>>
    %dma_wait3A_812 = tpu.memref_squeeze %dma_wait3A_811 : memref<1x!tpu.dma_semaphore, #tpu.memory_space<semaphore_mem>> -> memref<!tpu.dma_semaphore, #tpu.memory_space<semaphore_mem>>
    %dma_wait3A_813 = arith.constant 0 : i32
    %dma_wait3A_814 = arith.constant 0 : i32
    %dma_wait3A_815 = tpu.memref_slice %arg4[%add3A_800, %dma_wait3A_813, %dma_wait3A_814] : memref<16384x56x128xf32, #tpu.memory_space<hbm>> -> memref<1x50x64xf32, #tpu.memory_space<hbm>>
    %dma_wait3A_816 = tpu.memref_squeeze %dma_wait3A_815 : memref<1x50x64xf32, #tpu.memory_space<hbm>> -> memref<50x64xf32, #tpu.memory_space<hbm>>
    %dma_wait3A_817 = arith.constant 50 : i32
    %dma_wait3A_818 = arith.constant 0 : i32
    %dma_wait3A_819 = tpu.memref_slice %arg6[%dma_wait3A_801, %dma_wait3A_817, %dma_wait3A_818] : memref<8x100x64xf32, #tpu.memory_space<vmem>> -> memref<1x50x64xf32, #tpu.memory_space<vmem>>
    %dma_wait3A_820 = tpu.memref_squeeze %dma_wait3A_819 : memref<1x50x64xf32, #tpu.memory_space<vmem>> -> memref<50x64xf32, #tpu.memory_space<vmem>>
    tpu.wait_dma2 semaphore(%dma_wait3A_812 : memref<!tpu.dma_semaphore, #tpu.memory_space<semaphore_mem>>) src(%dma_wait3A_820 : memref<50x64xf32, #tpu.memory_space<vmem>>) dst(%dma_wait3A_816 : memref<50x64xf32, #tpu.memory_space<hbm>>)
    %add3A_821 = arith.constant 504 : i32
    %add3A_822 = arith.addi %mul3A_2, %add3A_821 : i32
    %add3A_823 = arith.constant 0 : i32
    %add3A_824 = arith.addi %add3A_822, %add3A_823 : i32
    %dma_wait3A_825 = arith.constant 4 : i32
    %dma_wait3A_826 = arith.constant 4 : i32
    %dma_wait3A_827 = arith.constant 0 : i32
    %dma_wait3A_828 = arith.constant 0 : i32
    %dma_wait3A_829 = tpu.memref_slice %arg6[%dma_wait3A_825, %dma_wait3A_827, %dma_wait3A_828] : memref<8x100x64xf32, #tpu.memory_space<vmem>> -> memref<1x50x64xf32, #tpu.memory_space<vmem>>
    %dma_wait3A_830 = tpu.memref_squeeze %dma_wait3A_829 : memref<1x50x64xf32, #tpu.memory_space<vmem>> -> memref<50x64xf32, #tpu.memory_space<vmem>>
    %dma_wait3A_831 = arith.constant 0 : i32
    %dma_wait3A_832 = arith.constant 0 : i32
    %dma_wait3A_833 = tpu.memref_slice %arg4[%add3A_824, %dma_wait3A_831, %dma_wait3A_832] : memref<16384x56x128xf32, #tpu.memory_space<hbm>> -> memref<1x50x64xf32, #tpu.memory_space<hbm>>
    %dma_wait3A_834 = tpu.memref_squeeze %dma_wait3A_833 : memref<1x50x64xf32, #tpu.memory_space<hbm>> -> memref<50x64xf32, #tpu.memory_space<hbm>>
    %dma_wait3A_835 = tpu.memref_slice %arg8[%dma_wait3A_826] : memref<8x!tpu.dma_semaphore, #tpu.memory_space<semaphore_mem>> -> memref<1x!tpu.dma_semaphore, #tpu.memory_space<semaphore_mem>>
    %dma_wait3A_836 = tpu.memref_squeeze %dma_wait3A_835 : memref<1x!tpu.dma_semaphore, #tpu.memory_space<semaphore_mem>> -> memref<!tpu.dma_semaphore, #tpu.memory_space<semaphore_mem>>
    %dma_wait3A_837 = arith.constant 0 : i32
    %dma_wait3A_838 = arith.constant 0 : i32
    %dma_wait3A_839 = tpu.memref_slice %arg4[%add3A_824, %dma_wait3A_837, %dma_wait3A_838] : memref<16384x56x128xf32, #tpu.memory_space<hbm>> -> memref<1x50x64xf32, #tpu.memory_space<hbm>>
    %dma_wait3A_840 = tpu.memref_squeeze %dma_wait3A_839 : memref<1x50x64xf32, #tpu.memory_space<hbm>> -> memref<50x64xf32, #tpu.memory_space<hbm>>
    %dma_wait3A_841 = arith.constant 0 : i32
    %dma_wait3A_842 = arith.constant 0 : i32
    %dma_wait3A_843 = tpu.memref_slice %arg6[%dma_wait3A_825, %dma_wait3A_841, %dma_wait3A_842] : memref<8x100x64xf32, #tpu.memory_space<vmem>> -> memref<1x50x64xf32, #tpu.memory_space<vmem>>
    %dma_wait3A_844 = tpu.memref_squeeze %dma_wait3A_843 : memref<1x50x64xf32, #tpu.memory_space<vmem>> -> memref<50x64xf32, #tpu.memory_space<vmem>>
    tpu.wait_dma2 semaphore(%dma_wait3A_836 : memref<!tpu.dma_semaphore, #tpu.memory_space<semaphore_mem>>) src(%dma_wait3A_844 : memref<50x64xf32, #tpu.memory_space<vmem>>) dst(%dma_wait3A_840 : memref<50x64xf32, #tpu.memory_space<hbm>>)
    %add3A_845 = arith.constant 504 : i32
    %add3A_846 = arith.addi %mul3A_2, %add3A_845 : i32
    %add3A_847 = arith.constant 1 : i32
    %add3A_848 = arith.addi %add3A_846, %add3A_847 : i32
    %dma_wait3A_849 = arith.constant 4 : i32
    %dma_wait3A_850 = arith.constant 4 : i32
    %dma_wait3A_851 = arith.constant 50 : i32
    %dma_wait3A_852 = arith.constant 0 : i32
    %dma_wait3A_853 = tpu.memref_slice %arg6[%dma_wait3A_849, %dma_wait3A_851, %dma_wait3A_852] : memref<8x100x64xf32, #tpu.memory_space<vmem>> -> memref<1x50x64xf32, #tpu.memory_space<vmem>>
    %dma_wait3A_854 = tpu.memref_squeeze %dma_wait3A_853 : memref<1x50x64xf32, #tpu.memory_space<vmem>> -> memref<50x64xf32, #tpu.memory_space<vmem>>
    %dma_wait3A_855 = arith.constant 0 : i32
    %dma_wait3A_856 = arith.constant 0 : i32
    %dma_wait3A_857 = tpu.memref_slice %arg4[%add3A_848, %dma_wait3A_855, %dma_wait3A_856] : memref<16384x56x128xf32, #tpu.memory_space<hbm>> -> memref<1x50x64xf32, #tpu.memory_space<hbm>>
    %dma_wait3A_858 = tpu.memref_squeeze %dma_wait3A_857 : memref<1x50x64xf32, #tpu.memory_space<hbm>> -> memref<50x64xf32, #tpu.memory_space<hbm>>
    %dma_wait3A_859 = tpu.memref_slice %arg8[%dma_wait3A_850] : memref<8x!tpu.dma_semaphore, #tpu.memory_space<semaphore_mem>> -> memref<1x!tpu.dma_semaphore, #tpu.memory_space<semaphore_mem>>
    %dma_wait3A_860 = tpu.memref_squeeze %dma_wait3A_859 : memref<1x!tpu.dma_semaphore, #tpu.memory_space<semaphore_mem>> -> memref<!tpu.dma_semaphore, #tpu.memory_space<semaphore_mem>>
    %dma_wait3A_861 = arith.constant 0 : i32
    %dma_wait3A_862 = arith.constant 0 : i32
    %dma_wait3A_863 = tpu.memref_slice %arg4[%add3A_848, %dma_wait3A_861, %dma_wait3A_862] : memref<16384x56x128xf32, #tpu.memory_space<hbm>> -> memref<1x50x64xf32, #tpu.memory_space<hbm>>
    %dma_wait3A_864 = tpu.memref_squeeze %dma_wait3A_863 : memref<1x50x64xf32, #tpu.memory_space<hbm>> -> memref<50x64xf32, #tpu.memory_space<hbm>>
    %dma_wait3A_865 = arith.constant 50 : i32
    %dma_wait3A_866 = arith.constant 0 : i32
    %dma_wait3A_867 = tpu.memref_slice %arg6[%dma_wait3A_849, %dma_wait3A_865, %dma_wait3A_866] : memref<8x100x64xf32, #tpu.memory_space<vmem>> -> memref<1x50x64xf32, #tpu.memory_space<vmem>>
    %dma_wait3A_868 = tpu.memref_squeeze %dma_wait3A_867 : memref<1x50x64xf32, #tpu.memory_space<vmem>> -> memref<50x64xf32, #tpu.memory_space<vmem>>
    tpu.wait_dma2 semaphore(%dma_wait3A_860 : memref<!tpu.dma_semaphore, #tpu.memory_space<semaphore_mem>>) src(%dma_wait3A_868 : memref<50x64xf32, #tpu.memory_space<vmem>>) dst(%dma_wait3A_864 : memref<50x64xf32, #tpu.memory_space<hbm>>)
    %add3A_869 = arith.constant 506 : i32
    %add3A_870 = arith.addi %mul3A_2, %add3A_869 : i32
    %add3A_871 = arith.constant 0 : i32
    %add3A_872 = arith.addi %add3A_870, %add3A_871 : i32
    %dma_wait3A_873 = arith.constant 5 : i32
    %dma_wait3A_874 = arith.constant 5 : i32
    %dma_wait3A_875 = arith.constant 0 : i32
    %dma_wait3A_876 = arith.constant 0 : i32
    %dma_wait3A_877 = tpu.memref_slice %arg6[%dma_wait3A_873, %dma_wait3A_875, %dma_wait3A_876] : memref<8x100x64xf32, #tpu.memory_space<vmem>> -> memref<1x50x64xf32, #tpu.memory_space<vmem>>
    %dma_wait3A_878 = tpu.memref_squeeze %dma_wait3A_877 : memref<1x50x64xf32, #tpu.memory_space<vmem>> -> memref<50x64xf32, #tpu.memory_space<vmem>>
    %dma_wait3A_879 = arith.constant 0 : i32
    %dma_wait3A_880 = arith.constant 0 : i32
    %dma_wait3A_881 = tpu.memref_slice %arg4[%add3A_872, %dma_wait3A_879, %dma_wait3A_880] : memref<16384x56x128xf32, #tpu.memory_space<hbm>> -> memref<1x50x64xf32, #tpu.memory_space<hbm>>
    %dma_wait3A_882 = tpu.memref_squeeze %dma_wait3A_881 : memref<1x50x64xf32, #tpu.memory_space<hbm>> -> memref<50x64xf32, #tpu.memory_space<hbm>>
    %dma_wait3A_883 = tpu.memref_slice %arg8[%dma_wait3A_874] : memref<8x!tpu.dma_semaphore, #tpu.memory_space<semaphore_mem>> -> memref<1x!tpu.dma_semaphore, #tpu.memory_space<semaphore_mem>>
    %dma_wait3A_884 = tpu.memref_squeeze %dma_wait3A_883 : memref<1x!tpu.dma_semaphore, #tpu.memory_space<semaphore_mem>> -> memref<!tpu.dma_semaphore, #tpu.memory_space<semaphore_mem>>
    %dma_wait3A_885 = arith.constant 0 : i32
    %dma_wait3A_886 = arith.constant 0 : i32
    %dma_wait3A_887 = tpu.memref_slice %arg4[%add3A_872, %dma_wait3A_885, %dma_wait3A_886] : memref<16384x56x128xf32, #tpu.memory_space<hbm>> -> memref<1x50x64xf32, #tpu.memory_space<hbm>>
    %dma_wait3A_888 = tpu.memref_squeeze %dma_wait3A_887 : memref<1x50x64xf32, #tpu.memory_space<hbm>> -> memref<50x64xf32, #tpu.memory_space<hbm>>
    %dma_wait3A_889 = arith.constant 0 : i32
    %dma_wait3A_890 = arith.constant 0 : i32
    %dma_wait3A_891 = tpu.memref_slice %arg6[%dma_wait3A_873, %dma_wait3A_889, %dma_wait3A_890] : memref<8x100x64xf32, #tpu.memory_space<vmem>> -> memref<1x50x64xf32, #tpu.memory_space<vmem>>
    %dma_wait3A_892 = tpu.memref_squeeze %dma_wait3A_891 : memref<1x50x64xf32, #tpu.memory_space<vmem>> -> memref<50x64xf32, #tpu.memory_space<vmem>>
    tpu.wait_dma2 semaphore(%dma_wait3A_884 : memref<!tpu.dma_semaphore, #tpu.memory_space<semaphore_mem>>) src(%dma_wait3A_892 : memref<50x64xf32, #tpu.memory_space<vmem>>) dst(%dma_wait3A_888 : memref<50x64xf32, #tpu.memory_space<hbm>>)
    %add3A_893 = arith.constant 506 : i32
    %add3A_894 = arith.addi %mul3A_2, %add3A_893 : i32
    %add3A_895 = arith.constant 1 : i32
    %add3A_896 = arith.addi %add3A_894, %add3A_895 : i32
    %dma_wait3A_897 = arith.constant 5 : i32
    %dma_wait3A_898 = arith.constant 5 : i32
    %dma_wait3A_899 = arith.constant 50 : i32
    %dma_wait3A_900 = arith.constant 0 : i32
    %dma_wait3A_901 = tpu.memref_slice %arg6[%dma_wait3A_897, %dma_wait3A_899, %dma_wait3A_900] : memref<8x100x64xf32, #tpu.memory_space<vmem>> -> memref<1x50x64xf32, #tpu.memory_space<vmem>>
    %dma_wait3A_902 = tpu.memref_squeeze %dma_wait3A_901 : memref<1x50x64xf32, #tpu.memory_space<vmem>> -> memref<50x64xf32, #tpu.memory_space<vmem>>
    %dma_wait3A_903 = arith.constant 0 : i32
    %dma_wait3A_904 = arith.constant 0 : i32
    %dma_wait3A_905 = tpu.memref_slice %arg4[%add3A_896, %dma_wait3A_903, %dma_wait3A_904] : memref<16384x56x128xf32, #tpu.memory_space<hbm>> -> memref<1x50x64xf32, #tpu.memory_space<hbm>>
    %dma_wait3A_906 = tpu.memref_squeeze %dma_wait3A_905 : memref<1x50x64xf32, #tpu.memory_space<hbm>> -> memref<50x64xf32, #tpu.memory_space<hbm>>
    %dma_wait3A_907 = tpu.memref_slice %arg8[%dma_wait3A_898] : memref<8x!tpu.dma_semaphore, #tpu.memory_space<semaphore_mem>> -> memref<1x!tpu.dma_semaphore, #tpu.memory_space<semaphore_mem>>
    %dma_wait3A_908 = tpu.memref_squeeze %dma_wait3A_907 : memref<1x!tpu.dma_semaphore, #tpu.memory_space<semaphore_mem>> -> memref<!tpu.dma_semaphore, #tpu.memory_space<semaphore_mem>>
    %dma_wait3A_909 = arith.constant 0 : i32
    %dma_wait3A_910 = arith.constant 0 : i32
    %dma_wait3A_911 = tpu.memref_slice %arg4[%add3A_896, %dma_wait3A_909, %dma_wait3A_910] : memref<16384x56x128xf32, #tpu.memory_space<hbm>> -> memref<1x50x64xf32, #tpu.memory_space<hbm>>
    %dma_wait3A_912 = tpu.memref_squeeze %dma_wait3A_911 : memref<1x50x64xf32, #tpu.memory_space<hbm>> -> memref<50x64xf32, #tpu.memory_space<hbm>>
    %dma_wait3A_913 = arith.constant 50 : i32
    %dma_wait3A_914 = arith.constant 0 : i32
    %dma_wait3A_915 = tpu.memref_slice %arg6[%dma_wait3A_897, %dma_wait3A_913, %dma_wait3A_914] : memref<8x100x64xf32, #tpu.memory_space<vmem>> -> memref<1x50x64xf32, #tpu.memory_space<vmem>>
    %dma_wait3A_916 = tpu.memref_squeeze %dma_wait3A_915 : memref<1x50x64xf32, #tpu.memory_space<vmem>> -> memref<50x64xf32, #tpu.memory_space<vmem>>
    tpu.wait_dma2 semaphore(%dma_wait3A_908 : memref<!tpu.dma_semaphore, #tpu.memory_space<semaphore_mem>>) src(%dma_wait3A_916 : memref<50x64xf32, #tpu.memory_space<vmem>>) dst(%dma_wait3A_912 : memref<50x64xf32, #tpu.memory_space<hbm>>)
    %add3A_917 = arith.constant 508 : i32
    %add3A_918 = arith.addi %mul3A_2, %add3A_917 : i32
    %add3A_919 = arith.constant 0 : i32
    %add3A_920 = arith.addi %add3A_918, %add3A_919 : i32
    %dma_wait3A_921 = arith.constant 6 : i32
    %dma_wait3A_922 = arith.constant 6 : i32
    %dma_wait3A_923 = arith.constant 0 : i32
    %dma_wait3A_924 = arith.constant 0 : i32
    %dma_wait3A_925 = tpu.memref_slice %arg6[%dma_wait3A_921, %dma_wait3A_923, %dma_wait3A_924] : memref<8x100x64xf32, #tpu.memory_space<vmem>> -> memref<1x50x64xf32, #tpu.memory_space<vmem>>
    %dma_wait3A_926 = tpu.memref_squeeze %dma_wait3A_925 : memref<1x50x64xf32, #tpu.memory_space<vmem>> -> memref<50x64xf32, #tpu.memory_space<vmem>>
    %dma_wait3A_927 = arith.constant 0 : i32
    %dma_wait3A_928 = arith.constant 0 : i32
    %dma_wait3A_929 = tpu.memref_slice %arg4[%add3A_920, %dma_wait3A_927, %dma_wait3A_928] : memref<16384x56x128xf32, #tpu.memory_space<hbm>> -> memref<1x50x64xf32, #tpu.memory_space<hbm>>
    %dma_wait3A_930 = tpu.memref_squeeze %dma_wait3A_929 : memref<1x50x64xf32, #tpu.memory_space<hbm>> -> memref<50x64xf32, #tpu.memory_space<hbm>>
    %dma_wait3A_931 = tpu.memref_slice %arg8[%dma_wait3A_922] : memref<8x!tpu.dma_semaphore, #tpu.memory_space<semaphore_mem>> -> memref<1x!tpu.dma_semaphore, #tpu.memory_space<semaphore_mem>>
    %dma_wait3A_932 = tpu.memref_squeeze %dma_wait3A_931 : memref<1x!tpu.dma_semaphore, #tpu.memory_space<semaphore_mem>> -> memref<!tpu.dma_semaphore, #tpu.memory_space<semaphore_mem>>
    %dma_wait3A_933 = arith.constant 0 : i32
    %dma_wait3A_934 = arith.constant 0 : i32
    %dma_wait3A_935 = tpu.memref_slice %arg4[%add3A_920, %dma_wait3A_933, %dma_wait3A_934] : memref<16384x56x128xf32, #tpu.memory_space<hbm>> -> memref<1x50x64xf32, #tpu.memory_space<hbm>>
    %dma_wait3A_936 = tpu.memref_squeeze %dma_wait3A_935 : memref<1x50x64xf32, #tpu.memory_space<hbm>> -> memref<50x64xf32, #tpu.memory_space<hbm>>
    %dma_wait3A_937 = arith.constant 0 : i32
    %dma_wait3A_938 = arith.constant 0 : i32
    %dma_wait3A_939 = tpu.memref_slice %arg6[%dma_wait3A_921, %dma_wait3A_937, %dma_wait3A_938] : memref<8x100x64xf32, #tpu.memory_space<vmem>> -> memref<1x50x64xf32, #tpu.memory_space<vmem>>
    %dma_wait3A_940 = tpu.memref_squeeze %dma_wait3A_939 : memref<1x50x64xf32, #tpu.memory_space<vmem>> -> memref<50x64xf32, #tpu.memory_space<vmem>>
    tpu.wait_dma2 semaphore(%dma_wait3A_932 : memref<!tpu.dma_semaphore, #tpu.memory_space<semaphore_mem>>) src(%dma_wait3A_940 : memref<50x64xf32, #tpu.memory_space<vmem>>) dst(%dma_wait3A_936 : memref<50x64xf32, #tpu.memory_space<hbm>>)
    %add3A_941 = arith.constant 508 : i32
    %add3A_942 = arith.addi %mul3A_2, %add3A_941 : i32
    %add3A_943 = arith.constant 1 : i32
    %add3A_944 = arith.addi %add3A_942, %add3A_943 : i32
    %dma_wait3A_945 = arith.constant 6 : i32
    %dma_wait3A_946 = arith.constant 6 : i32
    %dma_wait3A_947 = arith.constant 50 : i32
    %dma_wait3A_948 = arith.constant 0 : i32
    %dma_wait3A_949 = tpu.memref_slice %arg6[%dma_wait3A_945, %dma_wait3A_947, %dma_wait3A_948] : memref<8x100x64xf32, #tpu.memory_space<vmem>> -> memref<1x50x64xf32, #tpu.memory_space<vmem>>
    %dma_wait3A_950 = tpu.memref_squeeze %dma_wait3A_949 : memref<1x50x64xf32, #tpu.memory_space<vmem>> -> memref<50x64xf32, #tpu.memory_space<vmem>>
    %dma_wait3A_951 = arith.constant 0 : i32
    %dma_wait3A_952 = arith.constant 0 : i32
    %dma_wait3A_953 = tpu.memref_slice %arg4[%add3A_944, %dma_wait3A_951, %dma_wait3A_952] : memref<16384x56x128xf32, #tpu.memory_space<hbm>> -> memref<1x50x64xf32, #tpu.memory_space<hbm>>
    %dma_wait3A_954 = tpu.memref_squeeze %dma_wait3A_953 : memref<1x50x64xf32, #tpu.memory_space<hbm>> -> memref<50x64xf32, #tpu.memory_space<hbm>>
    %dma_wait3A_955 = tpu.memref_slice %arg8[%dma_wait3A_946] : memref<8x!tpu.dma_semaphore, #tpu.memory_space<semaphore_mem>> -> memref<1x!tpu.dma_semaphore, #tpu.memory_space<semaphore_mem>>
    %dma_wait3A_956 = tpu.memref_squeeze %dma_wait3A_955 : memref<1x!tpu.dma_semaphore, #tpu.memory_space<semaphore_mem>> -> memref<!tpu.dma_semaphore, #tpu.memory_space<semaphore_mem>>
    %dma_wait3A_957 = arith.constant 0 : i32
    %dma_wait3A_958 = arith.constant 0 : i32
    %dma_wait3A_959 = tpu.memref_slice %arg4[%add3A_944, %dma_wait3A_957, %dma_wait3A_958] : memref<16384x56x128xf32, #tpu.memory_space<hbm>> -> memref<1x50x64xf32, #tpu.memory_space<hbm>>
    %dma_wait3A_960 = tpu.memref_squeeze %dma_wait3A_959 : memref<1x50x64xf32, #tpu.memory_space<hbm>> -> memref<50x64xf32, #tpu.memory_space<hbm>>
    %dma_wait3A_961 = arith.constant 50 : i32
    %dma_wait3A_962 = arith.constant 0 : i32
    %dma_wait3A_963 = tpu.memref_slice %arg6[%dma_wait3A_945, %dma_wait3A_961, %dma_wait3A_962] : memref<8x100x64xf32, #tpu.memory_space<vmem>> -> memref<1x50x64xf32, #tpu.memory_space<vmem>>
    %dma_wait3A_964 = tpu.memref_squeeze %dma_wait3A_963 : memref<1x50x64xf32, #tpu.memory_space<vmem>> -> memref<50x64xf32, #tpu.memory_space<vmem>>
    tpu.wait_dma2 semaphore(%dma_wait3A_956 : memref<!tpu.dma_semaphore, #tpu.memory_space<semaphore_mem>>) src(%dma_wait3A_964 : memref<50x64xf32, #tpu.memory_space<vmem>>) dst(%dma_wait3A_960 : memref<50x64xf32, #tpu.memory_space<hbm>>)
    %add3A_965 = arith.constant 510 : i32
    %add3A_966 = arith.addi %mul3A_2, %add3A_965 : i32
    %add3A_967 = arith.constant 0 : i32
    %add3A_968 = arith.addi %add3A_966, %add3A_967 : i32
    %dma_wait3A_969 = arith.constant 7 : i32
    %dma_wait3A_970 = arith.constant 7 : i32
    %dma_wait3A_971 = arith.constant 0 : i32
    %dma_wait3A_972 = arith.constant 0 : i32
    %dma_wait3A_973 = tpu.memref_slice %arg6[%dma_wait3A_969, %dma_wait3A_971, %dma_wait3A_972] : memref<8x100x64xf32, #tpu.memory_space<vmem>> -> memref<1x50x64xf32, #tpu.memory_space<vmem>>
    %dma_wait3A_974 = tpu.memref_squeeze %dma_wait3A_973 : memref<1x50x64xf32, #tpu.memory_space<vmem>> -> memref<50x64xf32, #tpu.memory_space<vmem>>
    %dma_wait3A_975 = arith.constant 0 : i32
    %dma_wait3A_976 = arith.constant 0 : i32
    %dma_wait3A_977 = tpu.memref_slice %arg4[%add3A_968, %dma_wait3A_975, %dma_wait3A_976] : memref<16384x56x128xf32, #tpu.memory_space<hbm>> -> memref<1x50x64xf32, #tpu.memory_space<hbm>>
    %dma_wait3A_978 = tpu.memref_squeeze %dma_wait3A_977 : memref<1x50x64xf32, #tpu.memory_space<hbm>> -> memref<50x64xf32, #tpu.memory_space<hbm>>
    %dma_wait3A_979 = tpu.memref_slice %arg8[%dma_wait3A_970] : memref<8x!tpu.dma_semaphore, #tpu.memory_space<semaphore_mem>> -> memref<1x!tpu.dma_semaphore, #tpu.memory_space<semaphore_mem>>
    %dma_wait3A_980 = tpu.memref_squeeze %dma_wait3A_979 : memref<1x!tpu.dma_semaphore, #tpu.memory_space<semaphore_mem>> -> memref<!tpu.dma_semaphore, #tpu.memory_space<semaphore_mem>>
    %dma_wait3A_981 = arith.constant 0 : i32
    %dma_wait3A_982 = arith.constant 0 : i32
    %dma_wait3A_983 = tpu.memref_slice %arg4[%add3A_968, %dma_wait3A_981, %dma_wait3A_982] : memref<16384x56x128xf32, #tpu.memory_space<hbm>> -> memref<1x50x64xf32, #tpu.memory_space<hbm>>
    %dma_wait3A_984 = tpu.memref_squeeze %dma_wait3A_983 : memref<1x50x64xf32, #tpu.memory_space<hbm>> -> memref<50x64xf32, #tpu.memory_space<hbm>>
    %dma_wait3A_985 = arith.constant 0 : i32
    %dma_wait3A_986 = arith.constant 0 : i32
    %dma_wait3A_987 = tpu.memref_slice %arg6[%dma_wait3A_969, %dma_wait3A_985, %dma_wait3A_986] : memref<8x100x64xf32, #tpu.memory_space<vmem>> -> memref<1x50x64xf32, #tpu.memory_space<vmem>>
    %dma_wait3A_988 = tpu.memref_squeeze %dma_wait3A_987 : memref<1x50x64xf32, #tpu.memory_space<vmem>> -> memref<50x64xf32, #tpu.memory_space<vmem>>
    tpu.wait_dma2 semaphore(%dma_wait3A_980 : memref<!tpu.dma_semaphore, #tpu.memory_space<semaphore_mem>>) src(%dma_wait3A_988 : memref<50x64xf32, #tpu.memory_space<vmem>>) dst(%dma_wait3A_984 : memref<50x64xf32, #tpu.memory_space<hbm>>)
    %add3A_989 = arith.constant 510 : i32
    %add3A_990 = arith.addi %mul3A_2, %add3A_989 : i32
    %add3A_991 = arith.constant 1 : i32
    %add3A_992 = arith.addi %add3A_990, %add3A_991 : i32
    %dma_wait3A_993 = arith.constant 7 : i32
    %dma_wait3A_994 = arith.constant 7 : i32
    %dma_wait3A_995 = arith.constant 50 : i32
    %dma_wait3A_996 = arith.constant 0 : i32
    %dma_wait3A_997 = tpu.memref_slice %arg6[%dma_wait3A_993, %dma_wait3A_995, %dma_wait3A_996] : memref<8x100x64xf32, #tpu.memory_space<vmem>> -> memref<1x50x64xf32, #tpu.memory_space<vmem>>
    %dma_wait3A_998 = tpu.memref_squeeze %dma_wait3A_997 : memref<1x50x64xf32, #tpu.memory_space<vmem>> -> memref<50x64xf32, #tpu.memory_space<vmem>>
    %dma_wait3A_999 = arith.constant 0 : i32
    %dma_wait3A_1000 = arith.constant 0 : i32
    %dma_wait3A_1001 = tpu.memref_slice %arg4[%add3A_992, %dma_wait3A_999, %dma_wait3A_1000] : memref<16384x56x128xf32, #tpu.memory_space<hbm>> -> memref<1x50x64xf32, #tpu.memory_space<hbm>>
    %dma_wait3A_1002 = tpu.memref_squeeze %dma_wait3A_1001 : memref<1x50x64xf32, #tpu.memory_space<hbm>> -> memref<50x64xf32, #tpu.memory_space<hbm>>
    %dma_wait3A_1003 = tpu.memref_slice %arg8[%dma_wait3A_994] : memref<8x!tpu.dma_semaphore, #tpu.memory_space<semaphore_mem>> -> memref<1x!tpu.dma_semaphore, #tpu.memory_space<semaphore_mem>>
    %dma_wait3A_1004 = tpu.memref_squeeze %dma_wait3A_1003 : memref<1x!tpu.dma_semaphore, #tpu.memory_space<semaphore_mem>> -> memref<!tpu.dma_semaphore, #tpu.memory_space<semaphore_mem>>
    %dma_wait3A_1005 = arith.constant 0 : i32
    %dma_wait3A_1006 = arith.constant 0 : i32
    %dma_wait3A_1007 = tpu.memref_slice %arg4[%add3A_992, %dma_wait3A_1005, %dma_wait3A_1006] : memref<16384x56x128xf32, #tpu.memory_space<hbm>> -> memref<1x50x64xf32, #tpu.memory_space<hbm>>
    %dma_wait3A_1008 = tpu.memref_squeeze %dma_wait3A_1007 : memref<1x50x64xf32, #tpu.memory_space<hbm>> -> memref<50x64xf32, #tpu.memory_space<hbm>>
    %dma_wait3A_1009 = arith.constant 50 : i32
    %dma_wait3A_1010 = arith.constant 0 : i32
    %dma_wait3A_1011 = tpu.memref_slice %arg6[%dma_wait3A_993, %dma_wait3A_1009, %dma_wait3A_1010] : memref<8x100x64xf32, #tpu.memory_space<vmem>> -> memref<1x50x64xf32, #tpu.memory_space<vmem>>
    %dma_wait3A_1012 = tpu.memref_squeeze %dma_wait3A_1011 : memref<1x50x64xf32, #tpu.memory_space<vmem>> -> memref<50x64xf32, #tpu.memory_space<vmem>>
    tpu.wait_dma2 semaphore(%dma_wait3A_1004 : memref<!tpu.dma_semaphore, #tpu.memory_space<semaphore_mem>>) src(%dma_wait3A_1012 : memref<50x64xf32, #tpu.memory_space<vmem>>) dst(%dma_wait3A_1008 : memref<50x64xf32, #tpu.memory_space<hbm>>)
    return
  }
}

</mosaic_0001>

<sc_bundles>
// kernel: _gather.3.cloned.1.call-start
scs
__scs_entry_jumppad:
0x0: {  	(pc) =	sbr.rel $0x88, $3  }
0x1: {  	(tag) =	ssettag $0x0;
	lr =	simm.s32 $0x1  }
0x2: {  	[smem:$0x3F9F] =	sst lr;
	_ =	strace $0xD0000000  }
0x3: {  	_ = 	snop  }
0x4: {  	_ = 	snop  }
0x5: {  	_ = 	snop  }
0x6: {  	_ = 	snop  }
0x7: {  	_ = 	snop  }
__scs_overlays_trampoline_lowered:
0x8: {  	[smem:$0x3FAE] =	sst s0  }
0x9: {  	[smem:$0x3FAF] =	sst s1  }
0xa: {  	[smem:$0x3FB0] =	sst s2  }
0xb: {  	[smem:$0x3FB1] =	sst s3  }
0xc: {  	[smem:$0x3FB2] =	sst s4  }
0xd: {  	[smem:$0x3FB3] =	sst s5  }
0xe: {  	[smem:$0x3FB4] =	sst s6  }
0xf: {  	[smem:$0x3FB5] =	sst s7  }
0x10: {  	[smem:$0x3FB6] =	sst s8  }
0x11: {  	[smem:$0x3FB7] =	sst s9;
	s0 =	simm.s32 @!p0 $0x0  }
0x12: {  	s1 =	sld [smem:$0x3F9D];
	s0 =	simm.s32 @p0 $0x1  }
0x13: {  	[smem:$0x3FB8] =	sst s0;
	s0 =	simm.s32 @!p1 $0x0  }
0x14: {  	s2 =	sld [smem:$0x3F9C];
	s0 =	simm.s32 @p1 $0x1  }
0x15: {  	[smem:$0x3FB9] =	sst s0;
	s0 =	simm.s32 @!p2 $0x0  }
0x16: {  	s3 =	sld [smem:$0x3FDB];
	s0 =	simm.s32 @p2 $0x1  }
0x17: {  	s4 =	simm.s32 $0x1BF5;
	[smem:$0x3FBB] =	sst s0  }
0x18: {  	s0 =	sld [smem:$0x3F9E];
	_ =	swait.ge [sflag:s4], $0x0  }
0x19: {  	s7 =	sld [smem:$0x3F9F]  }
0x1a: {  	s8 =	sadd.s32 $0xFFFFE003, lr  }
0x1b: {  	s9 =	sadd.s32 $0xFFFFFEF7, lr;
	s5 =	simm.s32 $0xFFFFFFFF;
	p2 =	slt.u32 s8, $0xFFFFF086  }
0x1c: {  	p1 =	slt.u32 s9, $0xF7A;
	s5 =	simm.s32 @!p2 $0x0  }
0x1d: {  	s5 =	simm.s32 @p1 $0x1;
	p0 =	seq.s32 s7, s2  }
0x1e: {  	s7 =	smul.u32 @!p0 $0xF7A, s2;
	p2 =	seq.s32 @!p0 s5, $0x0  }
0x1f: {  	s9 =	smul.u32 $0xF7A, s1;
	s8 =	simm.s32 @!p0 $0x1BF5;
	p2 =	por !p2, p0  }
0x20: {  	[sflag:s8] =	ssyncset.s32 @!p0 $0xFFFFF086;
	s6 =	sadd.s32 @!p0 s3, s7;
	s7 =	simm.s32 @!p0 $0x108  }
0x21: {  	s3 =	sadd.s32 s3, s9;
	s6 =	sadd.s32 @!p0 $0x88, s6;
	s7 =	simm.s32 @p2 $0x1082  }
0x22: {  	[simem:s7], [sflag:s8] =	dma.local @!p0 [hbm:s6], $0xF7A  }
0x23: {  	s9 =	sor.u32 $0xD0000000, s2;
	s6 =	simm.s32 $0x108;
	_ =	swait.ge @!p0 [sflag:s8], $0x0  }
0x24: {  	s3 =	sadd.s32 $0x88, s3;
	s6 =	simm.s32 @!p1 $0x1082;
	[sflag:s4] =	ssyncset.s32 $0xFFFFF086  }
0x25: {  	[simem:s6], [sflag:s4] =	dma.local [hbm:s3], $0xF7A  }
0x26: {  	[smem:$0x3F9F] =	sst s1;
	(tag) =	ssettag s2;
	_ =	strace s9  }
0x27: {  	s1 =	sld [smem:$0x3FAF]  }
0x28: {  	s2 =	sld [smem:$0x3FB0]  }
0x29: {  	s4 =	sld [smem:$0x3FB2]  }
0x2a: {  	p0 =	seq.s32 s5, $0x0;
	s5 =	sld [smem:$0x3FB3]  }
0x2b: {  	s6 =	sld [smem:$0x3FB4]  }
0x2c: {  	s7 =	sld [smem:$0x3FB5]  }
0x2d: {  	s3 =	simm.s32 $0x108;
	s8 =	sld [smem:$0x3FB6]  }
0x2e: {  	s3 =	simm.s32 @!p0 $0x1082;
	s9 =	sld [smem:$0x3FB7]  }
0x2f: {  	lr =	sadd.s32 s0, s3;
	s0 =	sld [smem:$0x3FAE]  }
0x30: {  	s3 =	sld [smem:$0x3FB1]  }
0x31: {  	[smem:$0x3FBA] =	sst s10  }
0x32: {  	s10 =	sld [smem:$0x3FB8];
	_ =	sdelay $0x3  }
0x33: {  	p0 =	seq.s32 s10, $0x1;
	s10 =	sld [smem:$0x3FBA];
	_ =	sdelay $0x3  }
0x34: {  	[smem:$0x3FBA] =	sst s10  }
0x35: {  	s10 =	sld [smem:$0x3FB9];
	_ =	sdelay $0x3  }
0x36: {  	p1 =	seq.s32 s10, $0x1;
	s10 =	sld [smem:$0x3FBA];
	_ =	sdelay $0x3  }
0x37: {  	[smem:$0x3FBA] =	sst s10  }
0x38: {  	s10 =	sld [smem:$0x3FBB]  }
0x39: {  	_ = 	snop;
	(pc) =	sbr.ind lr, $3  }
0x3a: {  	_ = 	snop  }
0x3b: {  	_ = 	snop  }
0x3c: {  	p2 =	seq.s32 s10, $0x1;
	s10 =	sld [smem:$0x3FBA]  }
0x3d: {  	_ =	shalt  }
0x3e: {  	_ =	shalt  }
0x3f: {  	_ =	shalt  }
0x40: {  	_ =	shalt  }
0x41: {  	_ =	shalt  }
0x42: {  	_ =	shalt  }
0x43: {  	_ =	shalt  }
0x44: {  	_ =	shalt  }
0x45: {  	_ =	shalt  }
0x46: {  	_ =	shalt  }
0x47: {  	_ =	shalt  }
0x48: {  	_ =	shalt  }
0x49: {  	_ =	shalt  }
0x4a: {  	_ =	shalt  }
0x4b: {  	_ =	shalt  }
0x4c: {  	_ =	shalt  }
0x4d: {  	_ =	shalt  }
0x4e: {  	_ =	shalt  }
0x4f: {  	_ =	shalt  }
0x50: {  	_ =	shalt  }
0x51: {  	_ =	shalt  }
0x52: {  	_ =	shalt  }
0x53: {  	_ =	shalt  }
0x54: {  	_ =	shalt  }
0x55: {  	_ =	shalt  }
0x56: {  	_ =	shalt  }
0x57: {  	_ =	shalt  }
0x58: {  	_ =	shalt  }
0x59: {  	_ =	shalt  }
0x5a: {  	_ =	shalt  }
0x5b: {  	_ =	shalt  }
0x5c: {  	_ =	shalt  }
0x5d: {  	_ =	shalt  }
0x5e: {  	_ =	shalt  }
0x5f: {  	_ =	shalt  }
0x60: {  	_ =	shalt  }
0x61: {  	_ =	shalt  }
0x62: {  	_ =	shalt  }
0x63: {  	_ =	shalt  }
0x64: {  	_ =	shalt  }
0x65: {  	_ =	shalt  }
0x66: {  	_ =	shalt  }
0x67: {  	_ =	shalt  }
0x68: {  	_ =	shalt  }
0x69: {  	_ =	shalt  }
0x6a: {  	_ =	shalt  }
0x6b: {  	_ =	shalt  }
0x6c: {  	_ =	shalt  }
0x6d: {  	_ =	shalt  }
0x6e: {  	_ =	shalt  }
0x6f: {  	_ =	shalt  }
0x70: {  	_ =	shalt  }
0x71: {  	_ =	shalt  }
0x72: {  	_ =	shalt  }
0x73: {  	_ =	shalt  }
0x74: {  	_ =	shalt  }
0x75: {  	_ =	shalt  }
0x76: {  	_ =	shalt  }
0x77: {  	_ =	shalt  }
0x78: {  	_ =	shalt  }
0x79: {  	_ =	shalt  }
0x7a: {  	_ =	shalt  }
0x7b: {  	_ =	shalt  }
0x7c: {  	_ =	shalt  }
0x7d: {  	_ =	shalt  }
0x7e: {  	_ =	shalt  }
0x7f: {  	_ =	shalt  }
0x80: {  	_ =	shalt  }
0x81: {  	_ =	shalt  }
0x82: {  	_ =	shalt  }
0x83: {  	_ =	shalt  }
0x84: {  	_ =	shalt  }
0x85: {  	_ =	shalt  }
0x86: {  	_ =	shalt  }
0x87: {  	_ =	shalt  }
.Lfunc_end0:
.L_simem_size_0:
called_computation_lowered:
.L_overlay_start_0:
0x88: {  	s2 =	sld [smem:$0x3FD9]  }
0x89: {  	s3 =	sld [smem:$0x3FFE];
	_ =	sdelay $0x1  }
0x8a: {  	s1 =	srdreg.scid  }
0x8b: {  	s0 =	sand.u32 $0x1, s1  }
0x8c: {  	s17 =	sshll.u32 s0, $0xA;
	s2 =	sadd.s32 s3, s2  }
0x8d: {  	s2 =	sadd.s32 s2, s17  }
0x8e: {  	[smem:$0x3FC6] =	sst s2  }
0x8f: {  	_ = 	snop  }
0x90: {  	s2 =	sld [smem:$0x3FD0];
	(tm) =	ssettm $0x1  }
0x91: {  	s18 =	sld [smem:$0x3FFB];
	_ =	sdelay $0x3  }
0x92: {  	_ =	strace s18  }
0x93: {  	s3 =	sld [smem:$0x3FFC];
	_ =	sdelay $0x3  }
0x94: {  	_ =	strace s3  }
0x95: {  	s3 =	sld [smem:$0x3FFD];
	_ =	sdelay $0x3  }
0x96: {  	_ =	strace s3  }
0x97: {  	_ =	strace $0x8FFFFFFF  }
0x98: {  	s19 =	sld [smem:$0x3FDB];
	_ =	sdelay $0x1  }
0x99: {  	s4 =	simm.s32 $_scs_section_size  }
0x9a: {  	s5 =	simm.s32 $_size__tile_overlayer_lowered;
	s6 =	simm.s32 $_tile_overlayer_lowered  }
0x9b: {  	s22 =	simm.s32 $0x1BFF;
	s21 =	sshll.u32 s6, $0x1;
	s3 =	sadd.s32 s4, s19  }
0x9c: {  	s7 =	simm.s32 $0x0;
	s20 =	sshll.u32 s5, $0x1;
	s5 =	sadd.s32 s21, s3  }
0x9d: {  	[timem:s7], [sflag:s22] =	dma.local [hbm:s5], s20  }
0x9e: {  	_ =	swait.ge [sflag:s22], s20  }
0x9f: {  	s4 =	ssub.s32 $0x0, s20;
	[sflag:s22] =	ssyncset.done $0x0  }
0xa0: {  	[sflag:s22] =	ssyncadd.s32 s4;
	_ =	sdelay $0x1  }
0xa1: {  	s23 =	simm.s32 $0x1B8B  }
0xa2: {  	_ =	swait.ge [sflag:s23], $0x1  }
0xa3: {  	[sflag:s23] =	ssyncset.done $0x0  }
0xa4: {  	s25 =	simm.s32 $0x1B8E;
	s24 =	sld [smem:$0x3FFE];
	[sflag:s23] =	ssyncadd.s32 $0xFFFFFFFF  }
0xa5: {  	s26 =	simm.s32 $execute0_lowered;
	[smem:$0x3FD2] =	sst s25  }
0xa6: {  	s5 =	sshll.u32 s26, $0x1;
	_ =	strace $0x80000046;
	[dreg:$0x1] =	wrdreg $0xFFFFFFFF  }
0xa7: {  	s28 =	simm.s32 $_size_execute0_lowered;
	s3 =	sadd.s32 s3, s5;
	[dreg:$0x0] =	wrdreg $0x0  }
0xa8: {  	s5 =	sshll.u32 s28, $0x1;
	[dreg:$0x2] =	wrdreg s3  }
0xa9: {  	[dreg:$0x3] =	wrdreg s5  }
0xaa: {  	[dreg:$0x4] =	wrdreg $0xC0  }
0xab: {  	_ =	task [dreg:s7], $0x5FFFF  }
0xac: {  	[dreg:$0x1] =	wrdreg $0xFFFFFFFF  }
0xad: {  	[dreg:$0x0] =	wrdreg $0x60  }
0xae: {  	[dreg:$0x2] =	wrdreg s24  }
0xaf: {  	[dreg:$0x3] =	wrdreg s2  }
0xb0: {  	[dreg:$0x4] =	wrdreg $0x9  }
0xb1: {  	_ =	task.clear_ibuf [dreg:s7], $0x5FFFF;
	_ =	strace $0x90000046  }
0xb2: {  	s29 =	simm.s32 $0x9;
	_ =	strace $0x80000048  }
0xb3: {  	_ =	swait.ge [sflag:s29], $0x1  }
0xb4: {  	[sflag:s29] =	ssyncadd.s32 $0xFFFFFFFF  }
0xb5: {  	_ =	strace $0x90000048  }
0xb6: {  	_ =	sfence  }
0xb7: {  	s30 =	sld [smem:$0x0];
	_ =	sdelay $0x2  }
0xb8: {  	s31 =	sshll.u32 s1, $0xD;
	s1 =	sshrl.u32 s1, $0x2  }
0xb9: {  	s3 =	sand.u32 $0x4000, s31;
	s1 =	sadd.s32 s1, s30  }
0xba: {  	s0 =	sor.u32 s3, s0;
	s1 =	sshll.u32 s1, $0x11  }
0xbb: {  	s0 =	sor.u32 s1, s0  }
0xbc: {  	s0 =	sadd.s32 $0x8F2B, s0  }
0xbd: {  	[sflag:s0] =	ssyncadd.remote.s32 $0x1  }
0xbe: {  	_ =	sfence.sel $0xFFFF  }
0xbf: {  	[dreg:$0x0] =	wrdreg $0xFFFFFFFF;
	(pc) =	sbr.abs _section_cstart, $3  }
0xc0: {  	[dreg:$0x1] =	wrdreg $0xFFFFFFFF  }
0xc1: {  	_ =	task.clear_ibuf [dreg:s7], $0x2FFFF;
	_ =	strace $0x9FFFFFFF  }
0xc2: {  	(tm) =	ssettm $0x7FFFFFFF  }
0xc3: {  	_ =	shalt  }
tec
execute0_lowered:
.L_overlay_start_1:
0x0: {  	(tag) =	ssettag $0x1  }
0x1: {  	s7 =	stileid.u32  }
0x2: {  	s0 =	srdreg.scid;
	s26 =	smul.u32 $0x700000, s7  }
0x3: {  	s2 =	sand.u32 $0x1, s0;
	s3 =	sshll.u32 s7, $0x1;
	s7 =	smul.u32 $0xE0000, s7  }
0x4: {  	s1 =	rddreg [dreg:$0x0];
	s5 =	simm.s32 $0x0;
	s30 =	smul.u32 $0x380000, s2  }
0x5: {  	s3 =	sor.u32 s2, s3;
	s6 =	ssub.s32 $0x2, s2;
	s2 =	smul.u32 $0x70000, s2  }
0x6: {  	[smem:$0x7FF] =	sst s5;
	s4 =	smul.u32 $0xD00, s3  }
0x7: {  	s0 =	rddreg [dreg:$0x1];
	_ =	strace $0x80000047;
	s22 =	smul.u32 $0x380000, s3  }
0x8: {  	s3 =	sadd.s32 $0xF42A00, s1;
	s23 =	sshrl.u32 s6, $0x1;
	s18 =	sadd.s32 s7, s0  }
0x9: {  	s2 =	sadd.s32 s2, s18;
	s1 =	sadd.s32 s4, s1;
	s5 =	sshrl.u32 s22, $0x3  }
0xa: {  	s4 =	ssub.s32 s6, s23;
	[dreg:$0x4] =	wrdreg s2;
	s1 =	sadd.s32 $0x600, s1  }
0xb: {  	s24 =	sadd.s32 s0, s5;
	s4 =	smax.u32 s4, $0x1;
	[dreg:$0xa] =	wrdreg s1  }
0xc: {  	s5 =	sadd.s32 $0x6C800, s24;
	[dreg:$0x1b] =	wrdreg s4  }
0xd: {  	s25 =	sadd.s32 $0x6CB80, s24;
	[dreg:$0xb] =	wrdreg s5  }
0xe: {  	s28 =	sadd.s32 $0x6CF00, s24;
	[dreg:$0xc] =	wrdreg s25  }
0xf: {  	s29 =	sadd.s32 $0x6D280, s24;
	[dreg:$0xd] =	wrdreg s28  }
0x10: {  	s8 =	sadd.s32 $0x6D600, s24;
	[dreg:$0xe] =	wrdreg s29  }
0x11: {  	s31 =	sadd.s32 $0x6D980, s24;
	[dreg:$0xf] =	wrdreg s8  }
0x12: {  	s9 =	sadd.s32 $0x6DD00, s24;
	[dreg:$0x10] =	wrdreg s31  }
0x13: {  	s10 =	sadd.s32 $0x6E080, s24;
	[dreg:$0x11] =	wrdreg s9  }
0x14: {  	s11 =	sadd.s32 $0x6E400, s24;
	[dreg:$0x12] =	wrdreg s10  }
0x15: {  	s12 =	sadd.s32 $0x6E780, s24;
	[dreg:$0x13] =	wrdreg s11  }
0x16: {  	s13 =	sadd.s32 $0x6EB00, s24;
	[dreg:$0x14] =	wrdreg s12  }
0x17: {  	s15 =	sadd.s32 $0x6EE80, s24;
	[dreg:$0x15] =	wrdreg s13  }
0x18: {  	s16 =	sadd.s32 $0x6F200, s24;
	[dreg:$0x16] =	wrdreg s15  }
0x19: {  	s18 =	simm.s32 $0xD;
	s17 =	sadd.s32 $0x6F580, s24;
	[dreg:$0x17] =	wrdreg s16  }
0x1a: {  	s19 =	sadd.s32 $0x6F900, s24;
	s1 =	sadd.s32 $0x6FC80, s24;
	[dreg:$0x18] =	wrdreg s17  }
0x1b: {  	s4 =	simm.s32 $0x80;
	s5 =	sadd.s32 s30, s26;
	[dreg:$0x19] =	wrdreg s19  }
0x1c: {  	[dreg:$0x1a] =	wrdreg s1;
	s9 =	simm.s32 $0xA;
	s12 =	simm.s32 $0xB  }
0x1d: {  	s15 =	simm.s32 $0xC;
	s19 =	simm.s32 $0x6;
	s8 =	simm.s32 $0xF  }
0x1e: {  	s11 =	simm.s32 $0x8;
	s17 =	simm.s32 $0x10;
	s16 =	simm.s32 $0x11700  }
0x1f: {  	s14 =	sor.u32 $0x1A400, s5;
	s20 =	sor.u32 $0x16C00, s5;
	s22 =	sor.u32 $0x13400, s5  }
0x20: {  	s26 =	sor.u32 $0xC400, s5;
	s29 =	sor.u32 $0x8C00, s5;
	s6 =	sshrl.u32 s14, $0x3  }
0x21: {  	s5 =	sor.u32 $0x5400, s5;
	s21 =	sshrl.u32 s20, $0x3;
	s6 =	sadd.s32 s6, s0  }
0x22: {  	s24 =	sshrl.u32 s22, $0x3;
	s23 =	sadd.s32 s21, s0;
	[dreg:$0x3] =	wrdreg s6  }
0x23: {  	s28 =	sshrl.u32 s26, $0x3;
	s25 =	sadd.s32 s24, s0;
	[dreg:$0x5] =	wrdreg s23  }
0x24: {  	s2 =	sshrl.u32 s29, $0x3;
	s1 =	sadd.s32 s28, s0;
	[dreg:$0x6] =	wrdreg s25  }
0x25: {  	s31 =	sshrl.u32 s5, $0x3;
	s30 =	sadd.s32 s2, s0;
	[dreg:$0x7] =	wrdreg s1  }
0x26: {  	s22 =	simm.s32 $0x7;
	s0 =	sadd.s32 s31, s0;
	[dreg:$0x8] =	wrdreg s30  }
0x27: {  	s2 =	simm.s32 $0x40;
	s21 =	simm.s32 $0xE;
	[dreg:$0x9] =	wrdreg s0  }
0x28: {  	s23 =	simm.s32 $0x64;
	s6 =	simm.s32 $0x9;
	s0 =	simm.s32 $0x0  }
.LBB2_1:
0x29: {  	[dreg:$0x1c] =	wrdreg s0  }
0x2a: {  	s5 =	simm.s32 $0x0;
	s14 =	rddreg [dreg:$0xa];
	s13 =	simm.s32 $0x11  }
0x2b: {  	[tilespmem:s5], [sflag:$0x11] =	stream.linear.gather [hbm4b:s14+s5], $0x6800, $0x38;
	[tilespmem:$0x13000] =	vst v63  }
0x2c: {  	_ =	swait.ge [sflag:s13], $0x6800  }
0x2d: {  	[sflag:s13] =	ssyncset.done $0x0  }
0x2e: {  	s0 =	simm.s32 $0x6800;
	[sflag:s13] =	ssyncadd.s32 $0xFFFF9800  }
0x2f: {  	[tilespmem:s0], [sflag:$0x1] =	stream.indirect.gather [hbm4b:s3+s23], $0x40, s5, s23, $0xb8;
	[tilespmem:$0x13000] =	vst v63  }
0x30: {  	s20 =	simm.s32 $0x68;
	s24 =	simm.s32 $0x8100  }
0x31: {  	[tilespmem:s24], [sflag:$0x2] =	stream.indirect.gather [hbm4b:s3+s23], $0x40, s20, s23, $0xb8;
	[tilespmem:$0x13000] =	vst v63  }
0x32: {  	s1 =	simm.s32 $0xD0;
	s26 =	simm.s32 $0x9A00  }
0x33: {  	[tilespmem:s26], [sflag:$0x3] =	stream.indirect.gather [hbm4b:s3+s23], $0x40, s1, s23, $0xb8;
	[tilespmem:$0x13000] =	vst v63  }
0x34: {  	s25 =	simm.s32 $0x138;
	s28 =	simm.s32 $0xB300  }
0x35: {  	[tilespmem:s28], [sflag:$0x4] =	stream.indirect.gather [hbm4b:s3+s23], $0x40, s25, s23, $0xb8;
	[tilespmem:$0x13000] =	vst v63  }
0x36: {  	s29 =	simm.s32 $0x1A0;
	s25 =	simm.s32 $0xCC00  }
0x37: {  	[tilespmem:s25], [sflag:$0x5] =	stream.indirect.gather [hbm4b:s3+s23], $0x40, s29, s23, $0xb8;
	[tilespmem:$0x13000] =	vst v63  }
0x38: {  	s30 =	simm.s32 $0x208;
	s29 =	simm.s32 $0xE500  }
0x39: {  	[tilespmem:s29], [sflag:$0x6] =	stream.indirect.gather [hbm4b:s3+s23], $0x40, s30, s23, $0xb8;
	[tilespmem:$0x13000] =	vst v63  }
0x3a: {  	s31 =	simm.s32 $0x270;
	s7 =	simm.s32 $0xFE00  }
0x3b: {  	[tilespmem:s7], [sflag:$0x7] =	stream.indirect.gather [hbm4b:s3+s23], $0x40, s31, s23, $0xb8;
	[tilespmem:$0x13000] =	vst v63  }
0x3c: {  	s10 =	simm.s32 $0x11700;
	s13 =	simm.s32 $0x1;
	s5 =	simm.s32 $0x2D8  }
0x3d: {  	[tilespmem:s10], [sflag:$0x8] =	stream.indirect.gather [hbm4b:s3+s23], $0x40, s5, s23, $0xb8;
	[tilespmem:$0x13000] =	vst v63  }
0x3e: {  	_ =	swait.ge [sflag:s13], $0x1900  }
0x3f: {  	s14 =	rddreg [dreg:$0x4];
	[sflag:s13] =	ssyncset.done $0x0  }
0x40: {  	[sflag:s13] =	ssyncadd.s32 $0xFFFFE700;
	s5 =	sadd.s32 $0x0, s14  }
0x41: {  	[hbm4b:s5+s2] =	stream.strided.scatter [tilespmem:s0], [sflag:$0x9], $0xC80, s4, s2, $0x38;
	[tilespmem:$0x13000] =	vst v63  }
0x42: {  	s30 =	simm.s32 $0x7480;
	s20 =	sadd.s32 $0x380, s5  }
0x43: {  	[hbm4b:s20+s2] =	stream.strided.scatter [tilespmem:s30], [sflag:$0x9], $0xC80, s4, s2, $0x38;
	[tilespmem:$0x13000] =	vst v63  }
0x44: {  	_ =	swait.ge [sflag:s6], $0xC80  }
0x45: {  	[sflag:s6] =	ssyncset.done $0x0  }
0x46: {  	[sflag:s6] =	ssyncadd.s32 $0xFFFFF380  }
0x47: {  	_ =	swait.ge [sflag:s6], $0xC80  }
0x48: {  	[sflag:s6] =	ssyncset.done $0x0  }
0x49: {  	s1 =	simm.s32 $0x2;
	s31 =	simm.s32 $0x340;
	[sflag:s6] =	ssyncadd.s32 $0xFFFFF380  }
0x4a: {  	[tilespmem:s0], [sflag:$0x1] =	stream.indirect.gather [hbm4b:s3+s23], $0x40, s31, s23, $0xb8;
	[tilespmem:$0x13000] =	vst v63  }
0x4b: {  	_ =	swait.ge [sflag:s1], $0x1900  }
0x4c: {  	[sflag:s1] =	ssyncset.done $0x0  }
0x4d: {  	s20 =	sadd.s32 $0x700, s5;
	s13 =	rddreg [dreg:$0x9];
	[sflag:s1] =	ssyncadd.s32 $0xFFFFE700  }
0x4e: {  	[hbm4b:s20+s2] =	stream.strided.scatter [tilespmem:s24], [sflag:$0xA], $0xC80, s4, s2, $0x38;
	[tilespmem:$0x13000] =	vst v63  }
0x4f: {  	s14 =	sadd.s32 $0x0, s13;
	s20 =	simm.s32 $0x8D80  }
0x50: {  	[hbm4b:s14+s2] =	stream.strided.scatter [tilespmem:s20], [sflag:$0xA], $0xC80, s4, s2, $0x38;
	[tilespmem:$0x13000] =	vst v63  }
0x51: {  	_ =	swait.ge [sflag:s9], $0xC80  }
0x52: {  	[sflag:s9] =	ssyncset.done $0x0  }
0x53: {  	[sflag:s9] =	ssyncadd.s32 $0xFFFFF380  }
0x54: {  	_ =	swait.ge [sflag:s9], $0xC80  }
0x55: {  	[sflag:s9] =	ssyncset.done $0x0  }
0x56: {  	s30 =	simm.s32 $0x3A8;
	s31 =	simm.s32 $0x3;
	[sflag:s9] =	ssyncadd.s32 $0xFFFFF380  }
0x57: {  	[tilespmem:s24], [sflag:$0x2] =	stream.indirect.gather [hbm4b:s3+s23], $0x40, s30, s23, $0xb8;
	[tilespmem:$0x13000] =	vst v63  }
0x58: {  	_ =	swait.ge [sflag:s31], $0x1900  }
0x59: {  	[sflag:s31] =	ssyncset.done $0x0  }
0x5a: {  	s13 =	sadd.s32 $0xE00, s5;
	s1 =	rddreg [dreg:$0x8];
	[sflag:s31] =	ssyncadd.s32 $0xFFFFE700  }
0x5b: {  	[hbm4b:s13+s2] =	stream.strided.scatter [tilespmem:s26], [sflag:$0xB], $0xC80, s4, s2, $0x38;
	[tilespmem:$0x13000] =	vst v63  }
0x5c: {  	s20 =	simm.s32 $0xA680;
	s14 =	sadd.s32 $0x0, s1  }
0x5d: {  	[hbm4b:s14+s2] =	stream.strided.scatter [tilespmem:s20], [sflag:$0xB], $0xC80, s4, s2, $0x38;
	[tilespmem:$0x13000] =	vst v63  }
0x5e: {  	_ =	swait.ge [sflag:s12], $0xC80  }
0x5f: {  	[sflag:s12] =	ssyncset.done $0x0  }
0x60: {  	[sflag:s12] =	ssyncadd.s32 $0xFFFFF380  }
0x61: {  	_ =	swait.ge [sflag:s12], $0xC80  }
0x62: {  	[sflag:s12] =	ssyncset.done $0x0  }
0x63: {  	s24 =	simm.s32 $0x410;
	s30 =	simm.s32 $0x4;
	[sflag:s12] =	ssyncadd.s32 $0xFFFFF380  }
0x64: {  	[tilespmem:s26], [sflag:$0x3] =	stream.indirect.gather [hbm4b:s3+s23], $0x40, s24, s23, $0xb8;
	[tilespmem:$0x13000] =	vst v63  }
0x65: {  	_ =	swait.ge [sflag:s30], $0x1900  }
0x66: {  	[sflag:s30] =	ssyncset.done $0x0  }
0x67: {  	s1 =	sadd.s32 $0x1500, s5;
	s31 =	rddreg [dreg:$0x7];
	[sflag:s30] =	ssyncadd.s32 $0xFFFFE700  }
0x68: {  	[hbm4b:s1+s2] =	stream.strided.scatter [tilespmem:s28], [sflag:$0xC], $0xC80, s4, s2, $0x38;
	[tilespmem:$0x13000] =	vst v63  }
0x69: {  	s13 =	simm.s32 $0xBF80;
	s14 =	sadd.s32 $0x0, s31  }
0x6a: {  	[hbm4b:s14+s2] =	stream.strided.scatter [tilespmem:s13], [sflag:$0xC], $0xC80, s4, s2, $0x38;
	[tilespmem:$0x13000] =	vst v63  }
0x6b: {  	_ =	swait.ge [sflag:s15], $0xC80  }
0x6c: {  	[sflag:s15] =	ssyncset.done $0x0  }
0x6d: {  	[sflag:s15] =	ssyncadd.s32 $0xFFFFF380  }
0x6e: {  	_ =	swait.ge [sflag:s15], $0xC80  }
0x6f: {  	[sflag:s15] =	ssyncset.done $0x0  }
0x70: {  	s20 =	simm.s32 $0x478;
	s24 =	simm.s32 $0x5;
	[sflag:s15] =	ssyncadd.s32 $0xFFFFF380  }
0x71: {  	[tilespmem:s28], [sflag:$0x4] =	stream.indirect.gather [hbm4b:s3+s23], $0x40, s20, s23, $0xb8;
	[tilespmem:$0x13000] =	vst v63  }
0x72: {  	_ =	swait.ge [sflag:s24], $0x1900  }
0x73: {  	[sflag:s24] =	ssyncset.done $0x0  }
0x74: {  	s26 =	sadd.s32 $0x1C00, s5;
	[sflag:s24] =	ssyncadd.s32 $0xFFFFE700  }
0x75: {  	[hbm4b:s26+s2] =	stream.strided.scatter [tilespmem:s25], [sflag:$0xD], $0xC80, s4, s2, $0x38;
	[tilespmem:$0x13000] =	vst v63  }
0x76: {  	s30 =	simm.s32 $0xD880;
	s28 =	sadd.s32 $0x1F80, s5  }
0x77: {  	[hbm4b:s28+s2] =	stream.strided.scatter [tilespmem:s30], [sflag:$0xD], $0xC80, s4, s2, $0x38;
	[tilespmem:$0x13000] =	vst v63  }
0x78: {  	_ =	swait.ge [sflag:s18], $0xC80  }
0x79: {  	[sflag:s18] =	ssyncset.done $0x0  }
0x7a: {  	[sflag:s18] =	ssyncadd.s32 $0xFFFFF380  }
0x7b: {  	_ =	swait.ge [sflag:s18], $0xC80  }
0x7c: {  	[sflag:s18] =	ssyncset.done $0x0  }
0x7d: {  	s31 =	simm.s32 $0x4E0;
	[sflag:s18] =	ssyncadd.s32 $0xFFFFF380  }
0x7e: {  	[tilespmem:s25], [sflag:$0x5] =	stream.indirect.gather [hbm4b:s3+s23], $0x40, s31, s23, $0xb8;
	[tilespmem:$0x13000] =	vst v63  }
0x7f: {  	_ =	swait.ge [sflag:s19], $0x1900  }
0x80: {  	[sflag:s19] =	ssyncset.done $0x0  }
0x81: {  	s1 =	sadd.s32 $0x2300, s5;
	s0 =	rddreg [dreg:$0x6];
	[sflag:s19] =	ssyncadd.s32 $0xFFFFE700  }
0x82: {  	[hbm4b:s1+s2] =	stream.strided.scatter [tilespmem:s29], [sflag:$0xE], $0xC80, s4, s2, $0x38;
	[tilespmem:$0x13000] =	vst v63  }
0x83: {  	s13 =	simm.s32 $0xF180;
	s14 =	sadd.s32 $0x0, s0  }
0x84: {  	[hbm4b:s14+s2] =	stream.strided.scatter [tilespmem:s13], [sflag:$0xE], $0xC80, s4, s2, $0x38;
	[tilespmem:$0x13000] =	vst v63  }
0x85: {  	_ =	swait.ge [sflag:s21], $0xC80  }
0x86: {  	[sflag:s21] =	ssyncset.done $0x0  }
0x87: {  	[sflag:s21] =	ssyncadd.s32 $0xFFFFF380  }
0x88: {  	_ =	swait.ge [sflag:s21], $0xC80  }
0x89: {  	[sflag:s21] =	ssyncset.done $0x0  }
0x8a: {  	s20 =	simm.s32 $0x548;
	[sflag:s21] =	ssyncadd.s32 $0xFFFFF380  }
0x8b: {  	[tilespmem:s29], [sflag:$0x6] =	stream.indirect.gather [hbm4b:s3+s23], $0x40, s20, s23, $0xb8;
	[tilespmem:$0x13000] =	vst v63  }
0x8c: {  	_ =	swait.ge [sflag:s22], $0x1900  }
0x8d: {  	[sflag:s22] =	ssyncset.done $0x0  }
0x8e: {  	s25 =	sadd.s32 $0x2A00, s5;
	s24 =	rddreg [dreg:$0x5];
	[sflag:s22] =	ssyncadd.s32 $0xFFFFE700  }
0x8f: {  	[hbm4b:s25+s2] =	stream.strided.scatter [tilespmem:s7], [sflag:$0xF], $0xC80, s4, s2, $0x38;
	[tilespmem:$0x13000] =	vst v63  }
0x90: {  	s26 =	simm.s32 $0x10A80;
	s14 =	sadd.s32 $0x0, s24  }
0x91: {  	[hbm4b:s14+s2] =	stream.strided.scatter [tilespmem:s26], [sflag:$0xF], $0xC80, s4, s2, $0x38;
	[tilespmem:$0x13000] =	vst v63  }
0x92: {  	_ =	swait.ge [sflag:s8], $0xC80  }
0x93: {  	[sflag:s8] =	ssyncset.done $0x0  }
0x94: {  	[sflag:s8] =	ssyncadd.s32 $0xFFFFF380  }
0x95: {  	_ =	swait.ge [sflag:s8], $0xC80  }
0x96: {  	[sflag:s8] =	ssyncset.done $0x0  }
0x97: {  	s28 =	simm.s32 $0x5B0;
	[sflag:s8] =	ssyncadd.s32 $0xFFFFF380  }
0x98: {  	[tilespmem:s7], [sflag:$0x7] =	stream.indirect.gather [hbm4b:s3+s23], $0x40, s28, s23, $0xb8;
	[tilespmem:$0x13000] =	vst v63  }
0x99: {  	_ =	swait.ge [sflag:s11], $0x1900  }
0x9a: {  	[sflag:s11] =	ssyncset.done $0x0  }
0x9b: {  	s5 =	sadd.s32 $0x3100, s5;
	s29 =	rddreg [dreg:$0x3];
	[sflag:s11] =	ssyncadd.s32 $0xFFFFE700  }
0x9c: {  	[hbm4b:s5+s2] =	stream.strided.scatter [tilespmem:s10], [sflag:$0x10], $0xC80, s4, s2, $0x38;
	[tilespmem:$0x13000] =	vst v63  }
0x9d: {  	s31 =	simm.s32 $0x12380;
	s30 =	sadd.s32 $0x0, s29  }
0x9e: {  	[hbm4b:s30+s2] =	stream.strided.scatter [tilespmem:s31], [sflag:$0x10], $0xC80, s4, s2, $0x38;
	[tilespmem:$0x13000] =	vst v63  }
0x9f: {  	_ =	swait.ge [sflag:s17], $0xC80  }
0xa0: {  	[sflag:s17] =	ssyncset.done $0x0  }
0xa1: {  	[sflag:s17] =	ssyncadd.s32 $0xFFFFF380  }
0xa2: {  	_ =	swait.ge [sflag:s17], $0xC80  }
0xa3: {  	s20 =	simm.s32 $0x618;
	[sflag:s17] =	ssyncset.done $0x0  }
0xa4: {  	s14 =	simm.s32 $0x958;
	s5 =	simm.s32 $0x3800;
	[sflag:s17] =	ssyncadd.s32 $0xFFFFF380  }
.LBB2_2:
0xa5: {  	[tilespmem:s16], [sflag:$0x8] =	stream.indirect.gather [hbm4b:s3+s23], $0x40, s20, s23, $0xb8;
	[tilespmem:$0x13000] =	vst v63  }
0xa6: {  	s0 =	simm.s32 $0x1  }
0xa7: {  	_ =	swait.ge [sflag:s0], $0x1900  }
0xa8: {  	s24 =	smov.u32 s5;
	s26 =	rddreg [dreg:$0x4];
	[sflag:s0] =	ssyncset.done $0x0  }
0xa9: {  	s31 =	simm.s32 $0x6800;
	[sflag:s0] =	ssyncadd.s32 $0xFFFFE700;
	s26 =	sadd.s32 s24, s26  }
0xaa: {  	[hbm4b:s26+s2] =	stream.strided.scatter [tilespmem:s31], [sflag:$0x9], $0xC80, s4, s2, $0x38;
	[tilespmem:$0x13000] =	vst v63  }
0xab: {  	s1 =	simm.s32 $0x7480;
	s29 =	sadd.s32 $0x380, s26  }
0xac: {  	[hbm4b:s29+s2] =	stream.strided.scatter [tilespmem:s1], [sflag:$0x9], $0xC80, s4, s2, $0x38;
	[tilespmem:$0x13000] =	vst v63  }
0xad: {  	_ =	swait.ge [sflag:s6], $0xC80  }
0xae: {  	[sflag:s6] =	ssyncset.done $0x0  }
0xaf: {  	[sflag:s6] =	ssyncadd.s32 $0xFFFFF380  }
0xb0: {  	_ =	swait.ge [sflag:s6], $0xC80  }
0xb1: {  	[sflag:s6] =	ssyncset.done $0x0  }
0xb2: {  	s7 =	sadd.s32 $0xFFFFFD28, s14;
	s1 =	simm.s32 $0x2;
	[sflag:s6] =	ssyncadd.s32 $0xFFFFF380  }
0xb3: {  	[tilespmem:s31], [sflag:$0x1] =	stream.indirect.gather [hbm4b:s3+s23], $0x40, s7, s23, $0xb8;
	[tilespmem:$0x13000] =	vst v63  }
0xb4: {  	_ =	swait.ge [sflag:s1], $0x1900  }
0xb5: {  	s25 =	simm.s32 $0x8100;
	[sflag:s1] =	ssyncset.done $0x0  }
0xb6: {  	s13 =	sadd.s32 $0x700, s26;
	s10 =	rddreg [dreg:$0x9];
	[sflag:s1] =	ssyncadd.s32 $0xFFFFE700  }
0xb7: {  	[hbm4b:s13+s2] =	stream.strided.scatter [tilespmem:s25], [sflag:$0xA], $0xC80, s4, s2, $0x38;
	[tilespmem:$0x13000] =	vst v63  }
0xb8: {  	s7 =	simm.s32 $0x8D80;
	s29 =	sadd.s32 s24, s10  }
0xb9: {  	[hbm4b:s29+s2] =	stream.strided.scatter [tilespmem:s7], [sflag:$0xA], $0xC80, s4, s2, $0x38;
	[tilespmem:$0x13000] =	vst v63  }
0xba: {  	_ =	swait.ge [sflag:s9], $0xC80  }
0xbb: {  	[sflag:s9] =	ssyncset.done $0x0  }
0xbc: {  	[sflag:s9] =	ssyncadd.s32 $0xFFFFF380  }
0xbd: {  	_ =	swait.ge [sflag:s9], $0xC80  }
0xbe: {  	[sflag:s9] =	ssyncset.done $0x0  }
0xbf: {  	s10 =	simm.s32 $0x3;
	s7 =	sadd.s32 $0xFFFFFD90, s14;
	[sflag:s9] =	ssyncadd.s32 $0xFFFFF380  }
0xc0: {  	[tilespmem:s25], [sflag:$0x2] =	stream.indirect.gather [hbm4b:s3+s23], $0x40, s7, s23, $0xb8;
	[tilespmem:$0x13000] =	vst v63  }
0xc1: {  	_ =	swait.ge [sflag:s10], $0x1900  }
0xc2: {  	s30 =	simm.s32 $0x9A00;
	[sflag:s10] =	ssyncset.done $0x0  }
0xc3: {  	s25 =	sadd.s32 $0xE00, s26;
	s13 =	rddreg [dreg:$0x8];
	[sflag:s10] =	ssyncadd.s32 $0xFFFFE700  }
0xc4: {  	[hbm4b:s25+s2] =	stream.strided.scatter [tilespmem:s30], [sflag:$0xB], $0xC80, s4, s2, $0x38;
	[tilespmem:$0x13000] =	vst v63  }
0xc5: {  	s31 =	simm.s32 $0xA680;
	s29 =	sadd.s32 s24, s13  }
0xc6: {  	[hbm4b:s29+s2] =	stream.strided.scatter [tilespmem:s31], [sflag:$0xB], $0xC80, s4, s2, $0x38;
	[tilespmem:$0x13000] =	vst v63  }
0xc7: {  	_ =	swait.ge [sflag:s12], $0xC80  }
0xc8: {  	[sflag:s12] =	ssyncset.done $0x0  }
0xc9: {  	[sflag:s12] =	ssyncadd.s32 $0xFFFFF380  }
0xca: {  	_ =	swait.ge [sflag:s12], $0xC80  }
0xcb: {  	[sflag:s12] =	ssyncset.done $0x0  }
0xcc: {  	s7 =	sadd.s32 $0xFFFFFDF8, s14;
	s10 =	simm.s32 $0x4;
	[sflag:s12] =	ssyncadd.s32 $0xFFFFF380  }
0xcd: {  	[tilespmem:s30], [sflag:$0x3] =	stream.indirect.gather [hbm4b:s3+s23], $0x40, s7, s23, $0xb8;
	[tilespmem:$0x13000] =	vst v63  }
0xce: {  	_ =	swait.ge [sflag:s10], $0x1900  }
0xcf: {  	s25 =	simm.s32 $0xB300;
	[sflag:s10] =	ssyncset.done $0x0  }
0xd0: {  	s7 =	sadd.s32 $0x1500, s26;
	s13 =	rddreg [dreg:$0x7];
	[sflag:s10] =	ssyncadd.s32 $0xFFFFE700  }
0xd1: {  	[hbm4b:s7+s2] =	stream.strided.scatter [tilespmem:s25], [sflag:$0xC], $0xC80, s4, s2, $0x38;
	[tilespmem:$0x13000] =	vst v63  }
0xd2: {  	s29 =	sadd.s32 s24, s13;
	s10 =	simm.s32 $0xBF80  }
0xd3: {  	[hbm4b:s29+s2] =	stream.strided.scatter [tilespmem:s10], [sflag:$0xC], $0xC80, s4, s2, $0x38;
	[tilespmem:$0x13000] =	vst v63  }
0xd4: {  	_ =	swait.ge [sflag:s15], $0xC80  }
0xd5: {  	[sflag:s15] =	ssyncset.done $0x0  }
0xd6: {  	[sflag:s15] =	ssyncadd.s32 $0xFFFFF380  }
0xd7: {  	_ =	swait.ge [sflag:s15], $0xC80  }
0xd8: {  	[sflag:s15] =	ssyncset.done $0x0  }
0xd9: {  	s31 =	simm.s32 $0x5;
	s13 =	sadd.s32 $0xFFFFFE60, s14;
	[sflag:s15] =	ssyncadd.s32 $0xFFFFF380  }
0xda: {  	[tilespmem:s25], [sflag:$0x4] =	stream.indirect.gather [hbm4b:s3+s23], $0x40, s13, s23, $0xb8;
	[tilespmem:$0x13000] =	vst v63  }
0xdb: {  	_ =	swait.ge [sflag:s31], $0x1900  }
0xdc: {  	[sflag:s31] =	ssyncset.done $0x0  }
0xdd: {  	s10 =	sadd.s32 $0x1C00, s26;
	[sflag:s31] =	ssyncadd.s32 $0xFFFFE700;
	s31 =	simm.s32 $0xCC00  }
0xde: {  	[hbm4b:s10+s2] =	stream.strided.scatter [tilespmem:s31], [sflag:$0xD], $0xC80, s4, s2, $0x38;
	[tilespmem:$0x13000] =	vst v63  }
0xdf: {  	s13 =	sadd.s32 $0x1F80, s26;
	s25 =	simm.s32 $0xD880  }
0xe0: {  	[hbm4b:s13+s2] =	stream.strided.scatter [tilespmem:s25], [sflag:$0xD], $0xC80, s4, s2, $0x38;
	[tilespmem:$0x13000] =	vst v63  }
0xe1: {  	_ =	swait.ge [sflag:s18], $0xC80  }
0xe2: {  	[sflag:s18] =	ssyncset.done $0x0  }
0xe3: {  	[sflag:s18] =	ssyncadd.s32 $0xFFFFF380  }
0xe4: {  	_ =	swait.ge [sflag:s18], $0xC80  }
0xe5: {  	[sflag:s18] =	ssyncset.done $0x0  }
0xe6: {  	s10 =	sadd.s32 $0xFFFFFEC8, s14;
	[sflag:s18] =	ssyncadd.s32 $0xFFFFF380  }
0xe7: {  	[tilespmem:s31], [sflag:$0x5] =	stream.indirect.gather [hbm4b:s3+s23], $0x40, s10, s23, $0xb8;
	[tilespmem:$0x13000] =	vst v63  }
0xe8: {  	_ =	swait.ge [sflag:s19], $0x1900  }
0xe9: {  	s7 =	sadd.s32 $0x2300, s26;
	[sflag:s19] =	ssyncset.done $0x0  }
0xea: {  	s10 =	simm.s32 $0xE500;
	s13 =	rddreg [dreg:$0x6];
	[sflag:s19] =	ssyncadd.s32 $0xFFFFE700  }
0xeb: {  	[hbm4b:s7+s2] =	stream.strided.scatter [tilespmem:s10], [sflag:$0xE], $0xC80, s4, s2, $0x38;
	[tilespmem:$0x13000] =	vst v63  }
0xec: {  	s29 =	sadd.s32 s24, s13;
	s13 =	simm.s32 $0xF180  }
0xed: {  	[hbm4b:s29+s2] =	stream.strided.scatter [tilespmem:s13], [sflag:$0xE], $0xC80, s4, s2, $0x38;
	[tilespmem:$0x13000] =	vst v63  }
0xee: {  	_ =	swait.ge [sflag:s21], $0xC80  }
0xef: {  	[sflag:s21] =	ssyncset.done $0x0  }
0xf0: {  	[sflag:s21] =	ssyncadd.s32 $0xFFFFF380  }
0xf1: {  	_ =	swait.ge [sflag:s21], $0xC80  }
0xf2: {  	[sflag:s21] =	ssyncset.done $0x0  }
0xf3: {  	s31 =	sadd.s32 $0xFFFFFF30, s14;
	[sflag:s21] =	ssyncadd.s32 $0xFFFFF380  }
0xf4: {  	[tilespmem:s10], [sflag:$0x6] =	stream.indirect.gather [hbm4b:s3+s23], $0x40, s31, s23, $0xb8;
	[tilespmem:$0x13000] =	vst v63  }
0xf5: {  	_ =	swait.ge [sflag:s22], $0x1900  }
0xf6: {  	s13 =	simm.s32 $0xFE00;
	[sflag:s22] =	ssyncset.done $0x0  }
0xf7: {  	s10 =	sadd.s32 $0x2A00, s26;
	s29 =	rddreg [dreg:$0x5];
	[sflag:s22] =	ssyncadd.s32 $0xFFFFE700  }
0xf8: {  	[hbm4b:s10+s2] =	stream.strided.scatter [tilespmem:s13], [sflag:$0xF], $0xC80, s4, s2, $0x38;
	[tilespmem:$0x13000] =	vst v63  }
0xf9: {  	s31 =	simm.s32 $0x10A80;
	s29 =	sadd.s32 s24, s29  }
0xfa: {  	[hbm4b:s29+s2] =	stream.strided.scatter [tilespmem:s31], [sflag:$0xF], $0xC80, s4, s2, $0x38;
	[tilespmem:$0x13000] =	vst v63  }
0xfb: {  	_ =	swait.ge [sflag:s8], $0xC80  }
0xfc: {  	[sflag:s8] =	ssyncset.done $0x0  }
0xfd: {  	[sflag:s8] =	ssyncadd.s32 $0xFFFFF380  }
0xfe: {  	_ =	swait.ge [sflag:s8], $0xC80  }
0xff: {  	[sflag:s8] =	ssyncset.done $0x0  }
0x100: {  	s31 =	sadd.s32 $0xFFFFFF98, s14;
	[sflag:s8] =	ssyncadd.s32 $0xFFFFF380  }
0x101: {  	[tilespmem:s13], [sflag:$0x7] =	stream.indirect.gather [hbm4b:s3+s23], $0x40, s31, s23, $0xb8;
	[tilespmem:$0x13000] =	vst v63  }
0x102: {  	_ =	swait.ge [sflag:s11], $0x1900  }
0x103: {  	[sflag:s11] =	ssyncset.done $0x0  }
0x104: {  	s26 =	sadd.s32 $0x3100, s26;
	s13 =	rddreg [dreg:$0x3];
	[sflag:s11] =	ssyncadd.s32 $0xFFFFE700  }
0x105: {  	[hbm4b:s26+s2] =	stream.strided.scatter [tilespmem:s16], [sflag:$0x10], $0xC80, s4, s2, $0x38;
	[tilespmem:$0x13000] =	vst v63  }
0x106: {  	s31 =	simm.s32 $0x12380;
	s24 =	sadd.s32 s24, s13  }
0x107: {  	[hbm4b:s24+s2] =	stream.strided.scatter [tilespmem:s31], [sflag:$0x10], $0xC80, s4, s2, $0x38;
	[tilespmem:$0x13000] =	vst v63  }
0x108: {  	s20 =	smov.u32 s14;
	p0 =	sne.s32 s5, $0x69000;
	_ =	swait.ge [sflag:s17], $0xC80  }
.Ltmp0:
0x109: {  	s5 =	sadd.s32 $0x3800, s5;
	[sflag:s17] =	ssyncset.done $0x0;
	(pc) =	sbr.rel @p0 .LBB2_2-.Ltmp0, $4  }
0x10a: {  	s28 =	simm.s32 $0x8100;
	s0 =	simm.s32 $0x6800;
	[sflag:s17] =	ssyncadd.s32 $0xFFFFF380  }
0x10b: {  	s1 =	simm.s32 $0x9A00;
	s30 =	simm.s32 $0xB300;
	_ =	swait.ge [sflag:s17], $0xC80  }
0x10c: {  	s25 =	simm.s32 $0xCC00;
	s7 =	simm.s32 $0xE500;
	[sflag:s17] =	ssyncset.done $0x0  }
0x10d: {  	s10 =	simm.s32 $0xFE00;
	s14 =	sadd.s32 $0x340, s14;
	[sflag:s17] =	ssyncadd.s32 $0xFFFFF380  }
0x10e: {  	s13 =	simm.s32 $0x11700;
	s5 =	simm.s32 $0x1  }
0x10f: {  	[tilespmem:s13], [sflag:$0x8] =	stream.indirect.gather [hbm4b:s3+s23], $0x40, s20, s23, $0xb8;
	[tilespmem:$0x13000] =	vst v63  }
0x110: {  	_ =	swait.ge [sflag:s5], $0x1900  }
0x111: {  	[sflag:s5] =	ssyncset.done $0x0  }
0x112: {  	s31 =	rddreg [dreg:$0xb];
	[sflag:s5] =	ssyncadd.s32 $0xFFFFE700  }
0x113: {  	[hbm4b:s31+s2] =	stream.strided.scatter [tilespmem:s0], [sflag:$0x9], $0xC80, s4, s2, $0x38;
	[tilespmem:$0x13000] =	vst v63  }
0x114: {  	s14 =	simm.s32 $0x7480;
	s20 =	simm.s32 $0x2;
	s0 =	rddreg [dreg:$0xc]  }
0x115: {  	[hbm4b:s0+s2] =	stream.strided.scatter [tilespmem:s14], [sflag:$0x9], $0xC80, s4, s2, $0x38;
	[tilespmem:$0x13000] =	vst v63  }
0x116: {  	_ =	swait.ge [sflag:s20], $0x1900  }
0x117: {  	[sflag:s20] =	ssyncset.done $0x0  }
0x118: {  	s24 =	rddreg [dreg:$0xd];
	[sflag:s20] =	ssyncadd.s32 $0xFFFFE700  }
0x119: {  	[hbm4b:s24+s2] =	stream.strided.scatter [tilespmem:s28], [sflag:$0xA], $0xC80, s4, s2, $0x38;
	[tilespmem:$0x13000] =	vst v63  }
0x11a: {  	s29 =	simm.s32 $0x3;
	s26 =	rddreg [dreg:$0xe];
	s28 =	simm.s32 $0x8D80  }
0x11b: {  	[hbm4b:s26+s2] =	stream.strided.scatter [tilespmem:s28], [sflag:$0xA], $0xC80, s4, s2, $0x38;
	[tilespmem:$0x13000] =	vst v63  }
0x11c: {  	_ =	swait.ge [sflag:s29], $0x1900  }
0x11d: {  	[sflag:s29] =	ssyncset.done $0x0  }
0x11e: {  	s31 =	rddreg [dreg:$0xf];
	[sflag:s29] =	ssyncadd.s32 $0xFFFFE700  }
0x11f: {  	[hbm4b:s31+s2] =	stream.strided.scatter [tilespmem:s1], [sflag:$0xB], $0xC80, s4, s2, $0x38;
	[tilespmem:$0x13000] =	vst v63  }
0x120: {  	s14 =	simm.s32 $0x4;
	s0 =	rddreg [dreg:$0x10];
	s1 =	simm.s32 $0xA680  }
0x121: {  	[hbm4b:s0+s2] =	stream.strided.scatter [tilespmem:s1], [sflag:$0xB], $0xC80, s4, s2, $0x38;
	[tilespmem:$0x13000] =	vst v63  }
0x122: {  	_ =	swait.ge [sflag:s14], $0x1900  }
0x123: {  	[sflag:s14] =	ssyncset.done $0x0  }
0x124: {  	s20 =	rddreg [dreg:$0x11];
	[sflag:s14] =	ssyncadd.s32 $0xFFFFE700  }
0x125: {  	[hbm4b:s20+s2] =	stream.strided.scatter [tilespmem:s30], [sflag:$0xC], $0xC80, s4, s2, $0x38;
	[tilespmem:$0x13000] =	vst v63  }
0x126: {  	s26 =	simm.s32 $0xBF80;
	s28 =	simm.s32 $0x5;
	s24 =	rddreg [dreg:$0x12]  }
0x127: {  	[hbm4b:s24+s2] =	stream.strided.scatter [tilespmem:s26], [sflag:$0xC], $0xC80, s4, s2, $0x38;
	[tilespmem:$0x13000] =	vst v63  }
0x128: {  	_ =	swait.ge [sflag:s28], $0x1900  }
0x129: {  	[sflag:s28] =	ssyncset.done $0x0  }
0x12a: {  	s29 =	rddreg [dreg:$0x13];
	[sflag:s28] =	ssyncadd.s32 $0xFFFFE700  }
0x12b: {  	[hbm4b:s29+s2] =	stream.strided.scatter [tilespmem:s25], [sflag:$0xD], $0xC80, s4, s2, $0x38;
	[tilespmem:$0x13000] =	vst v63  }
0x12c: {  	s31 =	simm.s32 $0xD880;
	s30 =	rddreg [dreg:$0x14]  }
0x12d: {  	[hbm4b:s30+s2] =	stream.strided.scatter [tilespmem:s31], [sflag:$0xD], $0xC80, s4, s2, $0x38;
	[tilespmem:$0x13000] =	vst v63  }
0x12e: {  	_ =	swait.ge [sflag:s19], $0x1900  }
0x12f: {  	[sflag:s19] =	ssyncset.done $0x0  }
0x130: {  	s1 =	rddreg [dreg:$0x15];
	[sflag:s19] =	ssyncadd.s32 $0xFFFFE700  }
0x131: {  	[hbm4b:s1+s2] =	stream.strided.scatter [tilespmem:s7], [sflag:$0xE], $0xC80, s4, s2, $0x38;
	[tilespmem:$0x13000] =	vst v63  }
0x132: {  	s14 =	simm.s32 $0xF180;
	s7 =	rddreg [dreg:$0x16]  }
0x133: {  	[hbm4b:s7+s2] =	stream.strided.scatter [tilespmem:s14], [sflag:$0xE], $0xC80, s4, s2, $0x38;
	[tilespmem:$0x13000] =	vst v63  }
0x134: {  	_ =	swait.ge [sflag:s22], $0x1900  }
0x135: {  	[sflag:s22] =	ssyncset.done $0x0  }
0x136: {  	s20 =	rddreg [dreg:$0x17];
	[sflag:s22] =	ssyncadd.s32 $0xFFFFE700  }
0x137: {  	[hbm4b:s20+s2] =	stream.strided.scatter [tilespmem:s10], [sflag:$0xF], $0xC80, s4, s2, $0x38;
	[tilespmem:$0x13000] =	vst v63  }
0x138: {  	s25 =	simm.s32 $0x10A80;
	s24 =	rddreg [dreg:$0x18]  }
0x139: {  	[hbm4b:s24+s2] =	stream.strided.scatter [tilespmem:s25], [sflag:$0xF], $0xC80, s4, s2, $0x38;
	[tilespmem:$0x13000] =	vst v63  }
0x13a: {  	_ =	swait.ge [sflag:s11], $0x1900  }
0x13b: {  	[sflag:s11] =	ssyncset.done $0x0  }
0x13c: {  	s26 =	rddreg [dreg:$0x19];
	[sflag:s11] =	ssyncadd.s32 $0xFFFFE700  }
0x13d: {  	[hbm4b:s26+s2] =	stream.strided.scatter [tilespmem:s13], [sflag:$0x10], $0xC80, s4, s2, $0x38;
	[tilespmem:$0x13000] =	vst v63  }
0x13e: {  	s29 =	simm.s32 $0x12380;
	s28 =	rddreg [dreg:$0x1a]  }
0x13f: {  	[hbm4b:s28+s2] =	stream.strided.scatter [tilespmem:s29], [sflag:$0x10], $0xC80, s4, s2, $0x38;
	[tilespmem:$0x13000] =	vst v63  }
0x140: {  	_ =	swait.ge [sflag:s6], $0xC80  }
0x141: {  	[sflag:s6] =	ssyncset.done $0x0  }
0x142: {  	[sflag:s6] =	ssyncadd.s32 $0xFFFFF380  }
0x143: {  	_ =	swait.ge [sflag:s6], $0xC80  }
0x144: {  	[sflag:s6] =	ssyncset.done $0x0  }
0x145: {  	[sflag:s6] =	ssyncadd.s32 $0xFFFFF380  }
0x146: {  	_ =	swait.ge [sflag:s9], $0xC80  }
0x147: {  	[sflag:s9] =	ssyncset.done $0x0  }
0x148: {  	[sflag:s9] =	ssyncadd.s32 $0xFFFFF380  }
0x149: {  	_ =	swait.ge [sflag:s9], $0xC80  }
0x14a: {  	[sflag:s9] =	ssyncset.done $0x0  }
0x14b: {  	[sflag:s9] =	ssyncadd.s32 $0xFFFFF380  }
0x14c: {  	_ =	swait.ge [sflag:s12], $0xC80  }
0x14d: {  	[sflag:s12] =	ssyncset.done $0x0  }
0x14e: {  	[sflag:s12] =	ssyncadd.s32 $0xFFFFF380  }
0x14f: {  	_ =	swait.ge [sflag:s12], $0xC80  }
0x150: {  	[sflag:s12] =	ssyncset.done $0x0  }
0x151: {  	[sflag:s12] =	ssyncadd.s32 $0xFFFFF380  }
0x152: {  	_ =	swait.ge [sflag:s15], $0xC80  }
0x153: {  	[sflag:s15] =	ssyncset.done $0x0  }
0x154: {  	[sflag:s15] =	ssyncadd.s32 $0xFFFFF380  }
0x155: {  	_ =	swait.ge [sflag:s15], $0xC80  }
0x156: {  	[sflag:s15] =	ssyncset.done $0x0  }
0x157: {  	[sflag:s15] =	ssyncadd.s32 $0xFFFFF380  }
0x158: {  	_ =	swait.ge [sflag:s18], $0xC80  }
0x159: {  	[sflag:s18] =	ssyncset.done $0x0  }
0x15a: {  	[sflag:s18] =	ssyncadd.s32 $0xFFFFF380  }
0x15b: {  	_ =	swait.ge [sflag:s18], $0xC80  }
0x15c: {  	[sflag:s18] =	ssyncset.done $0x0  }
0x15d: {  	[sflag:s18] =	ssyncadd.s32 $0xFFFFF380  }
0x15e: {  	_ =	swait.ge [sflag:s21], $0xC80  }
0x15f: {  	[sflag:s21] =	ssyncset.done $0x0  }
0x160: {  	[sflag:s21] =	ssyncadd.s32 $0xFFFFF380  }
0x161: {  	_ =	swait.ge [sflag:s21], $0xC80  }
0x162: {  	[sflag:s21] =	ssyncset.done $0x0  }
0x163: {  	[sflag:s21] =	ssyncadd.s32 $0xFFFFF380  }
0x164: {  	_ =	swait.ge [sflag:s8], $0xC80  }
0x165: {  	[sflag:s8] =	ssyncset.done $0x0  }
0x166: {  	[sflag:s8] =	ssyncadd.s32 $0xFFFFF380  }
0x167: {  	_ =	swait.ge [sflag:s8], $0xC80  }
0x168: {  	[sflag:s8] =	ssyncset.done $0x0  }
0x169: {  	[sflag:s8] =	ssyncadd.s32 $0xFFFFF380  }
0x16a: {  	_ =	swait.ge [sflag:s17], $0xC80  }
0x16b: {  	[sflag:s17] =	ssyncset.done $0x0  }
0x16c: {  	[sflag:s17] =	ssyncadd.s32 $0xFFFFF380  }
0x16d: {  	_ =	swait.ge [sflag:s17], $0xC80  }
0x16e: {  	s30 =	rddreg [dreg:$0x1c]  }
0x16f: {  	s31 =	rddreg [dreg:$0x1b];
	s0 =	sadd.s32 $0x1, s30  }
0x170: {  	p0 =	sne.s32 s0, s31  }
.Ltmp1:
0x171: {  	_ = 	snop;
	(pc) =	sbr.rel @p0 .LBB2_1-.Ltmp1, $3  }
0x172: {  	_ =	sdelay $0x1  }
0x173: {  	[sflag:s17] =	ssyncset.done $0x0  }
0x174: {  	[sflag:s17] =	ssyncadd.s32 $0xFFFFF380  }
0x175: {  	_ =	sfence.sel $0x180000  }
0x176: {  	[bflag:$0x0] =	sbarrier.arrive $0xFFFF  }
0x177: {  	_ =	strace $0x90000047  }
0x178: {  	s0 =	stileid.u32;
	[bflag:$0x2] =	sbarrier.arrive $0xFFFF  }
0x179: {  	p0 =	sne.s32 s0, $0x0;
	s0 =	rddreg [dreg:$0x2]  }
0x17a: {  	s0 =	sadd.s32 @!p0 $0x100000, s0  }
0x17b: {  	[sflag:s0] =	ssyncadd.tile.s32 @!p0 $0x1;
	_ =	shalt  }
.Lfunc_end2:
_tile_overlayer_lowered:
.L_overlay_start_2:
0x17c: {  	(tag) =	ssettag $0x2  }
0x17d: {  	s0 =	rddreg [dreg:$0x0];
	s2 =	stileid.u32  }
0x17e: {  	s1 =	rddreg [dreg:$0x1];
	p0 =	sne.s32 s2, $0x0  }
0x17f: {  	s3 =	rddreg [dreg:$0x2];
	[bflag:$0x3] =	sbarrier.arrive $0xFFFF;
	s2 =	simm.s32 @!p0 $0x1C11  }
0x180: {  	[timem:s3], [sflag:s2] =	dma.local @!p0 [hbm:s0], s1  }
0x181: {  	s0 =	simm.s32 @!p0 $0x11  }
0x182: {  	_ =	swait.ge @!p0 [sflag:s0], s1  }
0x183: {  	s1 =	ssub.s32 @!p0 $0x0, s1;
	[sflag:s0] =	ssyncset.done @!p0 $0x0  }
0x184: {  	[sflag:s0] =	ssyncadd.s32 @!p0 s1  }
0x185: {  	[bflag:$0x3] =	sbarrier.arrive $0xFFFF  }
0x186: {  	_ =	shalt  }

</sc_bundles>
